<compile_context>
chip_gen: v7x
topology: tpu7x:2x2x1
jax: 0.10.2.dev20260603
libtpu: 0.0.44.dev20260713+nightly
codegen_flags: <defaults>
</compile_context>

<pallas_src>
import functools

import jax
import jax.numpy as jnp
from jax import lax
from jax.experimental import pallas as pl
from jax.experimental.pallas import tpu as pltpu
from jax.experimental.pallas import tpu_sc as plsc

N = 10000
NP = 10008
E = 320000
D = 128
NC, NS = 2, 16
NW = NC * NS
K = 128
KR = 125
CH = 80
NCH = NW * CH
E2 = NCH * K
RA = 632
RB = NP - (NS - 1) * RA

_mesh = plsc.VectorSubcoreMesh(core_axis_name="c", subcore_axis_name="s")


def _part_copy(src_ref, dst_ref, s, src_off, dst_off):
    r0 = pl.multiple_of(s * RA, 8)

    @pl.when(s < NS - 1)
    def _():
        pltpu.sync_copy(src_ref.at[pl.ds(pl.multiple_of(src_off + r0, 8), RA)],
                        dst_ref.at[pl.ds(pl.multiple_of(dst_off + r0, 8), RA)])

    @pl.when(s == NS - 1)
    def _():
        last = (NS - 1) * RA
        pltpu.sync_copy(src_ref.at[pl.ds(pl.multiple_of(src_off + last, 8), RB)],
                        dst_ref.at[pl.ds(pl.multiple_of(dst_off + last, 8), RB)])


@functools.partial(
    pl.kernel,
    mesh=_mesh,
    out_type=jax.ShapeDtypeStruct((NC * NP, 16), jnp.float32),
    scratch_types=[
        pltpu.VMEM((K, 16), jnp.float32),
        pltpu.VMEM((CH, K), jnp.int32),
        pltpu.VMEM_SHARED((NP, 16), jnp.float32),
    ],
)
def _deg(dst2_hbm, ones_hbm, zeros16_hbm, degw_out, ones_v, didx_v, deg_sh):
    c = lax.axis_index("c")
    s = lax.axis_index("s")
    wid = s * NC + c
    _part_copy(zeros16_hbm, deg_sh, s, 0, 0)
    pltpu.sync_copy(ones_hbm, ones_v)
    pltpu.sync_copy(dst2_hbm.at[pl.ds(wid * CH, CH)], didx_v)
    plsc.subcore_barrier()

    def body(g, carry):
        pltpu.sync_copy(ones_v, deg_sh.at[didx_v.at[g]], add=True)
        return carry

    lax.fori_loop(0, CH, body, 0)
    plsc.subcore_barrier()
    _part_copy(deg_sh, degw_out, s, 0, c * NP)


@functools.partial(
    pl.kernel,
    mesh=_mesh,
    out_type=jax.ShapeDtypeStruct((NC * NP, D), jnp.float32),
    scratch_types=[
        pltpu.VMEM((CH // 2, K), jnp.int32),
        pltpu.VMEM((CH // 2, K), jnp.int32),
        pltpu.VMEM((K, D), jnp.float32),
        pltpu.VMEM((K, D), jnp.float32),
        pltpu.VMEM_SHARED((NP, D), jnp.float32),
        pltpu.SemaphoreType.DMA,
        pltpu.SemaphoreType.DMA,
    ],
)
def _agg(y_hbm, src2_hbm, dst2_hbm, zeros_hbm, z_out,
         sidx_v, didx_v, rows0_v, rows1_v, z_sh, sem0, sem1):
    c = lax.axis_index("c")
    s = lax.axis_index("s")
    wid = s * NC + c
    cb = wid * CH
    PH = CH // 2
    _part_copy(zeros_hbm, z_sh, s, 0, 0)
    plsc.subcore_barrier()

    def fire(g, rbuf, sem):
        pltpu.async_copy(y_hbm.at[sidx_v.at[g]], rbuf, sem)

    def wait(g, rbuf, sem):
        pltpu.make_async_copy(y_hbm.at[sidx_v.at[g]], rbuf, sem).wait()

    def scat(g, rbuf):
        pltpu.sync_copy(rbuf, z_sh.at[didx_v.at[g]], add=True)

    def body(g2, carry):
        g = 2 * g2
        fire(g + 1, rows1_v, sem1)
        wait(g, rows0_v, sem0)
        scat(g, rows0_v)

        @pl.when(g2 < PH // 2 - 1)
        def _():
            fire(g + 2, rows0_v, sem0)

        wait(g + 1, rows1_v, sem1)
        scat(g + 1, rows1_v)
        return carry

    for p in range(2):
        pltpu.sync_copy(src2_hbm.at[pl.ds(cb + p * PH, PH)], sidx_v)
        pltpu.sync_copy(dst2_hbm.at[pl.ds(cb + p * PH, PH)], didx_v)
        fire(0, rows0_v, sem0)
        lax.fori_loop(0, PH // 2, body, 0)
    plsc.subcore_barrier()
    _part_copy(z_sh, z_out, s, 0, c * NP)


B = 1112
GRID = NP // B


def _pre_body(x_ref, w_ref, d0_ref, d1_ref, y_ref, dv_ref):
    deg = d0_ref[:, 0:1] + d1_ref[:, 0:1] + 1.0
    dv = jnp.broadcast_to(lax.rsqrt(deg), (B, D))
    dv_ref[...] = dv
    y_ref[...] = jnp.dot(x_ref[...], w_ref[...],
                         preferred_element_type=jnp.float32) * dv


def _mid_body(z0_ref, z1_ref, y_ref, dv_ref, b_ref, w_ref, o_ref):
    dv = dv_ref[...]
    agg = (z0_ref[...] + z1_ref[...] + y_ref[...]) * dv + b_ref[...]
    h = jnp.maximum(agg, 0.0)
    o_ref[...] = jnp.dot(h, w_ref[...], preferred_element_type=jnp.float32) * dv


def _fin_body(z0_ref, z1_ref, y_ref, dv_ref, b_ref, o_ref):
    o_ref[...] = ((z0_ref[...] + z1_ref[...] + y_ref[...]) * dv_ref[...]
                  + b_ref[...])


_row = pl.BlockSpec((B, D), lambda i: (i, 0))
_row0 = pl.BlockSpec((B, D), lambda i: (i, 0))
_row1 = pl.BlockSpec((B, D), lambda i: (i + GRID, 0))
_w = pl.BlockSpec((D, D), lambda i: (0, 0))
_bvec = pl.BlockSpec((1, D), lambda i: (0, 0))
_d0 = pl.BlockSpec((B, 16), lambda i: (i, 0))
_d1 = pl.BlockSpec((B, 16), lambda i: (i + GRID, 0))

_pre = pl.pallas_call(
    _pre_body, grid=(GRID,),
    in_specs=[_row, _w, _d0, _d1],
    out_specs=[_row, _row],
    out_shape=[jax.ShapeDtypeStruct((NP, D), jnp.float32),
               jax.ShapeDtypeStruct((NP, D), jnp.float32)],
)

_mid = pl.pallas_call(
    _mid_body, grid=(GRID,),
    in_specs=[_row0, _row1, _row, _row, _bvec, _w],
    out_specs=_row,
    out_shape=jax.ShapeDtypeStruct((NP, D), jnp.float32),
)

_fin = pl.pallas_call(
    _fin_body, grid=(GRID,),
    in_specs=[_row0, _row1, _row, _row, _bvec],
    out_specs=_row,
    out_shape=jax.ShapeDtypeStruct((NP, D), jnp.float32),
)


def kernel(x, edge_index, W0, b0, W1, b1, WF, bF):
    dummy = (N + (jnp.arange(NCH * (K - KR), dtype=jnp.int32)
                  % (NP - N))).reshape(NCH, K - KR)
    src2 = jnp.concatenate(
        [edge_index[0].astype(jnp.int32).reshape(NCH, KR), dummy], axis=1)
    dst2 = jnp.concatenate(
        [edge_index[1].astype(jnp.int32).reshape(NCH, KR), dummy], axis=1)
    xp = jnp.concatenate([x, jnp.zeros((NP - N, D), jnp.float32)])
    ones16 = jnp.ones((K, 16), jnp.float32)
    zeros16 = jnp.zeros((NP, 16), jnp.float32)
    zeros = jnp.zeros((NP, D), jnp.float32)

    degw = _deg(dst2, ones16, zeros16)
    y0, dv = _pre(xp, W0, degw, degw)
    zz = _agg(y0, src2, dst2, zeros)
    y1 = _mid(zz, zz, y0, dv, b0.reshape(1, D), W1)
    zz = _agg(y1, src2, dst2, zeros)
    y2 = _mid(zz, zz, y1, dv, b1.reshape(1, D), WF)
    zz = _agg(y2, src2, dst2, zeros)
    return _fin(zz, zz, y2, dv, bF.reshape(1, D))[:N]

# --- scband reference (transcript-rebuilt; emitter-appended) ---
"""Pipeline reference for scband-gcn-89962384982701 (READ-ONLY COPY).

The authoritative reference and input builder live on the scoring server;
editing this copy changes nothing except your own understanding.
"""

import jax, jax.numpy as jnp
import numpy as np

N_NODES = 10000
N_EDGES = 320000
D = 128


def gcn_conv(x, edge_index, W, b, num_nodes):
    src = edge_index[0]
    dst = edge_index[1]
    # add self-loops (GCNConv default add_self_loops=True)
    loop = jnp.arange(num_nodes, dtype=edge_index.dtype)
    src = jnp.concatenate([src, loop])
    dst = jnp.concatenate([dst, loop])
    xw = x @ W
    # symmetric normalization: deg computed on dst (col) with self-loops
    deg = jnp.zeros((num_nodes,), dtype=x.dtype).at[dst].add(1.0)
    dinv = jnp.where(deg > 0, deg ** -0.5, 0.0)
    norm = dinv[src] * dinv[dst]
    msg = xw[src] * norm[:, None]
    out = jax.ops.segment_sum(msg, dst, num_segments=num_nodes)
    return out + b


def setup_inputs(seed: int = 0) -> dict:
    key = jax.random.key(seed)
    ks = jax.random.split(key, 8)
    x = jax.random.normal(ks[0], (N_NODES, D), dtype=jnp.float32)
    edge_index = jax.random.randint(ks[1], (2, N_EDGES), 0, N_NODES, dtype=jnp.int64)
    s = 1.0 / np.sqrt(D)
    W0 = jax.random.uniform(ks[2], (D, D), dtype=jnp.float32, minval=-s, maxval=s)
    b0 = jnp.zeros((D,), dtype=jnp.float32)
    W1 = jax.random.uniform(ks[3], (D, D), dtype=jnp.float32, minval=-s, maxval=s)
    b1 = jnp.zeros((D,), dtype=jnp.float32)
    WF = jax.random.uniform(ks[4], (D, D), dtype=jnp.float32, minval=-s, maxval=s)
    bF = jnp.zeros((D,), dtype=jnp.float32)
    return {"x": x, "edge_index": edge_index, "W0": W0, "b0": b0, "W1": W1, "b1": b1, "WF": WF, "bF": bF}


def reference(x, edge_index, W0, b0, W1, b1, WF, bF):
    n = x.shape[0]
    h = gcn_conv(x, edge_index, W0, b0, n)
    h = jax.nn.relu(h)
    h = gcn_conv(h, edge_index, W1, b1, n)
    h = jax.nn.relu(h)
    z = gcn_conv(h, edge_index, WF, bF, n)
    return z

if __name__ == "__main__":
    import jax
    _d = setup_inputs()
    print(jax.jit(kernel)(*tuple(_d.values())))

</pallas_src>

<mosaic_0001>
#map = affine_map<(d0, d1) -> (0, 0)>
module attributes {stable_mosaic.version = 14 : i64} {
  func.func @_agg(%arg0: i32, %arg1: i32, %arg2: memref<10008x128xf32, #tpu.memory_space<hbm>>, %arg3: memref<2560x128xi32, #tpu.memory_space<hbm>>, %arg4: memref<2560x128xi32, #tpu.memory_space<hbm>>, %arg5: memref<10008x128xf32, #tpu.memory_space<hbm>>, %arg6: memref<20016x128xf32, #tpu.memory_space<hbm>>, %arg7: memref<40x128xi32, #tpu.memory_space<vmem>>, %arg8: memref<40x128xi32, #tpu.memory_space<vmem>>, %arg9: memref<128x128xf32, #tpu.memory_space<vmem>>, %arg10: memref<128x128xf32, #tpu.memory_space<vmem>>, %arg11: memref<10008x128xf32, #tpu.memory_space<vmem_shared>>, %arg12: memref<!tpu.dma_semaphore, #tpu.memory_space<semaphore_mem>>, %arg13: memref<!tpu.dma_semaphore, #tpu.memory_space<semaphore_mem>>) attributes {dimension_semantics = [#tpu.dimension_semantics<core_parallel>, #tpu.dimension_semantics<subcore_parallel>], iteration_bounds = array<i64: 2, 16>, scalar_prefetch = 0 : i64, scratch_operands = 7 : i64, tpu.core_type = #tpu.core_type<sc_vector_subcore>, window_params = [{transform_indices = #map}, {transform_indices = #map}, {transform_indices = #map}, {transform_indices = #map}, {transform_indices = #map}]} {
    %mul3A = arith.constant 2 : i32
    %mul3A_0 = arith.muli %arg1, %mul3A : i32
    %add3A = arith.addi %mul3A_0, %arg0 : i32
    %mul3A_1 = arith.constant 80 : i32
    %mul3A_2 = arith.muli %add3A, %mul3A_1 : i32
    %mul3A_3 = arith.constant 632 : i32
    %mul3A_4 = arith.muli %arg1, %mul3A_3 : i32
    %multiple_of3A = tpu.assume_multiple %mul3A_4, 8 : i32
    %lt3A = arith.constant 15 : i32
    %lt3A_5 = arith.cmpi slt, %arg1, %lt3A : i32
    %convert_element_type3A = arith.extui %lt3A_5 : i1 to i32
    %cond3A = arith.constant 0 : i32
    %cond3A_6 = arith.cmpi ne, %convert_element_type3A, %cond3A : i32
    scf.if %cond3A_6 {
      %add3A_59 = arith.constant 0 : i32
      %add3A_60 = arith.addi %add3A_59, %multiple_of3A : i32
      %multiple_of3A_61 = tpu.assume_multiple %add3A_60, 8 : i32
      %add3A_62 = arith.constant 0 : i32
      %add3A_63 = arith.addi %add3A_62, %multiple_of3A : i32
      %multiple_of3A_64 = tpu.assume_multiple %add3A_63, 8 : i32
      "tpu.region"() ({
        %run_scoped3A = tpu.sem_alloc : memref<!tpu.dma_semaphore, #tpu.memory_space<semaphore_mem>>
        %dma_start3A_65 = arith.constant 0 : i32
        %dma_start3A_66 = tpu.memref_slice %arg11[%multiple_of3A_64, %dma_start3A_65] : memref<10008x128xf32, #tpu.memory_space<vmem_shared>> -> memref<632x128xf32, #tpu.memory_space<vmem_shared>>
        %dma_start3A_67 = arith.constant 0 : i32
        %dma_start3A_68 = tpu.memref_slice %arg5[%multiple_of3A_61, %dma_start3A_67] : memref<10008x128xf32, #tpu.memory_space<hbm>> -> memref<632x128xf32, #tpu.memory_space<hbm>>
        tpu.enqueue_dma source(%dma_start3A_68 : memref<632x128xf32, #tpu.memory_space<hbm>>) target(%dma_start3A_66 : memref<632x128xf32, #tpu.memory_space<vmem_shared>>) target_semaphore(%run_scoped3A : memref<!tpu.dma_semaphore, #tpu.memory_space<semaphore_mem>>)
        %dma_wait3A = arith.constant 0 : i32
        %dma_wait3A_69 = tpu.memref_slice %arg11[%multiple_of3A_64, %dma_wait3A] : memref<10008x128xf32, #tpu.memory_space<vmem_shared>> -> memref<632x128xf32, #tpu.memory_space<vmem_shared>>
        %dma_wait3A_70 = arith.constant 0 : i32
        %dma_wait3A_71 = tpu.memref_slice %arg5[%multiple_of3A_61, %dma_wait3A_70] : memref<10008x128xf32, #tpu.memory_space<hbm>> -> memref<632x128xf32, #tpu.memory_space<hbm>>
        tpu.wait_dma2 semaphore(%run_scoped3A : memref<!tpu.dma_semaphore, #tpu.memory_space<semaphore_mem>>) src(%dma_wait3A_71 : memref<632x128xf32, #tpu.memory_space<hbm>>) dst(%dma_wait3A_69 : memref<632x128xf32, #tpu.memory_space<vmem_shared>>)
        tpu.yield
      }) : () -> ()
    } else {
    }
    %eq3A = arith.constant 15 : i32
    %eq3A_7 = arith.cmpi eq, %arg1, %eq3A : i32
    %convert_element_type3A_8 = arith.extui %eq3A_7 : i1 to i32
    %cond3A_9 = arith.constant 0 : i32
    %cond3A_10 = arith.cmpi ne, %convert_element_type3A_8, %cond3A_9 : i32
    scf.if %cond3A_10 {
      %multiple_of3A_59 = arith.constant 9480 : i32
      %multiple_of3A_60 = tpu.assume_multiple %multiple_of3A_59, 8 : i32
      %multiple_of3A_61 = arith.constant 9480 : i32
      %multiple_of3A_62 = tpu.assume_multiple %multiple_of3A_61, 8 : i32
      "tpu.region"() ({
        %run_scoped3A = tpu.sem_alloc : memref<!tpu.dma_semaphore, #tpu.memory_space<semaphore_mem>>
        %dma_start3A_63 = arith.constant 0 : i32
        %dma_start3A_64 = tpu.memref_slice %arg11[%multiple_of3A_62, %dma_start3A_63] : memref<10008x128xf32, #tpu.memory_space<vmem_shared>> -> memref<528x128xf32, #tpu.memory_space<vmem_shared>>
        %dma_start3A_65 = arith.constant 0 : i32
        %dma_start3A_66 = tpu.memref_slice %arg5[%multiple_of3A_60, %dma_start3A_65] : memref<10008x128xf32, #tpu.memory_space<hbm>> -> memref<528x128xf32, #tpu.memory_space<hbm>>
        tpu.enqueue_dma source(%dma_start3A_66 : memref<528x128xf32, #tpu.memory_space<hbm>>) target(%dma_start3A_64 : memref<528x128xf32, #tpu.memory_space<vmem_shared>>) target_semaphore(%run_scoped3A : memref<!tpu.dma_semaphore, #tpu.memory_space<semaphore_mem>>)
        %dma_wait3A = arith.constant 0 : i32
        %dma_wait3A_67 = tpu.memref_slice %arg11[%multiple_of3A_62, %dma_wait3A] : memref<10008x128xf32, #tpu.memory_space<vmem_shared>> -> memref<528x128xf32, #tpu.memory_space<vmem_shared>>
        %dma_wait3A_68 = arith.constant 0 : i32
        %dma_wait3A_69 = tpu.memref_slice %arg5[%multiple_of3A_60, %dma_wait3A_68] : memref<10008x128xf32, #tpu.memory_space<hbm>> -> memref<528x128xf32, #tpu.memory_space<hbm>>
        tpu.wait_dma2 semaphore(%run_scoped3A : memref<!tpu.dma_semaphore, #tpu.memory_space<semaphore_mem>>) src(%dma_wait3A_69 : memref<528x128xf32, #tpu.memory_space<hbm>>) dst(%dma_wait3A_67 : memref<528x128xf32, #tpu.memory_space<vmem_shared>>)
        tpu.yield
      }) : () -> ()
    } else {
    }
    %barrier3A = arith.constant 0 : index
    tpu.barrier barrier_id(%barrier3A)
    %add3A_11 = arith.constant 0 : i32
    %add3A_12 = arith.addi %mul3A_2, %add3A_11 : i32
    "tpu.region"() ({
      %run_scoped3A = tpu.sem_alloc : memref<!tpu.dma_semaphore, #tpu.memory_space<semaphore_mem>>
      %dma_start3A_59 = arith.constant 0 : i32
      %dma_start3A_60 = tpu.memref_slice %arg3[%add3A_12, %dma_start3A_59] : memref<2560x128xi32, #tpu.memory_space<hbm>> -> memref<40x128xi32, #tpu.memory_space<hbm>>
      %dma_start3A_61 = arith.constant 0 : i32
      %dma_start3A_62 = tpu.memref_slice %arg3[%add3A_12, %dma_start3A_61] : memref<2560x128xi32, #tpu.memory_space<hbm>> -> memref<40x128xi32, #tpu.memory_space<hbm>>
      tpu.enqueue_dma source(%dma_start3A_62 : memref<40x128xi32, #tpu.memory_space<hbm>>) target(%arg7 : memref<40x128xi32, #tpu.memory_space<vmem>>) target_semaphore(%run_scoped3A : memref<!tpu.dma_semaphore, #tpu.memory_space<semaphore_mem>>)
      %dma_wait3A = arith.constant 0 : i32
      %dma_wait3A_63 = tpu.memref_slice %arg3[%add3A_12, %dma_wait3A] : memref<2560x128xi32, #tpu.memory_space<hbm>> -> memref<40x128xi32, #tpu.memory_space<hbm>>
      %dma_wait3A_64 = arith.constant 0 : i32
      %dma_wait3A_65 = tpu.memref_slice %arg3[%add3A_12, %dma_wait3A_64] : memref<2560x128xi32, #tpu.memory_space<hbm>> -> memref<40x128xi32, #tpu.memory_space<hbm>>
      tpu.wait_dma2 semaphore(%run_scoped3A : memref<!tpu.dma_semaphore, #tpu.memory_space<semaphore_mem>>) src(%dma_wait3A_65 : memref<40x128xi32, #tpu.memory_space<hbm>>) dst(%arg7 : memref<40x128xi32, #tpu.memory_space<vmem>>)
      tpu.yield
    }) : () -> ()
    %add3A_13 = arith.constant 0 : i32
    %add3A_14 = arith.addi %mul3A_2, %add3A_13 : i32
    "tpu.region"() ({
      %run_scoped3A = tpu.sem_alloc : memref<!tpu.dma_semaphore, #tpu.memory_space<semaphore_mem>>
      %dma_start3A_59 = arith.constant 0 : i32
      %dma_start3A_60 = tpu.memref_slice %arg4[%add3A_14, %dma_start3A_59] : memref<2560x128xi32, #tpu.memory_space<hbm>> -> memref<40x128xi32, #tpu.memory_space<hbm>>
      %dma_start3A_61 = arith.constant 0 : i32
      %dma_start3A_62 = tpu.memref_slice %arg4[%add3A_14, %dma_start3A_61] : memref<2560x128xi32, #tpu.memory_space<hbm>> -> memref<40x128xi32, #tpu.memory_space<hbm>>
      tpu.enqueue_dma source(%dma_start3A_62 : memref<40x128xi32, #tpu.memory_space<hbm>>) target(%arg8 : memref<40x128xi32, #tpu.memory_space<vmem>>) target_semaphore(%run_scoped3A : memref<!tpu.dma_semaphore, #tpu.memory_space<semaphore_mem>>)
      %dma_wait3A = arith.constant 0 : i32
      %dma_wait3A_63 = tpu.memref_slice %arg4[%add3A_14, %dma_wait3A] : memref<2560x128xi32, #tpu.memory_space<hbm>> -> memref<40x128xi32, #tpu.memory_space<hbm>>
      %dma_wait3A_64 = arith.constant 0 : i32
      %dma_wait3A_65 = tpu.memref_slice %arg4[%add3A_14, %dma_wait3A_64] : memref<2560x128xi32, #tpu.memory_space<hbm>> -> memref<40x128xi32, #tpu.memory_space<hbm>>
      tpu.wait_dma2 semaphore(%run_scoped3A : memref<!tpu.dma_semaphore, #tpu.memory_space<semaphore_mem>>) src(%dma_wait3A_65 : memref<40x128xi32, #tpu.memory_space<hbm>>) dst(%arg8 : memref<40x128xi32, #tpu.memory_space<vmem>>)
      tpu.yield
    }) : () -> ()
    %dma_start3A = arith.constant 0 : i32
    %dma_start3A_15 = arith.constant 0 : i32
    %dma_start3A_16 = tpu.memref_slice %arg7[%dma_start3A, %dma_start3A_15] : memref<40x128xi32, #tpu.memory_space<vmem>> -> memref<1x128xi32, #tpu.memory_space<vmem>>
    %dma_start3A_17 = tpu.memref_squeeze %dma_start3A_16 : memref<1x128xi32, #tpu.memory_space<vmem>> -> memref<128xi32, #tpu.memory_space<vmem>>
    %dma_start3A_18 = arith.constant 0 : i32
    %dma_start3A_19 = arith.constant 0 : i32
    %dma_start3A_20 = tpu.memref_slice %arg2[%dma_start3A_18, %dma_start3A_19] : memref<10008x128xf32, #tpu.memory_space<hbm>> -> memref<10008x128xf32, #tpu.memory_space<hbm>>
    tpu.enqueue_indirect_dma source(%dma_start3A_20 : memref<10008x128xf32, #tpu.memory_space<hbm>>) target(%arg9 : memref<128x128xf32, #tpu.memory_space<vmem>>) offsets(%dma_start3A_17 : memref<128xi32, #tpu.memory_space<vmem>>) semaphore(%arg12 : memref<!tpu.dma_semaphore, #tpu.memory_space<semaphore_mem>>)
    %scan3A = arith.constant 0 : i32
    %scan3A_21 = arith.constant 0 : i32
    %scan3A_22 = arith.constant 20 : i32
    %scan3A_23 = arith.addi %scan3A_21, %scan3A_22 : i32
    %scan3A_24 = arith.constant 1 : i32
    scf.for %scan3A_59 = %scan3A_21 to %scan3A_23 step %scan3A_24  : i32 {
      %mul3A_60 = arith.constant 2 : i32
      %mul3A_61 = arith.muli %mul3A_60, %scan3A_59 : i32
      %add3A_62 = arith.constant 1 : i32
      %add3A_63 = arith.addi %mul3A_61, %add3A_62 : i32
      %dma_start3A_64 = arith.constant 0 : i32
      %dma_start3A_65 = tpu.memref_slice %arg7[%add3A_63, %dma_start3A_64] : memref<40x128xi32, #tpu.memory_space<vmem>> -> memref<1x128xi32, #tpu.memory_space<vmem>>
      %dma_start3A_66 = tpu.memref_squeeze %dma_start3A_65 : memref<1x128xi32, #tpu.memory_space<vmem>> -> memref<128xi32, #tpu.memory_space<vmem>>
      %dma_start3A_67 = arith.constant 0 : i32
      %dma_start3A_68 = arith.constant 0 : i32
      %dma_start3A_69 = tpu.memref_slice %arg2[%dma_start3A_67, %dma_start3A_68] : memref<10008x128xf32, #tpu.memory_space<hbm>> -> memref<10008x128xf32, #tpu.memory_space<hbm>>
      tpu.enqueue_indirect_dma source(%dma_start3A_69 : memref<10008x128xf32, #tpu.memory_space<hbm>>) target(%arg10 : memref<128x128xf32, #tpu.memory_space<vmem>>) offsets(%dma_start3A_66 : memref<128xi32, #tpu.memory_space<vmem>>) semaphore(%arg13 : memref<!tpu.dma_semaphore, #tpu.memory_space<semaphore_mem>>)
      %dma_wait3A = arith.constant 0 : i32
      %dma_wait3A_70 = tpu.memref_slice %arg7[%mul3A_61, %dma_wait3A] : memref<40x128xi32, #tpu.memory_space<vmem>> -> memref<1x128xi32, #tpu.memory_space<vmem>>
      %dma_wait3A_71 = tpu.memref_squeeze %dma_wait3A_70 : memref<1x128xi32, #tpu.memory_space<vmem>> -> memref<128xi32, #tpu.memory_space<vmem>>
      %dma_wait3A_72 = arith.constant 0 : i32
      %dma_wait3A_73 = arith.constant 0 : i32
      %dma_wait3A_74 = tpu.memref_slice %arg2[%dma_wait3A_72, %dma_wait3A_73] : memref<10008x128xf32, #tpu.memory_space<hbm>> -> memref<10008x128xf32, #tpu.memory_space<hbm>>
      tpu.wait_indirect_dma semaphore(%arg12 : memref<!tpu.dma_semaphore, #tpu.memory_space<semaphore_mem>>) src(%dma_wait3A_74 : memref<10008x128xf32, #tpu.memory_space<hbm>>) dst(%arg9 : memref<128x128xf32, #tpu.memory_space<vmem>>)
      "tpu.region"() ({
        %run_scoped3A = tpu.sem_alloc : memref<!tpu.dma_semaphore, #tpu.memory_space<semaphore_mem>>
        %dma_start3A_90 = arith.constant 0 : i32
        %dma_start3A_91 = tpu.memref_slice %arg8[%mul3A_61, %dma_start3A_90] : memref<40x128xi32, #tpu.memory_space<vmem>> -> memref<1x128xi32, #tpu.memory_space<vmem>>
        %dma_start3A_92 = tpu.memref_squeeze %dma_start3A_91 : memref<1x128xi32, #tpu.memory_space<vmem>> -> memref<128xi32, #tpu.memory_space<vmem>>
        %dma_start3A_93 = arith.constant 0 : i32
        %dma_start3A_94 = arith.constant 0 : i32
        %dma_start3A_95 = tpu.memref_slice %arg11[%dma_start3A_93, %dma_start3A_94] : memref<10008x128xf32, #tpu.memory_space<vmem_shared>> -> memref<10008x128xf32, #tpu.memory_space<vmem_shared>>
        tpu.enqueue_indirect_dma source(%arg9 : memref<128x128xf32, #tpu.memory_space<vmem>>) target(%dma_start3A_95 : memref<10008x128xf32, #tpu.memory_space<vmem_shared>>) offsets(%dma_start3A_92 : memref<128xi32, #tpu.memory_space<vmem>>) semaphore(%run_scoped3A : memref<!tpu.dma_semaphore, #tpu.memory_space<semaphore_mem>>) {add = true}
        %dma_wait3A_96 = arith.constant 0 : i32
        %dma_wait3A_97 = tpu.memref_slice %arg8[%mul3A_61, %dma_wait3A_96] : memref<40x128xi32, #tpu.memory_space<vmem>> -> memref<1x128xi32, #tpu.memory_space<vmem>>
        %dma_wait3A_98 = tpu.memref_squeeze %dma_wait3A_97 : memref<1x128xi32, #tpu.memory_space<vmem>> -> memref<128xi32, #tpu.memory_space<vmem>>
        %dma_wait3A_99 = arith.constant 0 : i32
        %dma_wait3A_100 = arith.constant 0 : i32
        %dma_wait3A_101 = tpu.memref_slice %arg11[%dma_wait3A_99, %dma_wait3A_100] : memref<10008x128xf32, #tpu.memory_space<vmem_shared>> -> memref<10008x128xf32, #tpu.memory_space<vmem_shared>>
        tpu.wait_indirect_dma semaphore(%run_scoped3A : memref<!tpu.dma_semaphore, #tpu.memory_space<semaphore_mem>>) src(%arg9 : memref<128x128xf32, #tpu.memory_space<vmem>>) dst(%dma_wait3A_101 : memref<10008x128xf32, #tpu.memory_space<vmem_shared>>)
        tpu.yield
      }) : () -> ()
      %lt3A_75 = arith.constant 19 : i32
      %lt3A_76 = arith.cmpi slt, %scan3A_59, %lt3A_75 : i32
      %convert_element_type3A_77 = arith.extui %lt3A_76 : i1 to i32
      %cond3A_78 = arith.constant 0 : i32
      %cond3A_79 = arith.cmpi ne, %convert_element_type3A_77, %cond3A_78 : i32
      scf.if %cond3A_79 {
        %add3A_90 = arith.constant 2 : i32
        %add3A_91 = arith.addi %mul3A_61, %add3A_90 : i32
        %dma_start3A_92 = arith.constant 0 : i32
        %dma_start3A_93 = tpu.memref_slice %arg7[%add3A_91, %dma_start3A_92] : memref<40x128xi32, #tpu.memory_space<vmem>> -> memref<1x128xi32, #tpu.memory_space<vmem>>
        %dma_start3A_94 = tpu.memref_squeeze %dma_start3A_93 : memref<1x128xi32, #tpu.memory_space<vmem>> -> memref<128xi32, #tpu.memory_space<vmem>>
        %dma_start3A_95 = arith.constant 0 : i32
        %dma_start3A_96 = arith.constant 0 : i32
        %dma_start3A_97 = tpu.memref_slice %arg2[%dma_start3A_95, %dma_start3A_96] : memref<10008x128xf32, #tpu.memory_space<hbm>> -> memref<10008x128xf32, #tpu.memory_space<hbm>>
        tpu.enqueue_indirect_dma source(%dma_start3A_97 : memref<10008x128xf32, #tpu.memory_space<hbm>>) target(%arg9 : memref<128x128xf32, #tpu.memory_space<vmem>>) offsets(%dma_start3A_94 : memref<128xi32, #tpu.memory_space<vmem>>) semaphore(%arg12 : memref<!tpu.dma_semaphore, #tpu.memory_space<semaphore_mem>>)
      } else {
      }
      %add3A_80 = arith.constant 1 : i32
      %add3A_81 = arith.addi %mul3A_61, %add3A_80 : i32
      %dma_wait3A_82 = arith.constant 0 : i32
      %dma_wait3A_83 = tpu.memref_slice %arg7[%add3A_81, %dma_wait3A_82] : memref<40x128xi32, #tpu.memory_space<vmem>> -> memref<1x128xi32, #tpu.memory_space<vmem>>
      %dma_wait3A_84 = tpu.memref_squeeze %dma_wait3A_83 : memref<1x128xi32, #tpu.memory_space<vmem>> -> memref<128xi32, #tpu.memory_space<vmem>>
      %dma_wait3A_85 = arith.constant 0 : i32
      %dma_wait3A_86 = arith.constant 0 : i32
      %dma_wait3A_87 = tpu.memref_slice %arg2[%dma_wait3A_85, %dma_wait3A_86] : memref<10008x128xf32, #tpu.memory_space<hbm>> -> memref<10008x128xf32, #tpu.memory_space<hbm>>
      tpu.wait_indirect_dma semaphore(%arg13 : memref<!tpu.dma_semaphore, #tpu.memory_space<semaphore_mem>>) src(%dma_wait3A_87 : memref<10008x128xf32, #tpu.memory_space<hbm>>) dst(%arg10 : memref<128x128xf32, #tpu.memory_space<vmem>>)
      %add3A_88 = arith.constant 1 : i32
      %add3A_89 = arith.addi %mul3A_61, %add3A_88 : i32
      "tpu.region"() ({
        %run_scoped3A = tpu.sem_alloc : memref<!tpu.dma_semaphore, #tpu.memory_space<semaphore_mem>>
        %dma_start3A_90 = arith.constant 0 : i32
        %dma_start3A_91 = tpu.memref_slice %arg8[%add3A_89, %dma_start3A_90] : memref<40x128xi32, #tpu.memory_space<vmem>> -> memref<1x128xi32, #tpu.memory_space<vmem>>
        %dma_start3A_92 = tpu.memref_squeeze %dma_start3A_91 : memref<1x128xi32, #tpu.memory_space<vmem>> -> memref<128xi32, #tpu.memory_space<vmem>>
        %dma_start3A_93 = arith.constant 0 : i32
        %dma_start3A_94 = arith.constant 0 : i32
        %dma_start3A_95 = tpu.memref_slice %arg11[%dma_start3A_93, %dma_start3A_94] : memref<10008x128xf32, #tpu.memory_space<vmem_shared>> -> memref<10008x128xf32, #tpu.memory_space<vmem_shared>>
        tpu.enqueue_indirect_dma source(%arg10 : memref<128x128xf32, #tpu.memory_space<vmem>>) target(%dma_start3A_95 : memref<10008x128xf32, #tpu.memory_space<vmem_shared>>) offsets(%dma_start3A_92 : memref<128xi32, #tpu.memory_space<vmem>>) semaphore(%run_scoped3A : memref<!tpu.dma_semaphore, #tpu.memory_space<semaphore_mem>>) {add = true}
        %dma_wait3A_96 = arith.constant 0 : i32
        %dma_wait3A_97 = tpu.memref_slice %arg8[%add3A_89, %dma_wait3A_96] : memref<40x128xi32, #tpu.memory_space<vmem>> -> memref<1x128xi32, #tpu.memory_space<vmem>>
        %dma_wait3A_98 = tpu.memref_squeeze %dma_wait3A_97 : memref<1x128xi32, #tpu.memory_space<vmem>> -> memref<128xi32, #tpu.memory_space<vmem>>
        %dma_wait3A_99 = arith.constant 0 : i32
        %dma_wait3A_100 = arith.constant 0 : i32
        %dma_wait3A_101 = tpu.memref_slice %arg11[%dma_wait3A_99, %dma_wait3A_100] : memref<10008x128xf32, #tpu.memory_space<vmem_shared>> -> memref<10008x128xf32, #tpu.memory_space<vmem_shared>>
        tpu.wait_indirect_dma semaphore(%run_scoped3A : memref<!tpu.dma_semaphore, #tpu.memory_space<semaphore_mem>>) src(%arg10 : memref<128x128xf32, #tpu.memory_space<vmem>>) dst(%dma_wait3A_101 : memref<10008x128xf32, #tpu.memory_space<vmem_shared>>)
        tpu.yield
      }) : () -> ()
    }
    %scan3A_25 = arith.constant 20 : i32
    %add3A_26 = arith.constant 40 : i32
    %add3A_27 = arith.addi %mul3A_2, %add3A_26 : i32
    "tpu.region"() ({
      %run_scoped3A = tpu.sem_alloc : memref<!tpu.dma_semaphore, #tpu.memory_space<semaphore_mem>>
      %dma_start3A_59 = arith.constant 0 : i32
      %dma_start3A_60 = tpu.memref_slice %arg3[%add3A_27, %dma_start3A_59] : memref<2560x128xi32, #tpu.memory_space<hbm>> -> memref<40x128xi32, #tpu.memory_space<hbm>>
      %dma_start3A_61 = arith.constant 0 : i32
      %dma_start3A_62 = tpu.memref_slice %arg3[%add3A_27, %dma_start3A_61] : memref<2560x128xi32, #tpu.memory_space<hbm>> -> memref<40x128xi32, #tpu.memory_space<hbm>>
      tpu.enqueue_dma source(%dma_start3A_62 : memref<40x128xi32, #tpu.memory_space<hbm>>) target(%arg7 : memref<40x128xi32, #tpu.memory_space<vmem>>) target_semaphore(%run_scoped3A : memref<!tpu.dma_semaphore, #tpu.memory_space<semaphore_mem>>)
      %dma_wait3A = arith.constant 0 : i32
      %dma_wait3A_63 = tpu.memref_slice %arg3[%add3A_27, %dma_wait3A] : memref<2560x128xi32, #tpu.memory_space<hbm>> -> memref<40x128xi32, #tpu.memory_space<hbm>>
      %dma_wait3A_64 = arith.constant 0 : i32
      %dma_wait3A_65 = tpu.memref_slice %arg3[%add3A_27, %dma_wait3A_64] : memref<2560x128xi32, #tpu.memory_space<hbm>> -> memref<40x128xi32, #tpu.memory_space<hbm>>
      tpu.wait_dma2 semaphore(%run_scoped3A : memref<!tpu.dma_semaphore, #tpu.memory_space<semaphore_mem>>) src(%dma_wait3A_65 : memref<40x128xi32, #tpu.memory_space<hbm>>) dst(%arg7 : memref<40x128xi32, #tpu.memory_space<vmem>>)
      tpu.yield
    }) : () -> ()
    %add3A_28 = arith.constant 40 : i32
    %add3A_29 = arith.addi %mul3A_2, %add3A_28 : i32
    "tpu.region"() ({
      %run_scoped3A = tpu.sem_alloc : memref<!tpu.dma_semaphore, #tpu.memory_space<semaphore_mem>>
      %dma_start3A_59 = arith.constant 0 : i32
      %dma_start3A_60 = tpu.memref_slice %arg4[%add3A_29, %dma_start3A_59] : memref<2560x128xi32, #tpu.memory_space<hbm>> -> memref<40x128xi32, #tpu.memory_space<hbm>>
      %dma_start3A_61 = arith.constant 0 : i32
      %dma_start3A_62 = tpu.memref_slice %arg4[%add3A_29, %dma_start3A_61] : memref<2560x128xi32, #tpu.memory_space<hbm>> -> memref<40x128xi32, #tpu.memory_space<hbm>>
      tpu.enqueue_dma source(%dma_start3A_62 : memref<40x128xi32, #tpu.memory_space<hbm>>) target(%arg8 : memref<40x128xi32, #tpu.memory_space<vmem>>) target_semaphore(%run_scoped3A : memref<!tpu.dma_semaphore, #tpu.memory_space<semaphore_mem>>)
      %dma_wait3A = arith.constant 0 : i32
      %dma_wait3A_63 = tpu.memref_slice %arg4[%add3A_29, %dma_wait3A] : memref<2560x128xi32, #tpu.memory_space<hbm>> -> memref<40x128xi32, #tpu.memory_space<hbm>>
      %dma_wait3A_64 = arith.constant 0 : i32
      %dma_wait3A_65 = tpu.memref_slice %arg4[%add3A_29, %dma_wait3A_64] : memref<2560x128xi32, #tpu.memory_space<hbm>> -> memref<40x128xi32, #tpu.memory_space<hbm>>
      tpu.wait_dma2 semaphore(%run_scoped3A : memref<!tpu.dma_semaphore, #tpu.memory_space<semaphore_mem>>) src(%dma_wait3A_65 : memref<40x128xi32, #tpu.memory_space<hbm>>) dst(%arg8 : memref<40x128xi32, #tpu.memory_space<vmem>>)
      tpu.yield
    }) : () -> ()
    %dma_start3A_30 = arith.constant 0 : i32
    %dma_start3A_31 = arith.constant 0 : i32
    %dma_start3A_32 = tpu.memref_slice %arg7[%dma_start3A_30, %dma_start3A_31] : memref<40x128xi32, #tpu.memory_space<vmem>> -> memref<1x128xi32, #tpu.memory_space<vmem>>
    %dma_start3A_33 = tpu.memref_squeeze %dma_start3A_32 : memref<1x128xi32, #tpu.memory_space<vmem>> -> memref<128xi32, #tpu.memory_space<vmem>>
    %dma_start3A_34 = arith.constant 0 : i32
    %dma_start3A_35 = arith.constant 0 : i32
    %dma_start3A_36 = tpu.memref_slice %arg2[%dma_start3A_34, %dma_start3A_35] : memref<10008x128xf32, #tpu.memory_space<hbm>> -> memref<10008x128xf32, #tpu.memory_space<hbm>>
    tpu.enqueue_indirect_dma source(%dma_start3A_36 : memref<10008x128xf32, #tpu.memory_space<hbm>>) target(%arg9 : memref<128x128xf32, #tpu.memory_space<vmem>>) offsets(%dma_start3A_33 : memref<128xi32, #tpu.memory_space<vmem>>) semaphore(%arg12 : memref<!tpu.dma_semaphore, #tpu.memory_space<semaphore_mem>>)
    %scan3A_37 = arith.constant 0 : i32
    %scan3A_38 = arith.constant 0 : i32
    %scan3A_39 = arith.constant 20 : i32
    %scan3A_40 = arith.addi %scan3A_38, %scan3A_39 : i32
    %scan3A_41 = arith.constant 1 : i32
    scf.for %scan3A_59 = %scan3A_38 to %scan3A_40 step %scan3A_41  : i32 {
      %mul3A_60 = arith.constant 2 : i32
      %mul3A_61 = arith.muli %mul3A_60, %scan3A_59 : i32
      %add3A_62 = arith.constant 1 : i32
      %add3A_63 = arith.addi %mul3A_61, %add3A_62 : i32
      %dma_start3A_64 = arith.constant 0 : i32
      %dma_start3A_65 = tpu.memref_slice %arg7[%add3A_63, %dma_start3A_64] : memref<40x128xi32, #tpu.memory_space<vmem>> -> memref<1x128xi32, #tpu.memory_space<vmem>>
      %dma_start3A_66 = tpu.memref_squeeze %dma_start3A_65 : memref<1x128xi32, #tpu.memory_space<vmem>> -> memref<128xi32, #tpu.memory_space<vmem>>
      %dma_start3A_67 = arith.constant 0 : i32
      %dma_start3A_68 = arith.constant 0 : i32
      %dma_start3A_69 = tpu.memref_slice %arg2[%dma_start3A_67, %dma_start3A_68] : memref<10008x128xf32, #tpu.memory_space<hbm>> -> memref<10008x128xf32, #tpu.memory_space<hbm>>
      tpu.enqueue_indirect_dma source(%dma_start3A_69 : memref<10008x128xf32, #tpu.memory_space<hbm>>) target(%arg10 : memref<128x128xf32, #tpu.memory_space<vmem>>) offsets(%dma_start3A_66 : memref<128xi32, #tpu.memory_space<vmem>>) semaphore(%arg13 : memref<!tpu.dma_semaphore, #tpu.memory_space<semaphore_mem>>)
      %dma_wait3A = arith.constant 0 : i32
      %dma_wait3A_70 = tpu.memref_slice %arg7[%mul3A_61, %dma_wait3A] : memref<40x128xi32, #tpu.memory_space<vmem>> -> memref<1x128xi32, #tpu.memory_space<vmem>>
      %dma_wait3A_71 = tpu.memref_squeeze %dma_wait3A_70 : memref<1x128xi32, #tpu.memory_space<vmem>> -> memref<128xi32, #tpu.memory_space<vmem>>
      %dma_wait3A_72 = arith.constant 0 : i32
      %dma_wait3A_73 = arith.constant 0 : i32
      %dma_wait3A_74 = tpu.memref_slice %arg2[%dma_wait3A_72, %dma_wait3A_73] : memref<10008x128xf32, #tpu.memory_space<hbm>> -> memref<10008x128xf32, #tpu.memory_space<hbm>>
      tpu.wait_indirect_dma semaphore(%arg12 : memref<!tpu.dma_semaphore, #tpu.memory_space<semaphore_mem>>) src(%dma_wait3A_74 : memref<10008x128xf32, #tpu.memory_space<hbm>>) dst(%arg9 : memref<128x128xf32, #tpu.memory_space<vmem>>)
      "tpu.region"() ({
        %run_scoped3A = tpu.sem_alloc : memref<!tpu.dma_semaphore, #tpu.memory_space<semaphore_mem>>
        %dma_start3A_90 = arith.constant 0 : i32
        %dma_start3A_91 = tpu.memref_slice %arg8[%mul3A_61, %dma_start3A_90] : memref<40x128xi32, #tpu.memory_space<vmem>> -> memref<1x128xi32, #tpu.memory_space<vmem>>
        %dma_start3A_92 = tpu.memref_squeeze %dma_start3A_91 : memref<1x128xi32, #tpu.memory_space<vmem>> -> memref<128xi32, #tpu.memory_space<vmem>>
        %dma_start3A_93 = arith.constant 0 : i32
        %dma_start3A_94 = arith.constant 0 : i32
        %dma_start3A_95 = tpu.memref_slice %arg11[%dma_start3A_93, %dma_start3A_94] : memref<10008x128xf32, #tpu.memory_space<vmem_shared>> -> memref<10008x128xf32, #tpu.memory_space<vmem_shared>>
        tpu.enqueue_indirect_dma source(%arg9 : memref<128x128xf32, #tpu.memory_space<vmem>>) target(%dma_start3A_95 : memref<10008x128xf32, #tpu.memory_space<vmem_shared>>) offsets(%dma_start3A_92 : memref<128xi32, #tpu.memory_space<vmem>>) semaphore(%run_scoped3A : memref<!tpu.dma_semaphore, #tpu.memory_space<semaphore_mem>>) {add = true}
        %dma_wait3A_96 = arith.constant 0 : i32
        %dma_wait3A_97 = tpu.memref_slice %arg8[%mul3A_61, %dma_wait3A_96] : memref<40x128xi32, #tpu.memory_space<vmem>> -> memref<1x128xi32, #tpu.memory_space<vmem>>
        %dma_wait3A_98 = tpu.memref_squeeze %dma_wait3A_97 : memref<1x128xi32, #tpu.memory_space<vmem>> -> memref<128xi32, #tpu.memory_space<vmem>>
        %dma_wait3A_99 = arith.constant 0 : i32
        %dma_wait3A_100 = arith.constant 0 : i32
        %dma_wait3A_101 = tpu.memref_slice %arg11[%dma_wait3A_99, %dma_wait3A_100] : memref<10008x128xf32, #tpu.memory_space<vmem_shared>> -> memref<10008x128xf32, #tpu.memory_space<vmem_shared>>
        tpu.wait_indirect_dma semaphore(%run_scoped3A : memref<!tpu.dma_semaphore, #tpu.memory_space<semaphore_mem>>) src(%arg9 : memref<128x128xf32, #tpu.memory_space<vmem>>) dst(%dma_wait3A_101 : memref<10008x128xf32, #tpu.memory_space<vmem_shared>>)
        tpu.yield
      }) : () -> ()
      %lt3A_75 = arith.constant 19 : i32
      %lt3A_76 = arith.cmpi slt, %scan3A_59, %lt3A_75 : i32
      %convert_element_type3A_77 = arith.extui %lt3A_76 : i1 to i32
      %cond3A_78 = arith.constant 0 : i32
      %cond3A_79 = arith.cmpi ne, %convert_element_type3A_77, %cond3A_78 : i32
      scf.if %cond3A_79 {
        %add3A_90 = arith.constant 2 : i32
        %add3A_91 = arith.addi %mul3A_61, %add3A_90 : i32
        %dma_start3A_92 = arith.constant 0 : i32
        %dma_start3A_93 = tpu.memref_slice %arg7[%add3A_91, %dma_start3A_92] : memref<40x128xi32, #tpu.memory_space<vmem>> -> memref<1x128xi32, #tpu.memory_space<vmem>>
        %dma_start3A_94 = tpu.memref_squeeze %dma_start3A_93 : memref<1x128xi32, #tpu.memory_space<vmem>> -> memref<128xi32, #tpu.memory_space<vmem>>
        %dma_start3A_95 = arith.constant 0 : i32
        %dma_start3A_96 = arith.constant 0 : i32
        %dma_start3A_97 = tpu.memref_slice %arg2[%dma_start3A_95, %dma_start3A_96] : memref<10008x128xf32, #tpu.memory_space<hbm>> -> memref<10008x128xf32, #tpu.memory_space<hbm>>
        tpu.enqueue_indirect_dma source(%dma_start3A_97 : memref<10008x128xf32, #tpu.memory_space<hbm>>) target(%arg9 : memref<128x128xf32, #tpu.memory_space<vmem>>) offsets(%dma_start3A_94 : memref<128xi32, #tpu.memory_space<vmem>>) semaphore(%arg12 : memref<!tpu.dma_semaphore, #tpu.memory_space<semaphore_mem>>)
      } else {
      }
      %add3A_80 = arith.constant 1 : i32
      %add3A_81 = arith.addi %mul3A_61, %add3A_80 : i32
      %dma_wait3A_82 = arith.constant 0 : i32
      %dma_wait3A_83 = tpu.memref_slice %arg7[%add3A_81, %dma_wait3A_82] : memref<40x128xi32, #tpu.memory_space<vmem>> -> memref<1x128xi32, #tpu.memory_space<vmem>>
      %dma_wait3A_84 = tpu.memref_squeeze %dma_wait3A_83 : memref<1x128xi32, #tpu.memory_space<vmem>> -> memref<128xi32, #tpu.memory_space<vmem>>
      %dma_wait3A_85 = arith.constant 0 : i32
      %dma_wait3A_86 = arith.constant 0 : i32
      %dma_wait3A_87 = tpu.memref_slice %arg2[%dma_wait3A_85, %dma_wait3A_86] : memref<10008x128xf32, #tpu.memory_space<hbm>> -> memref<10008x128xf32, #tpu.memory_space<hbm>>
      tpu.wait_indirect_dma semaphore(%arg13 : memref<!tpu.dma_semaphore, #tpu.memory_space<semaphore_mem>>) src(%dma_wait3A_87 : memref<10008x128xf32, #tpu.memory_space<hbm>>) dst(%arg10 : memref<128x128xf32, #tpu.memory_space<vmem>>)
      %add3A_88 = arith.constant 1 : i32
      %add3A_89 = arith.addi %mul3A_61, %add3A_88 : i32
      "tpu.region"() ({
        %run_scoped3A = tpu.sem_alloc : memref<!tpu.dma_semaphore, #tpu.memory_space<semaphore_mem>>
        %dma_start3A_90 = arith.constant 0 : i32
        %dma_start3A_91 = tpu.memref_slice %arg8[%add3A_89, %dma_start3A_90] : memref<40x128xi32, #tpu.memory_space<vmem>> -> memref<1x128xi32, #tpu.memory_space<vmem>>
        %dma_start3A_92 = tpu.memref_squeeze %dma_start3A_91 : memref<1x128xi32, #tpu.memory_space<vmem>> -> memref<128xi32, #tpu.memory_space<vmem>>
        %dma_start3A_93 = arith.constant 0 : i32
        %dma_start3A_94 = arith.constant 0 : i32
        %dma_start3A_95 = tpu.memref_slice %arg11[%dma_start3A_93, %dma_start3A_94] : memref<10008x128xf32, #tpu.memory_space<vmem_shared>> -> memref<10008x128xf32, #tpu.memory_space<vmem_shared>>
        tpu.enqueue_indirect_dma source(%arg10 : memref<128x128xf32, #tpu.memory_space<vmem>>) target(%dma_start3A_95 : memref<10008x128xf32, #tpu.memory_space<vmem_shared>>) offsets(%dma_start3A_92 : memref<128xi32, #tpu.memory_space<vmem>>) semaphore(%run_scoped3A : memref<!tpu.dma_semaphore, #tpu.memory_space<semaphore_mem>>) {add = true}
        %dma_wait3A_96 = arith.constant 0 : i32
        %dma_wait3A_97 = tpu.memref_slice %arg8[%add3A_89, %dma_wait3A_96] : memref<40x128xi32, #tpu.memory_space<vmem>> -> memref<1x128xi32, #tpu.memory_space<vmem>>
        %dma_wait3A_98 = tpu.memref_squeeze %dma_wait3A_97 : memref<1x128xi32, #tpu.memory_space<vmem>> -> memref<128xi32, #tpu.memory_space<vmem>>
        %dma_wait3A_99 = arith.constant 0 : i32
        %dma_wait3A_100 = arith.constant 0 : i32
        %dma_wait3A_101 = tpu.memref_slice %arg11[%dma_wait3A_99, %dma_wait3A_100] : memref<10008x128xf32, #tpu.memory_space<vmem_shared>> -> memref<10008x128xf32, #tpu.memory_space<vmem_shared>>
        tpu.wait_indirect_dma semaphore(%run_scoped3A : memref<!tpu.dma_semaphore, #tpu.memory_space<semaphore_mem>>) src(%arg10 : memref<128x128xf32, #tpu.memory_space<vmem>>) dst(%dma_wait3A_101 : memref<10008x128xf32, #tpu.memory_space<vmem_shared>>)
        tpu.yield
      }) : () -> ()
    }
    %scan3A_42 = arith.constant 20 : i32
    %barrier3A_43 = arith.constant 0 : index
    tpu.barrier barrier_id(%barrier3A_43)
    %mul3A_44 = arith.constant 10008 : i32
    %mul3A_45 = arith.muli %arg0, %mul3A_44 : i32
    %mul3A_46 = arith.constant 632 : i32
    %mul3A_47 = arith.muli %arg1, %mul3A_46 : i32
    %multiple_of3A_48 = tpu.assume_multiple %mul3A_47, 8 : i32
    %lt3A_49 = arith.constant 15 : i32
    %lt3A_50 = arith.cmpi slt, %arg1, %lt3A_49 : i32
    %convert_element_type3A_51 = arith.extui %lt3A_50 : i1 to i32
    %cond3A_52 = arith.constant 0 : i32
    %cond3A_53 = arith.cmpi ne, %convert_element_type3A_51, %cond3A_52 : i32
    scf.if %cond3A_53 {
      %add3A_59 = arith.constant 0 : i32
      %add3A_60 = arith.addi %add3A_59, %multiple_of3A_48 : i32
      %multiple_of3A_61 = tpu.assume_multiple %add3A_60, 8 : i32
      %add3A_62 = arith.addi %mul3A_45, %multiple_of3A_48 : i32
      %multiple_of3A_63 = tpu.assume_multiple %add3A_62, 8 : i32
      "tpu.region"() ({
        %run_scoped3A = tpu.sem_alloc : memref<!tpu.dma_semaphore, #tpu.memory_space<semaphore_mem>>
        %dma_start3A_64 = arith.constant 0 : i32
        %dma_start3A_65 = tpu.memref_slice %arg6[%multiple_of3A_63, %dma_start3A_64] : memref<20016x128xf32, #tpu.memory_space<hbm>> -> memref<632x128xf32, #tpu.memory_space<hbm>>
        %dma_start3A_66 = arith.constant 0 : i32
        %dma_start3A_67 = tpu.memref_slice %arg11[%multiple_of3A_61, %dma_start3A_66] : memref<10008x128xf32, #tpu.memory_space<vmem_shared>> -> memref<632x128xf32, #tpu.memory_space<vmem_shared>>
        tpu.enqueue_dma source(%dma_start3A_67 : memref<632x128xf32, #tpu.memory_space<vmem_shared>>) target(%dma_start3A_65 : memref<632x128xf32, #tpu.memory_space<hbm>>) target_semaphore(%run_scoped3A : memref<!tpu.dma_semaphore, #tpu.memory_space<semaphore_mem>>)
        %dma_wait3A = arith.constant 0 : i32
        %dma_wait3A_68 = tpu.memref_slice %arg6[%multiple_of3A_63, %dma_wait3A] : memref<20016x128xf32, #tpu.memory_space<hbm>> -> memref<632x128xf32, #tpu.memory_space<hbm>>
        %dma_wait3A_69 = arith.constant 0 : i32
        %dma_wait3A_70 = tpu.memref_slice %arg11[%multiple_of3A_61, %dma_wait3A_69] : memref<10008x128xf32, #tpu.memory_space<vmem_shared>> -> memref<632x128xf32, #tpu.memory_space<vmem_shared>>
        tpu.wait_dma2 semaphore(%run_scoped3A : memref<!tpu.dma_semaphore, #tpu.memory_space<semaphore_mem>>) src(%dma_wait3A_70 : memref<632x128xf32, #tpu.memory_space<vmem_shared>>) dst(%dma_wait3A_68 : memref<632x128xf32, #tpu.memory_space<hbm>>)
        tpu.yield
      }) : () -> ()
    } else {
    }
    %eq3A_54 = arith.constant 15 : i32
    %eq3A_55 = arith.cmpi eq, %arg1, %eq3A_54 : i32
    %convert_element_type3A_56 = arith.extui %eq3A_55 : i1 to i32
    %cond3A_57 = arith.constant 0 : i32
    %cond3A_58 = arith.cmpi ne, %convert_element_type3A_56, %cond3A_57 : i32
    scf.if %cond3A_58 {
      %multiple_of3A_59 = arith.constant 9480 : i32
      %multiple_of3A_60 = tpu.assume_multiple %multiple_of3A_59, 8 : i32
      %add3A_61 = arith.constant 9480 : i32
      %add3A_62 = arith.addi %mul3A_45, %add3A_61 : i32
      %multiple_of3A_63 = tpu.assume_multiple %add3A_62, 8 : i32
      "tpu.region"() ({
        %run_scoped3A = tpu.sem_alloc : memref<!tpu.dma_semaphore, #tpu.memory_space<semaphore_mem>>
        %dma_start3A_64 = arith.constant 0 : i32
        %dma_start3A_65 = tpu.memref_slice %arg6[%multiple_of3A_63, %dma_start3A_64] : memref<20016x128xf32, #tpu.memory_space<hbm>> -> memref<528x128xf32, #tpu.memory_space<hbm>>
        %dma_start3A_66 = arith.constant 0 : i32
        %dma_start3A_67 = tpu.memref_slice %arg11[%multiple_of3A_60, %dma_start3A_66] : memref<10008x128xf32, #tpu.memory_space<vmem_shared>> -> memref<528x128xf32, #tpu.memory_space<vmem_shared>>
        tpu.enqueue_dma source(%dma_start3A_67 : memref<528x128xf32, #tpu.memory_space<vmem_shared>>) target(%dma_start3A_65 : memref<528x128xf32, #tpu.memory_space<hbm>>) target_semaphore(%run_scoped3A : memref<!tpu.dma_semaphore, #tpu.memory_space<semaphore_mem>>)
        %dma_wait3A = arith.constant 0 : i32
        %dma_wait3A_68 = tpu.memref_slice %arg6[%multiple_of3A_63, %dma_wait3A] : memref<20016x128xf32, #tpu.memory_space<hbm>> -> memref<528x128xf32, #tpu.memory_space<hbm>>
        %dma_wait3A_69 = arith.constant 0 : i32
        %dma_wait3A_70 = tpu.memref_slice %arg11[%multiple_of3A_60, %dma_wait3A_69] : memref<10008x128xf32, #tpu.memory_space<vmem_shared>> -> memref<528x128xf32, #tpu.memory_space<vmem_shared>>
        tpu.wait_dma2 semaphore(%run_scoped3A : memref<!tpu.dma_semaphore, #tpu.memory_space<semaphore_mem>>) src(%dma_wait3A_70 : memref<528x128xf32, #tpu.memory_space<vmem_shared>>) dst(%dma_wait3A_68 : memref<528x128xf32, #tpu.memory_space<hbm>>)
        tpu.yield
      }) : () -> ()
    } else {
    }
    return
  }
}

#map = affine_map<(d0, d1) -> (0, 0)>
module attributes {stable_mosaic.version = 14 : i64} {
  func.func @_deg(%arg0: i32, %arg1: i32, %arg2: memref<2560x128xi32, #tpu.memory_space<hbm>>, %arg3: memref<128x16xf32, #tpu.memory_space<hbm>>, %arg4: memref<10008x16xf32, #tpu.memory_space<hbm>>, %arg5: memref<20016x16xf32, #tpu.memory_space<hbm>>, %arg6: memref<128x16xf32, #tpu.memory_space<vmem>>, %arg7: memref<80x128xi32, #tpu.memory_space<vmem>>, %arg8: memref<10008x16xf32, #tpu.memory_space<vmem_shared>>) attributes {dimension_semantics = [#tpu.dimension_semantics<core_parallel>, #tpu.dimension_semantics<subcore_parallel>], iteration_bounds = array<i64: 2, 16>, scalar_prefetch = 0 : i64, scratch_operands = 3 : i64, tpu.core_type = #tpu.core_type<sc_vector_subcore>, window_params = [{transform_indices = #map}, {transform_indices = #map}, {transform_indices = #map}, {transform_indices = #map}]} {
    %mul3A = arith.constant 2 : i32
    %mul3A_0 = arith.muli %arg1, %mul3A : i32
    %add3A = arith.addi %mul3A_0, %arg0 : i32
    %mul3A_1 = arith.constant 632 : i32
    %mul3A_2 = arith.muli %arg1, %mul3A_1 : i32
    %multiple_of3A = tpu.assume_multiple %mul3A_2, 8 : i32
    %lt3A = arith.constant 15 : i32
    %lt3A_3 = arith.cmpi slt, %arg1, %lt3A : i32
    %convert_element_type3A = arith.extui %lt3A_3 : i1 to i32
    %cond3A = arith.constant 0 : i32
    %cond3A_4 = arith.cmpi ne, %convert_element_type3A, %cond3A : i32
    scf.if %cond3A_4 {
      %add3A_32 = arith.constant 0 : i32
      %add3A_33 = arith.addi %add3A_32, %multiple_of3A : i32
      %multiple_of3A_34 = tpu.assume_multiple %add3A_33, 8 : i32
      %add3A_35 = arith.constant 0 : i32
      %add3A_36 = arith.addi %add3A_35, %multiple_of3A : i32
      %multiple_of3A_37 = tpu.assume_multiple %add3A_36, 8 : i32
      "tpu.region"() ({
        %run_scoped3A = tpu.sem_alloc : memref<!tpu.dma_semaphore, #tpu.memory_space<semaphore_mem>>
        %dma_start3A = arith.constant 0 : i32
        %dma_start3A_38 = tpu.memref_slice %arg8[%multiple_of3A_37, %dma_start3A] : memref<10008x16xf32, #tpu.memory_space<vmem_shared>> -> memref<632x16xf32, #tpu.memory_space<vmem_shared>>
        %dma_start3A_39 = arith.constant 0 : i32
        %dma_start3A_40 = tpu.memref_slice %arg4[%multiple_of3A_34, %dma_start3A_39] : memref<10008x16xf32, #tpu.memory_space<hbm>> -> memref<632x16xf32, #tpu.memory_space<hbm>>
        tpu.enqueue_dma source(%dma_start3A_40 : memref<632x16xf32, #tpu.memory_space<hbm>>) target(%dma_start3A_38 : memref<632x16xf32, #tpu.memory_space<vmem_shared>>) target_semaphore(%run_scoped3A : memref<!tpu.dma_semaphore, #tpu.memory_space<semaphore_mem>>)
        %dma_wait3A = arith.constant 0 : i32
        %dma_wait3A_41 = tpu.memref_slice %arg8[%multiple_of3A_37, %dma_wait3A] : memref<10008x16xf32, #tpu.memory_space<vmem_shared>> -> memref<632x16xf32, #tpu.memory_space<vmem_shared>>
        %dma_wait3A_42 = arith.constant 0 : i32
        %dma_wait3A_43 = tpu.memref_slice %arg4[%multiple_of3A_34, %dma_wait3A_42] : memref<10008x16xf32, #tpu.memory_space<hbm>> -> memref<632x16xf32, #tpu.memory_space<hbm>>
        tpu.wait_dma2 semaphore(%run_scoped3A : memref<!tpu.dma_semaphore, #tpu.memory_space<semaphore_mem>>) src(%dma_wait3A_43 : memref<632x16xf32, #tpu.memory_space<hbm>>) dst(%dma_wait3A_41 : memref<632x16xf32, #tpu.memory_space<vmem_shared>>)
        tpu.yield
      }) : () -> ()
    } else {
    }
    %eq3A = arith.constant 15 : i32
    %eq3A_5 = arith.cmpi eq, %arg1, %eq3A : i32
    %convert_element_type3A_6 = arith.extui %eq3A_5 : i1 to i32
    %cond3A_7 = arith.constant 0 : i32
    %cond3A_8 = arith.cmpi ne, %convert_element_type3A_6, %cond3A_7 : i32
    scf.if %cond3A_8 {
      %multiple_of3A_32 = arith.constant 9480 : i32
      %multiple_of3A_33 = tpu.assume_multiple %multiple_of3A_32, 8 : i32
      %multiple_of3A_34 = arith.constant 9480 : i32
      %multiple_of3A_35 = tpu.assume_multiple %multiple_of3A_34, 8 : i32
      "tpu.region"() ({
        %run_scoped3A = tpu.sem_alloc : memref<!tpu.dma_semaphore, #tpu.memory_space<semaphore_mem>>
        %dma_start3A = arith.constant 0 : i32
        %dma_start3A_36 = tpu.memref_slice %arg8[%multiple_of3A_35, %dma_start3A] : memref<10008x16xf32, #tpu.memory_space<vmem_shared>> -> memref<528x16xf32, #tpu.memory_space<vmem_shared>>
        %dma_start3A_37 = arith.constant 0 : i32
        %dma_start3A_38 = tpu.memref_slice %arg4[%multiple_of3A_33, %dma_start3A_37] : memref<10008x16xf32, #tpu.memory_space<hbm>> -> memref<528x16xf32, #tpu.memory_space<hbm>>
        tpu.enqueue_dma source(%dma_start3A_38 : memref<528x16xf32, #tpu.memory_space<hbm>>) target(%dma_start3A_36 : memref<528x16xf32, #tpu.memory_space<vmem_shared>>) target_semaphore(%run_scoped3A : memref<!tpu.dma_semaphore, #tpu.memory_space<semaphore_mem>>)
        %dma_wait3A = arith.constant 0 : i32
        %dma_wait3A_39 = tpu.memref_slice %arg8[%multiple_of3A_35, %dma_wait3A] : memref<10008x16xf32, #tpu.memory_space<vmem_shared>> -> memref<528x16xf32, #tpu.memory_space<vmem_shared>>
        %dma_wait3A_40 = arith.constant 0 : i32
        %dma_wait3A_41 = tpu.memref_slice %arg4[%multiple_of3A_33, %dma_wait3A_40] : memref<10008x16xf32, #tpu.memory_space<hbm>> -> memref<528x16xf32, #tpu.memory_space<hbm>>
        tpu.wait_dma2 semaphore(%run_scoped3A : memref<!tpu.dma_semaphore, #tpu.memory_space<semaphore_mem>>) src(%dma_wait3A_41 : memref<528x16xf32, #tpu.memory_space<hbm>>) dst(%dma_wait3A_39 : memref<528x16xf32, #tpu.memory_space<vmem_shared>>)
        tpu.yield
      }) : () -> ()
    } else {
    }
    "tpu.region"() ({
      %run_scoped3A = tpu.sem_alloc : memref<!tpu.dma_semaphore, #tpu.memory_space<semaphore_mem>>
      tpu.enqueue_dma source(%arg3 : memref<128x16xf32, #tpu.memory_space<hbm>>) target(%arg6 : memref<128x16xf32, #tpu.memory_space<vmem>>) target_semaphore(%run_scoped3A : memref<!tpu.dma_semaphore, #tpu.memory_space<semaphore_mem>>)
      tpu.wait_dma2 semaphore(%run_scoped3A : memref<!tpu.dma_semaphore, #tpu.memory_space<semaphore_mem>>) src(%arg3 : memref<128x16xf32, #tpu.memory_space<hbm>>) dst(%arg6 : memref<128x16xf32, #tpu.memory_space<vmem>>)
      tpu.yield
    }) : () -> ()
    %mul3A_9 = arith.constant 80 : i32
    %mul3A_10 = arith.muli %add3A, %mul3A_9 : i32
    "tpu.region"() ({
      %run_scoped3A = tpu.sem_alloc : memref<!tpu.dma_semaphore, #tpu.memory_space<semaphore_mem>>
      %dma_start3A = arith.constant 0 : i32
      %dma_start3A_32 = tpu.memref_slice %arg2[%mul3A_10, %dma_start3A] : memref<2560x128xi32, #tpu.memory_space<hbm>> -> memref<80x128xi32, #tpu.memory_space<hbm>>
      %dma_start3A_33 = arith.constant 0 : i32
      %dma_start3A_34 = tpu.memref_slice %arg2[%mul3A_10, %dma_start3A_33] : memref<2560x128xi32, #tpu.memory_space<hbm>> -> memref<80x128xi32, #tpu.memory_space<hbm>>
      tpu.enqueue_dma source(%dma_start3A_34 : memref<80x128xi32, #tpu.memory_space<hbm>>) target(%arg7 : memref<80x128xi32, #tpu.memory_space<vmem>>) target_semaphore(%run_scoped3A : memref<!tpu.dma_semaphore, #tpu.memory_space<semaphore_mem>>)
      %dma_wait3A = arith.constant 0 : i32
      %dma_wait3A_35 = tpu.memref_slice %arg2[%mul3A_10, %dma_wait3A] : memref<2560x128xi32, #tpu.memory_space<hbm>> -> memref<80x128xi32, #tpu.memory_space<hbm>>
      %dma_wait3A_36 = arith.constant 0 : i32
      %dma_wait3A_37 = tpu.memref_slice %arg2[%mul3A_10, %dma_wait3A_36] : memref<2560x128xi32, #tpu.memory_space<hbm>> -> memref<80x128xi32, #tpu.memory_space<hbm>>
      tpu.wait_dma2 semaphore(%run_scoped3A : memref<!tpu.dma_semaphore, #tpu.memory_space<semaphore_mem>>) src(%dma_wait3A_37 : memref<80x128xi32, #tpu.memory_space<hbm>>) dst(%arg7 : memref<80x128xi32, #tpu.memory_space<vmem>>)
      tpu.yield
    }) : () -> ()
    %barrier3A = arith.constant 0 : index
    tpu.barrier barrier_id(%barrier3A)
    %scan3A = arith.constant 0 : i32
    %scan3A_11 = arith.constant 0 : i32
    %scan3A_12 = arith.constant 80 : i32
    %scan3A_13 = arith.addi %scan3A_11, %scan3A_12 : i32
    %scan3A_14 = arith.constant 1 : i32
    scf.for %scan3A_32 = %scan3A_11 to %scan3A_13 step %scan3A_14  : i32 {
      "tpu.region"() ({
        %run_scoped3A = tpu.sem_alloc : memref<!tpu.dma_semaphore, #tpu.memory_space<semaphore_mem>>
        %dma_start3A = arith.constant 0 : i32
        %dma_start3A_33 = tpu.memref_slice %arg7[%scan3A_32, %dma_start3A] : memref<80x128xi32, #tpu.memory_space<vmem>> -> memref<1x128xi32, #tpu.memory_space<vmem>>
        %dma_start3A_34 = tpu.memref_squeeze %dma_start3A_33 : memref<1x128xi32, #tpu.memory_space<vmem>> -> memref<128xi32, #tpu.memory_space<vmem>>
        %dma_start3A_35 = arith.constant 0 : i32
        %dma_start3A_36 = arith.constant 0 : i32
        %dma_start3A_37 = tpu.memref_slice %arg8[%dma_start3A_35, %dma_start3A_36] : memref<10008x16xf32, #tpu.memory_space<vmem_shared>> -> memref<10008x16xf32, #tpu.memory_space<vmem_shared>>
        tpu.enqueue_indirect_dma source(%arg6 : memref<128x16xf32, #tpu.memory_space<vmem>>) target(%dma_start3A_37 : memref<10008x16xf32, #tpu.memory_space<vmem_shared>>) offsets(%dma_start3A_34 : memref<128xi32, #tpu.memory_space<vmem>>) semaphore(%run_scoped3A : memref<!tpu.dma_semaphore, #tpu.memory_space<semaphore_mem>>) {add = true}
        %dma_wait3A = arith.constant 0 : i32
        %dma_wait3A_38 = tpu.memref_slice %arg7[%scan3A_32, %dma_wait3A] : memref<80x128xi32, #tpu.memory_space<vmem>> -> memref<1x128xi32, #tpu.memory_space<vmem>>
        %dma_wait3A_39 = tpu.memref_squeeze %dma_wait3A_38 : memref<1x128xi32, #tpu.memory_space<vmem>> -> memref<128xi32, #tpu.memory_space<vmem>>
        %dma_wait3A_40 = arith.constant 0 : i32
        %dma_wait3A_41 = arith.constant 0 : i32
        %dma_wait3A_42 = tpu.memref_slice %arg8[%dma_wait3A_40, %dma_wait3A_41] : memref<10008x16xf32, #tpu.memory_space<vmem_shared>> -> memref<10008x16xf32, #tpu.memory_space<vmem_shared>>
        tpu.wait_indirect_dma semaphore(%run_scoped3A : memref<!tpu.dma_semaphore, #tpu.memory_space<semaphore_mem>>) src(%arg6 : memref<128x16xf32, #tpu.memory_space<vmem>>) dst(%dma_wait3A_42 : memref<10008x16xf32, #tpu.memory_space<vmem_shared>>)
        tpu.yield
      }) : () -> ()
    }
    %scan3A_15 = arith.constant 80 : i32
    %barrier3A_16 = arith.constant 0 : index
    tpu.barrier barrier_id(%barrier3A_16)
    %mul3A_17 = arith.constant 10008 : i32
    %mul3A_18 = arith.muli %arg0, %mul3A_17 : i32
    %mul3A_19 = arith.constant 632 : i32
    %mul3A_20 = arith.muli %arg1, %mul3A_19 : i32
    %multiple_of3A_21 = tpu.assume_multiple %mul3A_20, 8 : i32
    %lt3A_22 = arith.constant 15 : i32
    %lt3A_23 = arith.cmpi slt, %arg1, %lt3A_22 : i32
    %convert_element_type3A_24 = arith.extui %lt3A_23 : i1 to i32
    %cond3A_25 = arith.constant 0 : i32
    %cond3A_26 = arith.cmpi ne, %convert_element_type3A_24, %cond3A_25 : i32
    scf.if %cond3A_26 {
      %add3A_32 = arith.constant 0 : i32
      %add3A_33 = arith.addi %add3A_32, %multiple_of3A_21 : i32
      %multiple_of3A_34 = tpu.assume_multiple %add3A_33, 8 : i32
      %add3A_35 = arith.addi %mul3A_18, %multiple_of3A_21 : i32
      %multiple_of3A_36 = tpu.assume_multiple %add3A_35, 8 : i32
      "tpu.region"() ({
        %run_scoped3A = tpu.sem_alloc : memref<!tpu.dma_semaphore, #tpu.memory_space<semaphore_mem>>
        %dma_start3A = arith.constant 0 : i32
        %dma_start3A_37 = tpu.memref_slice %arg5[%multiple_of3A_36, %dma_start3A] : memref<20016x16xf32, #tpu.memory_space<hbm>> -> memref<632x16xf32, #tpu.memory_space<hbm>>
        %dma_start3A_38 = arith.constant 0 : i32
        %dma_start3A_39 = tpu.memref_slice %arg8[%multiple_of3A_34, %dma_start3A_38] : memref<10008x16xf32, #tpu.memory_space<vmem_shared>> -> memref<632x16xf32, #tpu.memory_space<vmem_shared>>
        tpu.enqueue_dma source(%dma_start3A_39 : memref<632x16xf32, #tpu.memory_space<vmem_shared>>) target(%dma_start3A_37 : memref<632x16xf32, #tpu.memory_space<hbm>>) target_semaphore(%run_scoped3A : memref<!tpu.dma_semaphore, #tpu.memory_space<semaphore_mem>>)
        %dma_wait3A = arith.constant 0 : i32
        %dma_wait3A_40 = tpu.memref_slice %arg5[%multiple_of3A_36, %dma_wait3A] : memref<20016x16xf32, #tpu.memory_space<hbm>> -> memref<632x16xf32, #tpu.memory_space<hbm>>
        %dma_wait3A_41 = arith.constant 0 : i32
        %dma_wait3A_42 = tpu.memref_slice %arg8[%multiple_of3A_34, %dma_wait3A_41] : memref<10008x16xf32, #tpu.memory_space<vmem_shared>> -> memref<632x16xf32, #tpu.memory_space<vmem_shared>>
        tpu.wait_dma2 semaphore(%run_scoped3A : memref<!tpu.dma_semaphore, #tpu.memory_space<semaphore_mem>>) src(%dma_wait3A_42 : memref<632x16xf32, #tpu.memory_space<vmem_shared>>) dst(%dma_wait3A_40 : memref<632x16xf32, #tpu.memory_space<hbm>>)
        tpu.yield
      }) : () -> ()
    } else {
    }
    %eq3A_27 = arith.constant 15 : i32
    %eq3A_28 = arith.cmpi eq, %arg1, %eq3A_27 : i32
    %convert_element_type3A_29 = arith.extui %eq3A_28 : i1 to i32
    %cond3A_30 = arith.constant 0 : i32
    %cond3A_31 = arith.cmpi ne, %convert_element_type3A_29, %cond3A_30 : i32
    scf.if %cond3A_31 {
      %multiple_of3A_32 = arith.constant 9480 : i32
      %multiple_of3A_33 = tpu.assume_multiple %multiple_of3A_32, 8 : i32
      %add3A_34 = arith.constant 9480 : i32
      %add3A_35 = arith.addi %mul3A_18, %add3A_34 : i32
      %multiple_of3A_36 = tpu.assume_multiple %add3A_35, 8 : i32
      "tpu.region"() ({
        %run_scoped3A = tpu.sem_alloc : memref<!tpu.dma_semaphore, #tpu.memory_space<semaphore_mem>>
        %dma_start3A = arith.constant 0 : i32
        %dma_start3A_37 = tpu.memref_slice %arg5[%multiple_of3A_36, %dma_start3A] : memref<20016x16xf32, #tpu.memory_space<hbm>> -> memref<528x16xf32, #tpu.memory_space<hbm>>
        %dma_start3A_38 = arith.constant 0 : i32
        %dma_start3A_39 = tpu.memref_slice %arg8[%multiple_of3A_33, %dma_start3A_38] : memref<10008x16xf32, #tpu.memory_space<vmem_shared>> -> memref<528x16xf32, #tpu.memory_space<vmem_shared>>
        tpu.enqueue_dma source(%dma_start3A_39 : memref<528x16xf32, #tpu.memory_space<vmem_shared>>) target(%dma_start3A_37 : memref<528x16xf32, #tpu.memory_space<hbm>>) target_semaphore(%run_scoped3A : memref<!tpu.dma_semaphore, #tpu.memory_space<semaphore_mem>>)
        %dma_wait3A = arith.constant 0 : i32
        %dma_wait3A_40 = tpu.memref_slice %arg5[%multiple_of3A_36, %dma_wait3A] : memref<20016x16xf32, #tpu.memory_space<hbm>> -> memref<528x16xf32, #tpu.memory_space<hbm>>
        %dma_wait3A_41 = arith.constant 0 : i32
        %dma_wait3A_42 = tpu.memref_slice %arg8[%multiple_of3A_33, %dma_wait3A_41] : memref<10008x16xf32, #tpu.memory_space<vmem_shared>> -> memref<528x16xf32, #tpu.memory_space<vmem_shared>>
        tpu.wait_dma2 semaphore(%run_scoped3A : memref<!tpu.dma_semaphore, #tpu.memory_space<semaphore_mem>>) src(%dma_wait3A_42 : memref<528x16xf32, #tpu.memory_space<vmem_shared>>) dst(%dma_wait3A_40 : memref<528x16xf32, #tpu.memory_space<hbm>>)
        tpu.yield
      }) : () -> ()
    } else {
    }
    return
  }
}

#map = affine_map<(d0, d1) -> (0, 0)>
module attributes {stable_mosaic.version = 14 : i64} {
  func.func @_agg(%arg0: i32, %arg1: i32, %arg2: memref<10008x128xf32, #tpu.memory_space<hbm>>, %arg3: memref<2560x128xi32, #tpu.memory_space<hbm>>, %arg4: memref<2560x128xi32, #tpu.memory_space<hbm>>, %arg5: memref<10008x128xf32, #tpu.memory_space<hbm>>, %arg6: memref<20016x128xf32, #tpu.memory_space<hbm>>, %arg7: memref<40x128xi32, #tpu.memory_space<vmem>>, %arg8: memref<40x128xi32, #tpu.memory_space<vmem>>, %arg9: memref<128x128xf32, #tpu.memory_space<vmem>>, %arg10: memref<128x128xf32, #tpu.memory_space<vmem>>, %arg11: memref<10008x128xf32, #tpu.memory_space<vmem_shared>>, %arg12: memref<!tpu.dma_semaphore, #tpu.memory_space<semaphore_mem>>, %arg13: memref<!tpu.dma_semaphore, #tpu.memory_space<semaphore_mem>>) attributes {dimension_semantics = [#tpu.dimension_semantics<core_parallel>, #tpu.dimension_semantics<subcore_parallel>], iteration_bounds = array<i64: 2, 16>, scalar_prefetch = 0 : i64, scratch_operands = 7 : i64, tpu.core_type = #tpu.core_type<sc_vector_subcore>, window_params = [{transform_indices = #map}, {transform_indices = #map}, {transform_indices = #map}, {transform_indices = #map}, {transform_indices = #map}]} {
    %mul3A = arith.constant 2 : i32
    %mul3A_0 = arith.muli %arg1, %mul3A : i32
    %add3A = arith.addi %mul3A_0, %arg0 : i32
    %mul3A_1 = arith.constant 80 : i32
    %mul3A_2 = arith.muli %add3A, %mul3A_1 : i32
    %mul3A_3 = arith.constant 632 : i32
    %mul3A_4 = arith.muli %arg1, %mul3A_3 : i32
    %multiple_of3A = tpu.assume_multiple %mul3A_4, 8 : i32
    %lt3A = arith.constant 15 : i32
    %lt3A_5 = arith.cmpi slt, %arg1, %lt3A : i32
    %convert_element_type3A = arith.extui %lt3A_5 : i1 to i32
    %cond3A = arith.constant 0 : i32
    %cond3A_6 = arith.cmpi ne, %convert_element_type3A, %cond3A : i32
    scf.if %cond3A_6 {
      %add3A_59 = arith.constant 0 : i32
      %add3A_60 = arith.addi %add3A_59, %multiple_of3A : i32
      %multiple_of3A_61 = tpu.assume_multiple %add3A_60, 8 : i32
      %add3A_62 = arith.constant 0 : i32
      %add3A_63 = arith.addi %add3A_62, %multiple_of3A : i32
      %multiple_of3A_64 = tpu.assume_multiple %add3A_63, 8 : i32
      "tpu.region"() ({
        %run_scoped3A = tpu.sem_alloc : memref<!tpu.dma_semaphore, #tpu.memory_space<semaphore_mem>>
        %dma_start3A_65 = arith.constant 0 : i32
        %dma_start3A_66 = tpu.memref_slice %arg11[%multiple_of3A_64, %dma_start3A_65] : memref<10008x128xf32, #tpu.memory_space<vmem_shared>> -> memref<632x128xf32, #tpu.memory_space<vmem_shared>>
        %dma_start3A_67 = arith.constant 0 : i32
        %dma_start3A_68 = tpu.memref_slice %arg5[%multiple_of3A_61, %dma_start3A_67] : memref<10008x128xf32, #tpu.memory_space<hbm>> -> memref<632x128xf32, #tpu.memory_space<hbm>>
        tpu.enqueue_dma source(%dma_start3A_68 : memref<632x128xf32, #tpu.memory_space<hbm>>) target(%dma_start3A_66 : memref<632x128xf32, #tpu.memory_space<vmem_shared>>) target_semaphore(%run_scoped3A : memref<!tpu.dma_semaphore, #tpu.memory_space<semaphore_mem>>)
        %dma_wait3A = arith.constant 0 : i32
        %dma_wait3A_69 = tpu.memref_slice %arg11[%multiple_of3A_64, %dma_wait3A] : memref<10008x128xf32, #tpu.memory_space<vmem_shared>> -> memref<632x128xf32, #tpu.memory_space<vmem_shared>>
        %dma_wait3A_70 = arith.constant 0 : i32
        %dma_wait3A_71 = tpu.memref_slice %arg5[%multiple_of3A_61, %dma_wait3A_70] : memref<10008x128xf32, #tpu.memory_space<hbm>> -> memref<632x128xf32, #tpu.memory_space<hbm>>
        tpu.wait_dma2 semaphore(%run_scoped3A : memref<!tpu.dma_semaphore, #tpu.memory_space<semaphore_mem>>) src(%dma_wait3A_71 : memref<632x128xf32, #tpu.memory_space<hbm>>) dst(%dma_wait3A_69 : memref<632x128xf32, #tpu.memory_space<vmem_shared>>)
        tpu.yield
      }) : () -> ()
    } else {
    }
    %eq3A = arith.constant 15 : i32
    %eq3A_7 = arith.cmpi eq, %arg1, %eq3A : i32
    %convert_element_type3A_8 = arith.extui %eq3A_7 : i1 to i32
    %cond3A_9 = arith.constant 0 : i32
    %cond3A_10 = arith.cmpi ne, %convert_element_type3A_8, %cond3A_9 : i32
    scf.if %cond3A_10 {
      %multiple_of3A_59 = arith.constant 9480 : i32
      %multiple_of3A_60 = tpu.assume_multiple %multiple_of3A_59, 8 : i32
      %multiple_of3A_61 = arith.constant 9480 : i32
      %multiple_of3A_62 = tpu.assume_multiple %multiple_of3A_61, 8 : i32
      "tpu.region"() ({
        %run_scoped3A = tpu.sem_alloc : memref<!tpu.dma_semaphore, #tpu.memory_space<semaphore_mem>>
        %dma_start3A_63 = arith.constant 0 : i32
        %dma_start3A_64 = tpu.memref_slice %arg11[%multiple_of3A_62, %dma_start3A_63] : memref<10008x128xf32, #tpu.memory_space<vmem_shared>> -> memref<528x128xf32, #tpu.memory_space<vmem_shared>>
        %dma_start3A_65 = arith.constant 0 : i32
        %dma_start3A_66 = tpu.memref_slice %arg5[%multiple_of3A_60, %dma_start3A_65] : memref<10008x128xf32, #tpu.memory_space<hbm>> -> memref<528x128xf32, #tpu.memory_space<hbm>>
        tpu.enqueue_dma source(%dma_start3A_66 : memref<528x128xf32, #tpu.memory_space<hbm>>) target(%dma_start3A_64 : memref<528x128xf32, #tpu.memory_space<vmem_shared>>) target_semaphore(%run_scoped3A : memref<!tpu.dma_semaphore, #tpu.memory_space<semaphore_mem>>)
        %dma_wait3A = arith.constant 0 : i32
        %dma_wait3A_67 = tpu.memref_slice %arg11[%multiple_of3A_62, %dma_wait3A] : memref<10008x128xf32, #tpu.memory_space<vmem_shared>> -> memref<528x128xf32, #tpu.memory_space<vmem_shared>>
        %dma_wait3A_68 = arith.constant 0 : i32
        %dma_wait3A_69 = tpu.memref_slice %arg5[%multiple_of3A_60, %dma_wait3A_68] : memref<10008x128xf32, #tpu.memory_space<hbm>> -> memref<528x128xf32, #tpu.memory_space<hbm>>
        tpu.wait_dma2 semaphore(%run_scoped3A : memref<!tpu.dma_semaphore, #tpu.memory_space<semaphore_mem>>) src(%dma_wait3A_69 : memref<528x128xf32, #tpu.memory_space<hbm>>) dst(%dma_wait3A_67 : memref<528x128xf32, #tpu.memory_space<vmem_shared>>)
        tpu.yield
      }) : () -> ()
    } else {
    }
    %barrier3A = arith.constant 0 : index
    tpu.barrier barrier_id(%barrier3A)
    %add3A_11 = arith.constant 0 : i32
    %add3A_12 = arith.addi %mul3A_2, %add3A_11 : i32
    "tpu.region"() ({
      %run_scoped3A = tpu.sem_alloc : memref<!tpu.dma_semaphore, #tpu.memory_space<semaphore_mem>>
      %dma_start3A_59 = arith.constant 0 : i32
      %dma_start3A_60 = tpu.memref_slice %arg3[%add3A_12, %dma_start3A_59] : memref<2560x128xi32, #tpu.memory_space<hbm>> -> memref<40x128xi32, #tpu.memory_space<hbm>>
      %dma_start3A_61 = arith.constant 0 : i32
      %dma_start3A_62 = tpu.memref_slice %arg3[%add3A_12, %dma_start3A_61] : memref<2560x128xi32, #tpu.memory_space<hbm>> -> memref<40x128xi32, #tpu.memory_space<hbm>>
      tpu.enqueue_dma source(%dma_start3A_62 : memref<40x128xi32, #tpu.memory_space<hbm>>) target(%arg7 : memref<40x128xi32, #tpu.memory_space<vmem>>) target_semaphore(%run_scoped3A : memref<!tpu.dma_semaphore, #tpu.memory_space<semaphore_mem>>)
      %dma_wait3A = arith.constant 0 : i32
      %dma_wait3A_63 = tpu.memref_slice %arg3[%add3A_12, %dma_wait3A] : memref<2560x128xi32, #tpu.memory_space<hbm>> -> memref<40x128xi32, #tpu.memory_space<hbm>>
      %dma_wait3A_64 = arith.constant 0 : i32
      %dma_wait3A_65 = tpu.memref_slice %arg3[%add3A_12, %dma_wait3A_64] : memref<2560x128xi32, #tpu.memory_space<hbm>> -> memref<40x128xi32, #tpu.memory_space<hbm>>
      tpu.wait_dma2 semaphore(%run_scoped3A : memref<!tpu.dma_semaphore, #tpu.memory_space<semaphore_mem>>) src(%dma_wait3A_65 : memref<40x128xi32, #tpu.memory_space<hbm>>) dst(%arg7 : memref<40x128xi32, #tpu.memory_space<vmem>>)
      tpu.yield
    }) : () -> ()
    %add3A_13 = arith.constant 0 : i32
    %add3A_14 = arith.addi %mul3A_2, %add3A_13 : i32
    "tpu.region"() ({
      %run_scoped3A = tpu.sem_alloc : memref<!tpu.dma_semaphore, #tpu.memory_space<semaphore_mem>>
      %dma_start3A_59 = arith.constant 0 : i32
      %dma_start3A_60 = tpu.memref_slice %arg4[%add3A_14, %dma_start3A_59] : memref<2560x128xi32, #tpu.memory_space<hbm>> -> memref<40x128xi32, #tpu.memory_space<hbm>>
      %dma_start3A_61 = arith.constant 0 : i32
      %dma_start3A_62 = tpu.memref_slice %arg4[%add3A_14, %dma_start3A_61] : memref<2560x128xi32, #tpu.memory_space<hbm>> -> memref<40x128xi32, #tpu.memory_space<hbm>>
      tpu.enqueue_dma source(%dma_start3A_62 : memref<40x128xi32, #tpu.memory_space<hbm>>) target(%arg8 : memref<40x128xi32, #tpu.memory_space<vmem>>) target_semaphore(%run_scoped3A : memref<!tpu.dma_semaphore, #tpu.memory_space<semaphore_mem>>)
      %dma_wait3A = arith.constant 0 : i32
      %dma_wait3A_63 = tpu.memref_slice %arg4[%add3A_14, %dma_wait3A] : memref<2560x128xi32, #tpu.memory_space<hbm>> -> memref<40x128xi32, #tpu.memory_space<hbm>>
      %dma_wait3A_64 = arith.constant 0 : i32
      %dma_wait3A_65 = tpu.memref_slice %arg4[%add3A_14, %dma_wait3A_64] : memref<2560x128xi32, #tpu.memory_space<hbm>> -> memref<40x128xi32, #tpu.memory_space<hbm>>
      tpu.wait_dma2 semaphore(%run_scoped3A : memref<!tpu.dma_semaphore, #tpu.memory_space<semaphore_mem>>) src(%dma_wait3A_65 : memref<40x128xi32, #tpu.memory_space<hbm>>) dst(%arg8 : memref<40x128xi32, #tpu.memory_space<vmem>>)
      tpu.yield
    }) : () -> ()
    %dma_start3A = arith.constant 0 : i32
    %dma_start3A_15 = arith.constant 0 : i32
    %dma_start3A_16 = tpu.memref_slice %arg7[%dma_start3A, %dma_start3A_15] : memref<40x128xi32, #tpu.memory_space<vmem>> -> memref<1x128xi32, #tpu.memory_space<vmem>>
    %dma_start3A_17 = tpu.memref_squeeze %dma_start3A_16 : memref<1x128xi32, #tpu.memory_space<vmem>> -> memref<128xi32, #tpu.memory_space<vmem>>
    %dma_start3A_18 = arith.constant 0 : i32
    %dma_start3A_19 = arith.constant 0 : i32
    %dma_start3A_20 = tpu.memref_slice %arg2[%dma_start3A_18, %dma_start3A_19] : memref<10008x128xf32, #tpu.memory_space<hbm>> -> memref<10008x128xf32, #tpu.memory_space<hbm>>
    tpu.enqueue_indirect_dma source(%dma_start3A_20 : memref<10008x128xf32, #tpu.memory_space<hbm>>) target(%arg9 : memref<128x128xf32, #tpu.memory_space<vmem>>) offsets(%dma_start3A_17 : memref<128xi32, #tpu.memory_space<vmem>>) semaphore(%arg12 : memref<!tpu.dma_semaphore, #tpu.memory_space<semaphore_mem>>)
    %scan3A = arith.constant 0 : i32
    %scan3A_21 = arith.constant 0 : i32
    %scan3A_22 = arith.constant 20 : i32
    %scan3A_23 = arith.addi %scan3A_21, %scan3A_22 : i32
    %scan3A_24 = arith.constant 1 : i32
    scf.for %scan3A_59 = %scan3A_21 to %scan3A_23 step %scan3A_24  : i32 {
      %mul3A_60 = arith.constant 2 : i32
      %mul3A_61 = arith.muli %mul3A_60, %scan3A_59 : i32
      %add3A_62 = arith.constant 1 : i32
      %add3A_63 = arith.addi %mul3A_61, %add3A_62 : i32
      %dma_start3A_64 = arith.constant 0 : i32
      %dma_start3A_65 = tpu.memref_slice %arg7[%add3A_63, %dma_start3A_64] : memref<40x128xi32, #tpu.memory_space<vmem>> -> memref<1x128xi32, #tpu.memory_space<vmem>>
      %dma_start3A_66 = tpu.memref_squeeze %dma_start3A_65 : memref<1x128xi32, #tpu.memory_space<vmem>> -> memref<128xi32, #tpu.memory_space<vmem>>
      %dma_start3A_67 = arith.constant 0 : i32
      %dma_start3A_68 = arith.constant 0 : i32
      %dma_start3A_69 = tpu.memref_slice %arg2[%dma_start3A_67, %dma_start3A_68] : memref<10008x128xf32, #tpu.memory_space<hbm>> -> memref<10008x128xf32, #tpu.memory_space<hbm>>
      tpu.enqueue_indirect_dma source(%dma_start3A_69 : memref<10008x128xf32, #tpu.memory_space<hbm>>) target(%arg10 : memref<128x128xf32, #tpu.memory_space<vmem>>) offsets(%dma_start3A_66 : memref<128xi32, #tpu.memory_space<vmem>>) semaphore(%arg13 : memref<!tpu.dma_semaphore, #tpu.memory_space<semaphore_mem>>)
      %dma_wait3A = arith.constant 0 : i32
      %dma_wait3A_70 = tpu.memref_slice %arg7[%mul3A_61, %dma_wait3A] : memref<40x128xi32, #tpu.memory_space<vmem>> -> memref<1x128xi32, #tpu.memory_space<vmem>>
      %dma_wait3A_71 = tpu.memref_squeeze %dma_wait3A_70 : memref<1x128xi32, #tpu.memory_space<vmem>> -> memref<128xi32, #tpu.memory_space<vmem>>
      %dma_wait3A_72 = arith.constant 0 : i32
      %dma_wait3A_73 = arith.constant 0 : i32
      %dma_wait3A_74 = tpu.memref_slice %arg2[%dma_wait3A_72, %dma_wait3A_73] : memref<10008x128xf32, #tpu.memory_space<hbm>> -> memref<10008x128xf32, #tpu.memory_space<hbm>>
      tpu.wait_indirect_dma semaphore(%arg12 : memref<!tpu.dma_semaphore, #tpu.memory_space<semaphore_mem>>) src(%dma_wait3A_74 : memref<10008x128xf32, #tpu.memory_space<hbm>>) dst(%arg9 : memref<128x128xf32, #tpu.memory_space<vmem>>)
      "tpu.region"() ({
        %run_scoped3A = tpu.sem_alloc : memref<!tpu.dma_semaphore, #tpu.memory_space<semaphore_mem>>
        %dma_start3A_90 = arith.constant 0 : i32
        %dma_start3A_91 = tpu.memref_slice %arg8[%mul3A_61, %dma_start3A_90] : memref<40x128xi32, #tpu.memory_space<vmem>> -> memref<1x128xi32, #tpu.memory_space<vmem>>
        %dma_start3A_92 = tpu.memref_squeeze %dma_start3A_91 : memref<1x128xi32, #tpu.memory_space<vmem>> -> memref<128xi32, #tpu.memory_space<vmem>>
        %dma_start3A_93 = arith.constant 0 : i32
        %dma_start3A_94 = arith.constant 0 : i32
        %dma_start3A_95 = tpu.memref_slice %arg11[%dma_start3A_93, %dma_start3A_94] : memref<10008x128xf32, #tpu.memory_space<vmem_shared>> -> memref<10008x128xf32, #tpu.memory_space<vmem_shared>>
        tpu.enqueue_indirect_dma source(%arg9 : memref<128x128xf32, #tpu.memory_space<vmem>>) target(%dma_start3A_95 : memref<10008x128xf32, #tpu.memory_space<vmem_shared>>) offsets(%dma_start3A_92 : memref<128xi32, #tpu.memory_space<vmem>>) semaphore(%run_scoped3A : memref<!tpu.dma_semaphore, #tpu.memory_space<semaphore_mem>>) {add = true}
        %dma_wait3A_96 = arith.constant 0 : i32
        %dma_wait3A_97 = tpu.memref_slice %arg8[%mul3A_61, %dma_wait3A_96] : memref<40x128xi32, #tpu.memory_space<vmem>> -> memref<1x128xi32, #tpu.memory_space<vmem>>
        %dma_wait3A_98 = tpu.memref_squeeze %dma_wait3A_97 : memref<1x128xi32, #tpu.memory_space<vmem>> -> memref<128xi32, #tpu.memory_space<vmem>>
        %dma_wait3A_99 = arith.constant 0 : i32
        %dma_wait3A_100 = arith.constant 0 : i32
        %dma_wait3A_101 = tpu.memref_slice %arg11[%dma_wait3A_99, %dma_wait3A_100] : memref<10008x128xf32, #tpu.memory_space<vmem_shared>> -> memref<10008x128xf32, #tpu.memory_space<vmem_shared>>
        tpu.wait_indirect_dma semaphore(%run_scoped3A : memref<!tpu.dma_semaphore, #tpu.memory_space<semaphore_mem>>) src(%arg9 : memref<128x128xf32, #tpu.memory_space<vmem>>) dst(%dma_wait3A_101 : memref<10008x128xf32, #tpu.memory_space<vmem_shared>>)
        tpu.yield
      }) : () -> ()
      %lt3A_75 = arith.constant 19 : i32
      %lt3A_76 = arith.cmpi slt, %scan3A_59, %lt3A_75 : i32
      %convert_element_type3A_77 = arith.extui %lt3A_76 : i1 to i32
      %cond3A_78 = arith.constant 0 : i32
      %cond3A_79 = arith.cmpi ne, %convert_element_type3A_77, %cond3A_78 : i32
      scf.if %cond3A_79 {
        %add3A_90 = arith.constant 2 : i32
        %add3A_91 = arith.addi %mul3A_61, %add3A_90 : i32
        %dma_start3A_92 = arith.constant 0 : i32
        %dma_start3A_93 = tpu.memref_slice %arg7[%add3A_91, %dma_start3A_92] : memref<40x128xi32, #tpu.memory_space<vmem>> -> memref<1x128xi32, #tpu.memory_space<vmem>>
        %dma_start3A_94 = tpu.memref_squeeze %dma_start3A_93 : memref<1x128xi32, #tpu.memory_space<vmem>> -> memref<128xi32, #tpu.memory_space<vmem>>
        %dma_start3A_95 = arith.constant 0 : i32
        %dma_start3A_96 = arith.constant 0 : i32
        %dma_start3A_97 = tpu.memref_slice %arg2[%dma_start3A_95, %dma_start3A_96] : memref<10008x128xf32, #tpu.memory_space<hbm>> -> memref<10008x128xf32, #tpu.memory_space<hbm>>
        tpu.enqueue_indirect_dma source(%dma_start3A_97 : memref<10008x128xf32, #tpu.memory_space<hbm>>) target(%arg9 : memref<128x128xf32, #tpu.memory_space<vmem>>) offsets(%dma_start3A_94 : memref<128xi32, #tpu.memory_space<vmem>>) semaphore(%arg12 : memref<!tpu.dma_semaphore, #tpu.memory_space<semaphore_mem>>)
      } else {
      }
      %add3A_80 = arith.constant 1 : i32
      %add3A_81 = arith.addi %mul3A_61, %add3A_80 : i32
      %dma_wait3A_82 = arith.constant 0 : i32
      %dma_wait3A_83 = tpu.memref_slice %arg7[%add3A_81, %dma_wait3A_82] : memref<40x128xi32, #tpu.memory_space<vmem>> -> memref<1x128xi32, #tpu.memory_space<vmem>>
      %dma_wait3A_84 = tpu.memref_squeeze %dma_wait3A_83 : memref<1x128xi32, #tpu.memory_space<vmem>> -> memref<128xi32, #tpu.memory_space<vmem>>
      %dma_wait3A_85 = arith.constant 0 : i32
      %dma_wait3A_86 = arith.constant 0 : i32
      %dma_wait3A_87 = tpu.memref_slice %arg2[%dma_wait3A_85, %dma_wait3A_86] : memref<10008x128xf32, #tpu.memory_space<hbm>> -> memref<10008x128xf32, #tpu.memory_space<hbm>>
      tpu.wait_indirect_dma semaphore(%arg13 : memref<!tpu.dma_semaphore, #tpu.memory_space<semaphore_mem>>) src(%dma_wait3A_87 : memref<10008x128xf32, #tpu.memory_space<hbm>>) dst(%arg10 : memref<128x128xf32, #tpu.memory_space<vmem>>)
      %add3A_88 = arith.constant 1 : i32
      %add3A_89 = arith.addi %mul3A_61, %add3A_88 : i32
      "tpu.region"() ({
        %run_scoped3A = tpu.sem_alloc : memref<!tpu.dma_semaphore, #tpu.memory_space<semaphore_mem>>
        %dma_start3A_90 = arith.constant 0 : i32
        %dma_start3A_91 = tpu.memref_slice %arg8[%add3A_89, %dma_start3A_90] : memref<40x128xi32, #tpu.memory_space<vmem>> -> memref<1x128xi32, #tpu.memory_space<vmem>>
        %dma_start3A_92 = tpu.memref_squeeze %dma_start3A_91 : memref<1x128xi32, #tpu.memory_space<vmem>> -> memref<128xi32, #tpu.memory_space<vmem>>
        %dma_start3A_93 = arith.constant 0 : i32
        %dma_start3A_94 = arith.constant 0 : i32
        %dma_start3A_95 = tpu.memref_slice %arg11[%dma_start3A_93, %dma_start3A_94] : memref<10008x128xf32, #tpu.memory_space<vmem_shared>> -> memref<10008x128xf32, #tpu.memory_space<vmem_shared>>
        tpu.enqueue_indirect_dma source(%arg10 : memref<128x128xf32, #tpu.memory_space<vmem>>) target(%dma_start3A_95 : memref<10008x128xf32, #tpu.memory_space<vmem_shared>>) offsets(%dma_start3A_92 : memref<128xi32, #tpu.memory_space<vmem>>) semaphore(%run_scoped3A : memref<!tpu.dma_semaphore, #tpu.memory_space<semaphore_mem>>) {add = true}
        %dma_wait3A_96 = arith.constant 0 : i32
        %dma_wait3A_97 = tpu.memref_slice %arg8[%add3A_89, %dma_wait3A_96] : memref<40x128xi32, #tpu.memory_space<vmem>> -> memref<1x128xi32, #tpu.memory_space<vmem>>
        %dma_wait3A_98 = tpu.memref_squeeze %dma_wait3A_97 : memref<1x128xi32, #tpu.memory_space<vmem>> -> memref<128xi32, #tpu.memory_space<vmem>>
        %dma_wait3A_99 = arith.constant 0 : i32
        %dma_wait3A_100 = arith.constant 0 : i32
        %dma_wait3A_101 = tpu.memref_slice %arg11[%dma_wait3A_99, %dma_wait3A_100] : memref<10008x128xf32, #tpu.memory_space<vmem_shared>> -> memref<10008x128xf32, #tpu.memory_space<vmem_shared>>
        tpu.wait_indirect_dma semaphore(%run_scoped3A : memref<!tpu.dma_semaphore, #tpu.memory_space<semaphore_mem>>) src(%arg10 : memref<128x128xf32, #tpu.memory_space<vmem>>) dst(%dma_wait3A_101 : memref<10008x128xf32, #tpu.memory_space<vmem_shared>>)
        tpu.yield
      }) : () -> ()
    }
    %scan3A_25 = arith.constant 20 : i32
    %add3A_26 = arith.constant 40 : i32
    %add3A_27 = arith.addi %mul3A_2, %add3A_26 : i32
    "tpu.region"() ({
      %run_scoped3A = tpu.sem_alloc : memref<!tpu.dma_semaphore, #tpu.memory_space<semaphore_mem>>
      %dma_start3A_59 = arith.constant 0 : i32
      %dma_start3A_60 = tpu.memref_slice %arg3[%add3A_27, %dma_start3A_59] : memref<2560x128xi32, #tpu.memory_space<hbm>> -> memref<40x128xi32, #tpu.memory_space<hbm>>
      %dma_start3A_61 = arith.constant 0 : i32
      %dma_start3A_62 = tpu.memref_slice %arg3[%add3A_27, %dma_start3A_61] : memref<2560x128xi32, #tpu.memory_space<hbm>> -> memref<40x128xi32, #tpu.memory_space<hbm>>
      tpu.enqueue_dma source(%dma_start3A_62 : memref<40x128xi32, #tpu.memory_space<hbm>>) target(%arg7 : memref<40x128xi32, #tpu.memory_space<vmem>>) target_semaphore(%run_scoped3A : memref<!tpu.dma_semaphore, #tpu.memory_space<semaphore_mem>>)
      %dma_wait3A = arith.constant 0 : i32
      %dma_wait3A_63 = tpu.memref_slice %arg3[%add3A_27, %dma_wait3A] : memref<2560x128xi32, #tpu.memory_space<hbm>> -> memref<40x128xi32, #tpu.memory_space<hbm>>
      %dma_wait3A_64 = arith.constant 0 : i32
      %dma_wait3A_65 = tpu.memref_slice %arg3[%add3A_27, %dma_wait3A_64] : memref<2560x128xi32, #tpu.memory_space<hbm>> -> memref<40x128xi32, #tpu.memory_space<hbm>>
      tpu.wait_dma2 semaphore(%run_scoped3A : memref<!tpu.dma_semaphore, #tpu.memory_space<semaphore_mem>>) src(%dma_wait3A_65 : memref<40x128xi32, #tpu.memory_space<hbm>>) dst(%arg7 : memref<40x128xi32, #tpu.memory_space<vmem>>)
      tpu.yield
    }) : () -> ()
    %add3A_28 = arith.constant 40 : i32
    %add3A_29 = arith.addi %mul3A_2, %add3A_28 : i32
    "tpu.region"() ({
      %run_scoped3A = tpu.sem_alloc : memref<!tpu.dma_semaphore, #tpu.memory_space<semaphore_mem>>
      %dma_start3A_59 = arith.constant 0 : i32
      %dma_start3A_60 = tpu.memref_slice %arg4[%add3A_29, %dma_start3A_59] : memref<2560x128xi32, #tpu.memory_space<hbm>> -> memref<40x128xi32, #tpu.memory_space<hbm>>
      %dma_start3A_61 = arith.constant 0 : i32
      %dma_start3A_62 = tpu.memref_slice %arg4[%add3A_29, %dma_start3A_61] : memref<2560x128xi32, #tpu.memory_space<hbm>> -> memref<40x128xi32, #tpu.memory_space<hbm>>
      tpu.enqueue_dma source(%dma_start3A_62 : memref<40x128xi32, #tpu.memory_space<hbm>>) target(%arg8 : memref<40x128xi32, #tpu.memory_space<vmem>>) target_semaphore(%run_scoped3A : memref<!tpu.dma_semaphore, #tpu.memory_space<semaphore_mem>>)
      %dma_wait3A = arith.constant 0 : i32
      %dma_wait3A_63 = tpu.memref_slice %arg4[%add3A_29, %dma_wait3A] : memref<2560x128xi32, #tpu.memory_space<hbm>> -> memref<40x128xi32, #tpu.memory_space<hbm>>
      %dma_wait3A_64 = arith.constant 0 : i32
      %dma_wait3A_65 = tpu.memref_slice %arg4[%add3A_29, %dma_wait3A_64] : memref<2560x128xi32, #tpu.memory_space<hbm>> -> memref<40x128xi32, #tpu.memory_space<hbm>>
      tpu.wait_dma2 semaphore(%run_scoped3A : memref<!tpu.dma_semaphore, #tpu.memory_space<semaphore_mem>>) src(%dma_wait3A_65 : memref<40x128xi32, #tpu.memory_space<hbm>>) dst(%arg8 : memref<40x128xi32, #tpu.memory_space<vmem>>)
      tpu.yield
    }) : () -> ()
    %dma_start3A_30 = arith.constant 0 : i32
    %dma_start3A_31 = arith.constant 0 : i32
    %dma_start3A_32 = tpu.memref_slice %arg7[%dma_start3A_30, %dma_start3A_31] : memref<40x128xi32, #tpu.memory_space<vmem>> -> memref<1x128xi32, #tpu.memory_space<vmem>>
    %dma_start3A_33 = tpu.memref_squeeze %dma_start3A_32 : memref<1x128xi32, #tpu.memory_space<vmem>> -> memref<128xi32, #tpu.memory_space<vmem>>
    %dma_start3A_34 = arith.constant 0 : i32
    %dma_start3A_35 = arith.constant 0 : i32
    %dma_start3A_36 = tpu.memref_slice %arg2[%dma_start3A_34, %dma_start3A_35] : memref<10008x128xf32, #tpu.memory_space<hbm>> -> memref<10008x128xf32, #tpu.memory_space<hbm>>
    tpu.enqueue_indirect_dma source(%dma_start3A_36 : memref<10008x128xf32, #tpu.memory_space<hbm>>) target(%arg9 : memref<128x128xf32, #tpu.memory_space<vmem>>) offsets(%dma_start3A_33 : memref<128xi32, #tpu.memory_space<vmem>>) semaphore(%arg12 : memref<!tpu.dma_semaphore, #tpu.memory_space<semaphore_mem>>)
    %scan3A_37 = arith.constant 0 : i32
    %scan3A_38 = arith.constant 0 : i32
    %scan3A_39 = arith.constant 20 : i32
    %scan3A_40 = arith.addi %scan3A_38, %scan3A_39 : i32
    %scan3A_41 = arith.constant 1 : i32
    scf.for %scan3A_59 = %scan3A_38 to %scan3A_40 step %scan3A_41  : i32 {
      %mul3A_60 = arith.constant 2 : i32
      %mul3A_61 = arith.muli %mul3A_60, %scan3A_59 : i32
      %add3A_62 = arith.constant 1 : i32
      %add3A_63 = arith.addi %mul3A_61, %add3A_62 : i32
      %dma_start3A_64 = arith.constant 0 : i32
      %dma_start3A_65 = tpu.memref_slice %arg7[%add3A_63, %dma_start3A_64] : memref<40x128xi32, #tpu.memory_space<vmem>> -> memref<1x128xi32, #tpu.memory_space<vmem>>
      %dma_start3A_66 = tpu.memref_squeeze %dma_start3A_65 : memref<1x128xi32, #tpu.memory_space<vmem>> -> memref<128xi32, #tpu.memory_space<vmem>>
      %dma_start3A_67 = arith.constant 0 : i32
      %dma_start3A_68 = arith.constant 0 : i32
      %dma_start3A_69 = tpu.memref_slice %arg2[%dma_start3A_67, %dma_start3A_68] : memref<10008x128xf32, #tpu.memory_space<hbm>> -> memref<10008x128xf32, #tpu.memory_space<hbm>>
      tpu.enqueue_indirect_dma source(%dma_start3A_69 : memref<10008x128xf32, #tpu.memory_space<hbm>>) target(%arg10 : memref<128x128xf32, #tpu.memory_space<vmem>>) offsets(%dma_start3A_66 : memref<128xi32, #tpu.memory_space<vmem>>) semaphore(%arg13 : memref<!tpu.dma_semaphore, #tpu.memory_space<semaphore_mem>>)
      %dma_wait3A = arith.constant 0 : i32
      %dma_wait3A_70 = tpu.memref_slice %arg7[%mul3A_61, %dma_wait3A] : memref<40x128xi32, #tpu.memory_space<vmem>> -> memref<1x128xi32, #tpu.memory_space<vmem>>
      %dma_wait3A_71 = tpu.memref_squeeze %dma_wait3A_70 : memref<1x128xi32, #tpu.memory_space<vmem>> -> memref<128xi32, #tpu.memory_space<vmem>>
      %dma_wait3A_72 = arith.constant 0 : i32
      %dma_wait3A_73 = arith.constant 0 : i32
      %dma_wait3A_74 = tpu.memref_slice %arg2[%dma_wait3A_72, %dma_wait3A_73] : memref<10008x128xf32, #tpu.memory_space<hbm>> -> memref<10008x128xf32, #tpu.memory_space<hbm>>
      tpu.wait_indirect_dma semaphore(%arg12 : memref<!tpu.dma_semaphore, #tpu.memory_space<semaphore_mem>>) src(%dma_wait3A_74 : memref<10008x128xf32, #tpu.memory_space<hbm>>) dst(%arg9 : memref<128x128xf32, #tpu.memory_space<vmem>>)
      "tpu.region"() ({
        %run_scoped3A = tpu.sem_alloc : memref<!tpu.dma_semaphore, #tpu.memory_space<semaphore_mem>>
        %dma_start3A_90 = arith.constant 0 : i32
        %dma_start3A_91 = tpu.memref_slice %arg8[%mul3A_61, %dma_start3A_90] : memref<40x128xi32, #tpu.memory_space<vmem>> -> memref<1x128xi32, #tpu.memory_space<vmem>>
        %dma_start3A_92 = tpu.memref_squeeze %dma_start3A_91 : memref<1x128xi32, #tpu.memory_space<vmem>> -> memref<128xi32, #tpu.memory_space<vmem>>
        %dma_start3A_93 = arith.constant 0 : i32
        %dma_start3A_94 = arith.constant 0 : i32
        %dma_start3A_95 = tpu.memref_slice %arg11[%dma_start3A_93, %dma_start3A_94] : memref<10008x128xf32, #tpu.memory_space<vmem_shared>> -> memref<10008x128xf32, #tpu.memory_space<vmem_shared>>
        tpu.enqueue_indirect_dma source(%arg9 : memref<128x128xf32, #tpu.memory_space<vmem>>) target(%dma_start3A_95 : memref<10008x128xf32, #tpu.memory_space<vmem_shared>>) offsets(%dma_start3A_92 : memref<128xi32, #tpu.memory_space<vmem>>) semaphore(%run_scoped3A : memref<!tpu.dma_semaphore, #tpu.memory_space<semaphore_mem>>) {add = true}
        %dma_wait3A_96 = arith.constant 0 : i32
        %dma_wait3A_97 = tpu.memref_slice %arg8[%mul3A_61, %dma_wait3A_96] : memref<40x128xi32, #tpu.memory_space<vmem>> -> memref<1x128xi32, #tpu.memory_space<vmem>>
        %dma_wait3A_98 = tpu.memref_squeeze %dma_wait3A_97 : memref<1x128xi32, #tpu.memory_space<vmem>> -> memref<128xi32, #tpu.memory_space<vmem>>
        %dma_wait3A_99 = arith.constant 0 : i32
        %dma_wait3A_100 = arith.constant 0 : i32
        %dma_wait3A_101 = tpu.memref_slice %arg11[%dma_wait3A_99, %dma_wait3A_100] : memref<10008x128xf32, #tpu.memory_space<vmem_shared>> -> memref<10008x128xf32, #tpu.memory_space<vmem_shared>>
        tpu.wait_indirect_dma semaphore(%run_scoped3A : memref<!tpu.dma_semaphore, #tpu.memory_space<semaphore_mem>>) src(%arg9 : memref<128x128xf32, #tpu.memory_space<vmem>>) dst(%dma_wait3A_101 : memref<10008x128xf32, #tpu.memory_space<vmem_shared>>)
        tpu.yield
      }) : () -> ()
      %lt3A_75 = arith.constant 19 : i32
      %lt3A_76 = arith.cmpi slt, %scan3A_59, %lt3A_75 : i32
      %convert_element_type3A_77 = arith.extui %lt3A_76 : i1 to i32
      %cond3A_78 = arith.constant 0 : i32
      %cond3A_79 = arith.cmpi ne, %convert_element_type3A_77, %cond3A_78 : i32
      scf.if %cond3A_79 {
        %add3A_90 = arith.constant 2 : i32
        %add3A_91 = arith.addi %mul3A_61, %add3A_90 : i32
        %dma_start3A_92 = arith.constant 0 : i32
        %dma_start3A_93 = tpu.memref_slice %arg7[%add3A_91, %dma_start3A_92] : memref<40x128xi32, #tpu.memory_space<vmem>> -> memref<1x128xi32, #tpu.memory_space<vmem>>
        %dma_start3A_94 = tpu.memref_squeeze %dma_start3A_93 : memref<1x128xi32, #tpu.memory_space<vmem>> -> memref<128xi32, #tpu.memory_space<vmem>>
        %dma_start3A_95 = arith.constant 0 : i32
        %dma_start3A_96 = arith.constant 0 : i32
        %dma_start3A_97 = tpu.memref_slice %arg2[%dma_start3A_95, %dma_start3A_96] : memref<10008x128xf32, #tpu.memory_space<hbm>> -> memref<10008x128xf32, #tpu.memory_space<hbm>>
        tpu.enqueue_indirect_dma source(%dma_start3A_97 : memref<10008x128xf32, #tpu.memory_space<hbm>>) target(%arg9 : memref<128x128xf32, #tpu.memory_space<vmem>>) offsets(%dma_start3A_94 : memref<128xi32, #tpu.memory_space<vmem>>) semaphore(%arg12 : memref<!tpu.dma_semaphore, #tpu.memory_space<semaphore_mem>>)
      } else {
      }
      %add3A_80 = arith.constant 1 : i32
      %add3A_81 = arith.addi %mul3A_61, %add3A_80 : i32
      %dma_wait3A_82 = arith.constant 0 : i32
      %dma_wait3A_83 = tpu.memref_slice %arg7[%add3A_81, %dma_wait3A_82] : memref<40x128xi32, #tpu.memory_space<vmem>> -> memref<1x128xi32, #tpu.memory_space<vmem>>
      %dma_wait3A_84 = tpu.memref_squeeze %dma_wait3A_83 : memref<1x128xi32, #tpu.memory_space<vmem>> -> memref<128xi32, #tpu.memory_space<vmem>>
      %dma_wait3A_85 = arith.constant 0 : i32
      %dma_wait3A_86 = arith.constant 0 : i32
      %dma_wait3A_87 = tpu.memref_slice %arg2[%dma_wait3A_85, %dma_wait3A_86] : memref<10008x128xf32, #tpu.memory_space<hbm>> -> memref<10008x128xf32, #tpu.memory_space<hbm>>
      tpu.wait_indirect_dma semaphore(%arg13 : memref<!tpu.dma_semaphore, #tpu.memory_space<semaphore_mem>>) src(%dma_wait3A_87 : memref<10008x128xf32, #tpu.memory_space<hbm>>) dst(%arg10 : memref<128x128xf32, #tpu.memory_space<vmem>>)
      %add3A_88 = arith.constant 1 : i32
      %add3A_89 = arith.addi %mul3A_61, %add3A_88 : i32
      "tpu.region"() ({
        %run_scoped3A = tpu.sem_alloc : memref<!tpu.dma_semaphore, #tpu.memory_space<semaphore_mem>>
        %dma_start3A_90 = arith.constant 0 : i32
        %dma_start3A_91 = tpu.memref_slice %arg8[%add3A_89, %dma_start3A_90] : memref<40x128xi32, #tpu.memory_space<vmem>> -> memref<1x128xi32, #tpu.memory_space<vmem>>
        %dma_start3A_92 = tpu.memref_squeeze %dma_start3A_91 : memref<1x128xi32, #tpu.memory_space<vmem>> -> memref<128xi32, #tpu.memory_space<vmem>>
        %dma_start3A_93 = arith.constant 0 : i32
        %dma_start3A_94 = arith.constant 0 : i32
        %dma_start3A_95 = tpu.memref_slice %arg11[%dma_start3A_93, %dma_start3A_94] : memref<10008x128xf32, #tpu.memory_space<vmem_shared>> -> memref<10008x128xf32, #tpu.memory_space<vmem_shared>>
        tpu.enqueue_indirect_dma source(%arg10 : memref<128x128xf32, #tpu.memory_space<vmem>>) target(%dma_start3A_95 : memref<10008x128xf32, #tpu.memory_space<vmem_shared>>) offsets(%dma_start3A_92 : memref<128xi32, #tpu.memory_space<vmem>>) semaphore(%run_scoped3A : memref<!tpu.dma_semaphore, #tpu.memory_space<semaphore_mem>>) {add = true}
        %dma_wait3A_96 = arith.constant 0 : i32
        %dma_wait3A_97 = tpu.memref_slice %arg8[%add3A_89, %dma_wait3A_96] : memref<40x128xi32, #tpu.memory_space<vmem>> -> memref<1x128xi32, #tpu.memory_space<vmem>>
        %dma_wait3A_98 = tpu.memref_squeeze %dma_wait3A_97 : memref<1x128xi32, #tpu.memory_space<vmem>> -> memref<128xi32, #tpu.memory_space<vmem>>
        %dma_wait3A_99 = arith.constant 0 : i32
        %dma_wait3A_100 = arith.constant 0 : i32
        %dma_wait3A_101 = tpu.memref_slice %arg11[%dma_wait3A_99, %dma_wait3A_100] : memref<10008x128xf32, #tpu.memory_space<vmem_shared>> -> memref<10008x128xf32, #tpu.memory_space<vmem_shared>>
        tpu.wait_indirect_dma semaphore(%run_scoped3A : memref<!tpu.dma_semaphore, #tpu.memory_space<semaphore_mem>>) src(%arg10 : memref<128x128xf32, #tpu.memory_space<vmem>>) dst(%dma_wait3A_101 : memref<10008x128xf32, #tpu.memory_space<vmem_shared>>)
        tpu.yield
      }) : () -> ()
    }
    %scan3A_42 = arith.constant 20 : i32
    %barrier3A_43 = arith.constant 0 : index
    tpu.barrier barrier_id(%barrier3A_43)
    %mul3A_44 = arith.constant 10008 : i32
    %mul3A_45 = arith.muli %arg0, %mul3A_44 : i32
    %mul3A_46 = arith.constant 632 : i32
    %mul3A_47 = arith.muli %arg1, %mul3A_46 : i32
    %multiple_of3A_48 = tpu.assume_multiple %mul3A_47, 8 : i32
    %lt3A_49 = arith.constant 15 : i32
    %lt3A_50 = arith.cmpi slt, %arg1, %lt3A_49 : i32
    %convert_element_type3A_51 = arith.extui %lt3A_50 : i1 to i32
    %cond3A_52 = arith.constant 0 : i32
    %cond3A_53 = arith.cmpi ne, %convert_element_type3A_51, %cond3A_52 : i32
    scf.if %cond3A_53 {
      %add3A_59 = arith.constant 0 : i32
      %add3A_60 = arith.addi %add3A_59, %multiple_of3A_48 : i32
      %multiple_of3A_61 = tpu.assume_multiple %add3A_60, 8 : i32
      %add3A_62 = arith.addi %mul3A_45, %multiple_of3A_48 : i32
      %multiple_of3A_63 = tpu.assume_multiple %add3A_62, 8 : i32
      "tpu.region"() ({
        %run_scoped3A = tpu.sem_alloc : memref<!tpu.dma_semaphore, #tpu.memory_space<semaphore_mem>>
        %dma_start3A_64 = arith.constant 0 : i32
        %dma_start3A_65 = tpu.memref_slice %arg6[%multiple_of3A_63, %dma_start3A_64] : memref<20016x128xf32, #tpu.memory_space<hbm>> -> memref<632x128xf32, #tpu.memory_space<hbm>>
        %dma_start3A_66 = arith.constant 0 : i32
        %dma_start3A_67 = tpu.memref_slice %arg11[%multiple_of3A_61, %dma_start3A_66] : memref<10008x128xf32, #tpu.memory_space<vmem_shared>> -> memref<632x128xf32, #tpu.memory_space<vmem_shared>>
        tpu.enqueue_dma source(%dma_start3A_67 : memref<632x128xf32, #tpu.memory_space<vmem_shared>>) target(%dma_start3A_65 : memref<632x128xf32, #tpu.memory_space<hbm>>) target_semaphore(%run_scoped3A : memref<!tpu.dma_semaphore, #tpu.memory_space<semaphore_mem>>)
        %dma_wait3A = arith.constant 0 : i32
        %dma_wait3A_68 = tpu.memref_slice %arg6[%multiple_of3A_63, %dma_wait3A] : memref<20016x128xf32, #tpu.memory_space<hbm>> -> memref<632x128xf32, #tpu.memory_space<hbm>>
        %dma_wait3A_69 = arith.constant 0 : i32
        %dma_wait3A_70 = tpu.memref_slice %arg11[%multiple_of3A_61, %dma_wait3A_69] : memref<10008x128xf32, #tpu.memory_space<vmem_shared>> -> memref<632x128xf32, #tpu.memory_space<vmem_shared>>
        tpu.wait_dma2 semaphore(%run_scoped3A : memref<!tpu.dma_semaphore, #tpu.memory_space<semaphore_mem>>) src(%dma_wait3A_70 : memref<632x128xf32, #tpu.memory_space<vmem_shared>>) dst(%dma_wait3A_68 : memref<632x128xf32, #tpu.memory_space<hbm>>)
        tpu.yield
      }) : () -> ()
    } else {
    }
    %eq3A_54 = arith.constant 15 : i32
    %eq3A_55 = arith.cmpi eq, %arg1, %eq3A_54 : i32
    %convert_element_type3A_56 = arith.extui %eq3A_55 : i1 to i32
    %cond3A_57 = arith.constant 0 : i32
    %cond3A_58 = arith.cmpi ne, %convert_element_type3A_56, %cond3A_57 : i32
    scf.if %cond3A_58 {
      %multiple_of3A_59 = arith.constant 9480 : i32
      %multiple_of3A_60 = tpu.assume_multiple %multiple_of3A_59, 8 : i32
      %add3A_61 = arith.constant 9480 : i32
      %add3A_62 = arith.addi %mul3A_45, %add3A_61 : i32
      %multiple_of3A_63 = tpu.assume_multiple %add3A_62, 8 : i32
      "tpu.region"() ({
        %run_scoped3A = tpu.sem_alloc : memref<!tpu.dma_semaphore, #tpu.memory_space<semaphore_mem>>
        %dma_start3A_64 = arith.constant 0 : i32
        %dma_start3A_65 = tpu.memref_slice %arg6[%multiple_of3A_63, %dma_start3A_64] : memref<20016x128xf32, #tpu.memory_space<hbm>> -> memref<528x128xf32, #tpu.memory_space<hbm>>
        %dma_start3A_66 = arith.constant 0 : i32
        %dma_start3A_67 = tpu.memref_slice %arg11[%multiple_of3A_60, %dma_start3A_66] : memref<10008x128xf32, #tpu.memory_space<vmem_shared>> -> memref<528x128xf32, #tpu.memory_space<vmem_shared>>
        tpu.enqueue_dma source(%dma_start3A_67 : memref<528x128xf32, #tpu.memory_space<vmem_shared>>) target(%dma_start3A_65 : memref<528x128xf32, #tpu.memory_space<hbm>>) target_semaphore(%run_scoped3A : memref<!tpu.dma_semaphore, #tpu.memory_space<semaphore_mem>>)
        %dma_wait3A = arith.constant 0 : i32
        %dma_wait3A_68 = tpu.memref_slice %arg6[%multiple_of3A_63, %dma_wait3A] : memref<20016x128xf32, #tpu.memory_space<hbm>> -> memref<528x128xf32, #tpu.memory_space<hbm>>
        %dma_wait3A_69 = arith.constant 0 : i32
        %dma_wait3A_70 = tpu.memref_slice %arg11[%multiple_of3A_60, %dma_wait3A_69] : memref<10008x128xf32, #tpu.memory_space<vmem_shared>> -> memref<528x128xf32, #tpu.memory_space<vmem_shared>>
        tpu.wait_dma2 semaphore(%run_scoped3A : memref<!tpu.dma_semaphore, #tpu.memory_space<semaphore_mem>>) src(%dma_wait3A_70 : memref<528x128xf32, #tpu.memory_space<vmem_shared>>) dst(%dma_wait3A_68 : memref<528x128xf32, #tpu.memory_space<hbm>>)
        tpu.yield
      }) : () -> ()
    } else {
    }
    return
  }
}

#map = affine_map<(d0, d1) -> (0, 0)>
module attributes {stable_mosaic.version = 14 : i64} {
  func.func @_agg(%arg0: i32, %arg1: i32, %arg2: memref<10008x128xf32, #tpu.memory_space<hbm>>, %arg3: memref<2560x128xi32, #tpu.memory_space<hbm>>, %arg4: memref<2560x128xi32, #tpu.memory_space<hbm>>, %arg5: memref<10008x128xf32, #tpu.memory_space<hbm>>, %arg6: memref<20016x128xf32, #tpu.memory_space<hbm>>, %arg7: memref<40x128xi32, #tpu.memory_space<vmem>>, %arg8: memref<40x128xi32, #tpu.memory_space<vmem>>, %arg9: memref<128x128xf32, #tpu.memory_space<vmem>>, %arg10: memref<128x128xf32, #tpu.memory_space<vmem>>, %arg11: memref<10008x128xf32, #tpu.memory_space<vmem_shared>>, %arg12: memref<!tpu.dma_semaphore, #tpu.memory_space<semaphore_mem>>, %arg13: memref<!tpu.dma_semaphore, #tpu.memory_space<semaphore_mem>>) attributes {dimension_semantics = [#tpu.dimension_semantics<core_parallel>, #tpu.dimension_semantics<subcore_parallel>], iteration_bounds = array<i64: 2, 16>, scalar_prefetch = 0 : i64, scratch_operands = 7 : i64, tpu.core_type = #tpu.core_type<sc_vector_subcore>, window_params = [{transform_indices = #map}, {transform_indices = #map}, {transform_indices = #map}, {transform_indices = #map}, {transform_indices = #map}]} {
    %mul3A = arith.constant 2 : i32
    %mul3A_0 = arith.muli %arg1, %mul3A : i32
    %add3A = arith.addi %mul3A_0, %arg0 : i32
    %mul3A_1 = arith.constant 80 : i32
    %mul3A_2 = arith.muli %add3A, %mul3A_1 : i32
    %mul3A_3 = arith.constant 632 : i32
    %mul3A_4 = arith.muli %arg1, %mul3A_3 : i32
    %multiple_of3A = tpu.assume_multiple %mul3A_4, 8 : i32
    %lt3A = arith.constant 15 : i32
    %lt3A_5 = arith.cmpi slt, %arg1, %lt3A : i32
    %convert_element_type3A = arith.extui %lt3A_5 : i1 to i32
    %cond3A = arith.constant 0 : i32
    %cond3A_6 = arith.cmpi ne, %convert_element_type3A, %cond3A : i32
    scf.if %cond3A_6 {
      %add3A_59 = arith.constant 0 : i32
      %add3A_60 = arith.addi %add3A_59, %multiple_of3A : i32
      %multiple_of3A_61 = tpu.assume_multiple %add3A_60, 8 : i32
      %add3A_62 = arith.constant 0 : i32
      %add3A_63 = arith.addi %add3A_62, %multiple_of3A : i32
      %multiple_of3A_64 = tpu.assume_multiple %add3A_63, 8 : i32
      "tpu.region"() ({
        %run_scoped3A = tpu.sem_alloc : memref<!tpu.dma_semaphore, #tpu.memory_space<semaphore_mem>>
        %dma_start3A_65 = arith.constant 0 : i32
        %dma_start3A_66 = tpu.memref_slice %arg11[%multiple_of3A_64, %dma_start3A_65] : memref<10008x128xf32, #tpu.memory_space<vmem_shared>> -> memref<632x128xf32, #tpu.memory_space<vmem_shared>>
        %dma_start3A_67 = arith.constant 0 : i32
        %dma_start3A_68 = tpu.memref_slice %arg5[%multiple_of3A_61, %dma_start3A_67] : memref<10008x128xf32, #tpu.memory_space<hbm>> -> memref<632x128xf32, #tpu.memory_space<hbm>>
        tpu.enqueue_dma source(%dma_start3A_68 : memref<632x128xf32, #tpu.memory_space<hbm>>) target(%dma_start3A_66 : memref<632x128xf32, #tpu.memory_space<vmem_shared>>) target_semaphore(%run_scoped3A : memref<!tpu.dma_semaphore, #tpu.memory_space<semaphore_mem>>)
        %dma_wait3A = arith.constant 0 : i32
        %dma_wait3A_69 = tpu.memref_slice %arg11[%multiple_of3A_64, %dma_wait3A] : memref<10008x128xf32, #tpu.memory_space<vmem_shared>> -> memref<632x128xf32, #tpu.memory_space<vmem_shared>>
        %dma_wait3A_70 = arith.constant 0 : i32
        %dma_wait3A_71 = tpu.memref_slice %arg5[%multiple_of3A_61, %dma_wait3A_70] : memref<10008x128xf32, #tpu.memory_space<hbm>> -> memref<632x128xf32, #tpu.memory_space<hbm>>
        tpu.wait_dma2 semaphore(%run_scoped3A : memref<!tpu.dma_semaphore, #tpu.memory_space<semaphore_mem>>) src(%dma_wait3A_71 : memref<632x128xf32, #tpu.memory_space<hbm>>) dst(%dma_wait3A_69 : memref<632x128xf32, #tpu.memory_space<vmem_shared>>)
        tpu.yield
      }) : () -> ()
    } else {
    }
    %eq3A = arith.constant 15 : i32
    %eq3A_7 = arith.cmpi eq, %arg1, %eq3A : i32
    %convert_element_type3A_8 = arith.extui %eq3A_7 : i1 to i32
    %cond3A_9 = arith.constant 0 : i32
    %cond3A_10 = arith.cmpi ne, %convert_element_type3A_8, %cond3A_9 : i32
    scf.if %cond3A_10 {
      %multiple_of3A_59 = arith.constant 9480 : i32
      %multiple_of3A_60 = tpu.assume_multiple %multiple_of3A_59, 8 : i32
      %multiple_of3A_61 = arith.constant 9480 : i32
      %multiple_of3A_62 = tpu.assume_multiple %multiple_of3A_61, 8 : i32
      "tpu.region"() ({
        %run_scoped3A = tpu.sem_alloc : memref<!tpu.dma_semaphore, #tpu.memory_space<semaphore_mem>>
        %dma_start3A_63 = arith.constant 0 : i32
        %dma_start3A_64 = tpu.memref_slice %arg11[%multiple_of3A_62, %dma_start3A_63] : memref<10008x128xf32, #tpu.memory_space<vmem_shared>> -> memref<528x128xf32, #tpu.memory_space<vmem_shared>>
        %dma_start3A_65 = arith.constant 0 : i32
        %dma_start3A_66 = tpu.memref_slice %arg5[%multiple_of3A_60, %dma_start3A_65] : memref<10008x128xf32, #tpu.memory_space<hbm>> -> memref<528x128xf32, #tpu.memory_space<hbm>>
        tpu.enqueue_dma source(%dma_start3A_66 : memref<528x128xf32, #tpu.memory_space<hbm>>) target(%dma_start3A_64 : memref<528x128xf32, #tpu.memory_space<vmem_shared>>) target_semaphore(%run_scoped3A : memref<!tpu.dma_semaphore, #tpu.memory_space<semaphore_mem>>)
        %dma_wait3A = arith.constant 0 : i32
        %dma_wait3A_67 = tpu.memref_slice %arg11[%multiple_of3A_62, %dma_wait3A] : memref<10008x128xf32, #tpu.memory_space<vmem_shared>> -> memref<528x128xf32, #tpu.memory_space<vmem_shared>>
        %dma_wait3A_68 = arith.constant 0 : i32
        %dma_wait3A_69 = tpu.memref_slice %arg5[%multiple_of3A_60, %dma_wait3A_68] : memref<10008x128xf32, #tpu.memory_space<hbm>> -> memref<528x128xf32, #tpu.memory_space<hbm>>
        tpu.wait_dma2 semaphore(%run_scoped3A : memref<!tpu.dma_semaphore, #tpu.memory_space<semaphore_mem>>) src(%dma_wait3A_69 : memref<528x128xf32, #tpu.memory_space<hbm>>) dst(%dma_wait3A_67 : memref<528x128xf32, #tpu.memory_space<vmem_shared>>)
        tpu.yield
      }) : () -> ()
    } else {
    }
    %barrier3A = arith.constant 0 : index
    tpu.barrier barrier_id(%barrier3A)
    %add3A_11 = arith.constant 0 : i32
    %add3A_12 = arith.addi %mul3A_2, %add3A_11 : i32
    "tpu.region"() ({
      %run_scoped3A = tpu.sem_alloc : memref<!tpu.dma_semaphore, #tpu.memory_space<semaphore_mem>>
      %dma_start3A_59 = arith.constant 0 : i32
      %dma_start3A_60 = tpu.memref_slice %arg3[%add3A_12, %dma_start3A_59] : memref<2560x128xi32, #tpu.memory_space<hbm>> -> memref<40x128xi32, #tpu.memory_space<hbm>>
      %dma_start3A_61 = arith.constant 0 : i32
      %dma_start3A_62 = tpu.memref_slice %arg3[%add3A_12, %dma_start3A_61] : memref<2560x128xi32, #tpu.memory_space<hbm>> -> memref<40x128xi32, #tpu.memory_space<hbm>>
      tpu.enqueue_dma source(%dma_start3A_62 : memref<40x128xi32, #tpu.memory_space<hbm>>) target(%arg7 : memref<40x128xi32, #tpu.memory_space<vmem>>) target_semaphore(%run_scoped3A : memref<!tpu.dma_semaphore, #tpu.memory_space<semaphore_mem>>)
      %dma_wait3A = arith.constant 0 : i32
      %dma_wait3A_63 = tpu.memref_slice %arg3[%add3A_12, %dma_wait3A] : memref<2560x128xi32, #tpu.memory_space<hbm>> -> memref<40x128xi32, #tpu.memory_space<hbm>>
      %dma_wait3A_64 = arith.constant 0 : i32
      %dma_wait3A_65 = tpu.memref_slice %arg3[%add3A_12, %dma_wait3A_64] : memref<2560x128xi32, #tpu.memory_space<hbm>> -> memref<40x128xi32, #tpu.memory_space<hbm>>
      tpu.wait_dma2 semaphore(%run_scoped3A : memref<!tpu.dma_semaphore, #tpu.memory_space<semaphore_mem>>) src(%dma_wait3A_65 : memref<40x128xi32, #tpu.memory_space<hbm>>) dst(%arg7 : memref<40x128xi32, #tpu.memory_space<vmem>>)
      tpu.yield
    }) : () -> ()
    %add3A_13 = arith.constant 0 : i32
    %add3A_14 = arith.addi %mul3A_2, %add3A_13 : i32
    "tpu.region"() ({
      %run_scoped3A = tpu.sem_alloc : memref<!tpu.dma_semaphore, #tpu.memory_space<semaphore_mem>>
      %dma_start3A_59 = arith.constant 0 : i32
      %dma_start3A_60 = tpu.memref_slice %arg4[%add3A_14, %dma_start3A_59] : memref<2560x128xi32, #tpu.memory_space<hbm>> -> memref<40x128xi32, #tpu.memory_space<hbm>>
      %dma_start3A_61 = arith.constant 0 : i32
      %dma_start3A_62 = tpu.memref_slice %arg4[%add3A_14, %dma_start3A_61] : memref<2560x128xi32, #tpu.memory_space<hbm>> -> memref<40x128xi32, #tpu.memory_space<hbm>>
      tpu.enqueue_dma source(%dma_start3A_62 : memref<40x128xi32, #tpu.memory_space<hbm>>) target(%arg8 : memref<40x128xi32, #tpu.memory_space<vmem>>) target_semaphore(%run_scoped3A : memref<!tpu.dma_semaphore, #tpu.memory_space<semaphore_mem>>)
      %dma_wait3A = arith.constant 0 : i32
      %dma_wait3A_63 = tpu.memref_slice %arg4[%add3A_14, %dma_wait3A] : memref<2560x128xi32, #tpu.memory_space<hbm>> -> memref<40x128xi32, #tpu.memory_space<hbm>>
      %dma_wait3A_64 = arith.constant 0 : i32
      %dma_wait3A_65 = tpu.memref_slice %arg4[%add3A_14, %dma_wait3A_64] : memref<2560x128xi32, #tpu.memory_space<hbm>> -> memref<40x128xi32, #tpu.memory_space<hbm>>
      tpu.wait_dma2 semaphore(%run_scoped3A : memref<!tpu.dma_semaphore, #tpu.memory_space<semaphore_mem>>) src(%dma_wait3A_65 : memref<40x128xi32, #tpu.memory_space<hbm>>) dst(%arg8 : memref<40x128xi32, #tpu.memory_space<vmem>>)
      tpu.yield
    }) : () -> ()
    %dma_start3A = arith.constant 0 : i32
    %dma_start3A_15 = arith.constant 0 : i32
    %dma_start3A_16 = tpu.memref_slice %arg7[%dma_start3A, %dma_start3A_15] : memref<40x128xi32, #tpu.memory_space<vmem>> -> memref<1x128xi32, #tpu.memory_space<vmem>>
    %dma_start3A_17 = tpu.memref_squeeze %dma_start3A_16 : memref<1x128xi32, #tpu.memory_space<vmem>> -> memref<128xi32, #tpu.memory_space<vmem>>
    %dma_start3A_18 = arith.constant 0 : i32
    %dma_start3A_19 = arith.constant 0 : i32
    %dma_start3A_20 = tpu.memref_slice %arg2[%dma_start3A_18, %dma_start3A_19] : memref<10008x128xf32, #tpu.memory_space<hbm>> -> memref<10008x128xf32, #tpu.memory_space<hbm>>
    tpu.enqueue_indirect_dma source(%dma_start3A_20 : memref<10008x128xf32, #tpu.memory_space<hbm>>) target(%arg9 : memref<128x128xf32, #tpu.memory_space<vmem>>) offsets(%dma_start3A_17 : memref<128xi32, #tpu.memory_space<vmem>>) semaphore(%arg12 : memref<!tpu.dma_semaphore, #tpu.memory_space<semaphore_mem>>)
    %scan3A = arith.constant 0 : i32
    %scan3A_21 = arith.constant 0 : i32
    %scan3A_22 = arith.constant 20 : i32
    %scan3A_23 = arith.addi %scan3A_21, %scan3A_22 : i32
    %scan3A_24 = arith.constant 1 : i32
    scf.for %scan3A_59 = %scan3A_21 to %scan3A_23 step %scan3A_24  : i32 {
      %mul3A_60 = arith.constant 2 : i32
      %mul3A_61 = arith.muli %mul3A_60, %scan3A_59 : i32
      %add3A_62 = arith.constant 1 : i32
      %add3A_63 = arith.addi %mul3A_61, %add3A_62 : i32
      %dma_start3A_64 = arith.constant 0 : i32
      %dma_start3A_65 = tpu.memref_slice %arg7[%add3A_63, %dma_start3A_64] : memref<40x128xi32, #tpu.memory_space<vmem>> -> memref<1x128xi32, #tpu.memory_space<vmem>>
      %dma_start3A_66 = tpu.memref_squeeze %dma_start3A_65 : memref<1x128xi32, #tpu.memory_space<vmem>> -> memref<128xi32, #tpu.memory_space<vmem>>
      %dma_start3A_67 = arith.constant 0 : i32
      %dma_start3A_68 = arith.constant 0 : i32
      %dma_start3A_69 = tpu.memref_slice %arg2[%dma_start3A_67, %dma_start3A_68] : memref<10008x128xf32, #tpu.memory_space<hbm>> -> memref<10008x128xf32, #tpu.memory_space<hbm>>
      tpu.enqueue_indirect_dma source(%dma_start3A_69 : memref<10008x128xf32, #tpu.memory_space<hbm>>) target(%arg10 : memref<128x128xf32, #tpu.memory_space<vmem>>) offsets(%dma_start3A_66 : memref<128xi32, #tpu.memory_space<vmem>>) semaphore(%arg13 : memref<!tpu.dma_semaphore, #tpu.memory_space<semaphore_mem>>)
      %dma_wait3A = arith.constant 0 : i32
      %dma_wait3A_70 = tpu.memref_slice %arg7[%mul3A_61, %dma_wait3A] : memref<40x128xi32, #tpu.memory_space<vmem>> -> memref<1x128xi32, #tpu.memory_space<vmem>>
      %dma_wait3A_71 = tpu.memref_squeeze %dma_wait3A_70 : memref<1x128xi32, #tpu.memory_space<vmem>> -> memref<128xi32, #tpu.memory_space<vmem>>
      %dma_wait3A_72 = arith.constant 0 : i32
      %dma_wait3A_73 = arith.constant 0 : i32
      %dma_wait3A_74 = tpu.memref_slice %arg2[%dma_wait3A_72, %dma_wait3A_73] : memref<10008x128xf32, #tpu.memory_space<hbm>> -> memref<10008x128xf32, #tpu.memory_space<hbm>>
      tpu.wait_indirect_dma semaphore(%arg12 : memref<!tpu.dma_semaphore, #tpu.memory_space<semaphore_mem>>) src(%dma_wait3A_74 : memref<10008x128xf32, #tpu.memory_space<hbm>>) dst(%arg9 : memref<128x128xf32, #tpu.memory_space<vmem>>)
      "tpu.region"() ({
        %run_scoped3A = tpu.sem_alloc : memref<!tpu.dma_semaphore, #tpu.memory_space<semaphore_mem>>
        %dma_start3A_90 = arith.constant 0 : i32
        %dma_start3A_91 = tpu.memref_slice %arg8[%mul3A_61, %dma_start3A_90] : memref<40x128xi32, #tpu.memory_space<vmem>> -> memref<1x128xi32, #tpu.memory_space<vmem>>
        %dma_start3A_92 = tpu.memref_squeeze %dma_start3A_91 : memref<1x128xi32, #tpu.memory_space<vmem>> -> memref<128xi32, #tpu.memory_space<vmem>>
        %dma_start3A_93 = arith.constant 0 : i32
        %dma_start3A_94 = arith.constant 0 : i32
        %dma_start3A_95 = tpu.memref_slice %arg11[%dma_start3A_93, %dma_start3A_94] : memref<10008x128xf32, #tpu.memory_space<vmem_shared>> -> memref<10008x128xf32, #tpu.memory_space<vmem_shared>>
        tpu.enqueue_indirect_dma source(%arg9 : memref<128x128xf32, #tpu.memory_space<vmem>>) target(%dma_start3A_95 : memref<10008x128xf32, #tpu.memory_space<vmem_shared>>) offsets(%dma_start3A_92 : memref<128xi32, #tpu.memory_space<vmem>>) semaphore(%run_scoped3A : memref<!tpu.dma_semaphore, #tpu.memory_space<semaphore_mem>>) {add = true}
        %dma_wait3A_96 = arith.constant 0 : i32
        %dma_wait3A_97 = tpu.memref_slice %arg8[%mul3A_61, %dma_wait3A_96] : memref<40x128xi32, #tpu.memory_space<vmem>> -> memref<1x128xi32, #tpu.memory_space<vmem>>
        %dma_wait3A_98 = tpu.memref_squeeze %dma_wait3A_97 : memref<1x128xi32, #tpu.memory_space<vmem>> -> memref<128xi32, #tpu.memory_space<vmem>>
        %dma_wait3A_99 = arith.constant 0 : i32
        %dma_wait3A_100 = arith.constant 0 : i32
        %dma_wait3A_101 = tpu.memref_slice %arg11[%dma_wait3A_99, %dma_wait3A_100] : memref<10008x128xf32, #tpu.memory_space<vmem_shared>> -> memref<10008x128xf32, #tpu.memory_space<vmem_shared>>
        tpu.wait_indirect_dma semaphore(%run_scoped3A : memref<!tpu.dma_semaphore, #tpu.memory_space<semaphore_mem>>) src(%arg9 : memref<128x128xf32, #tpu.memory_space<vmem>>) dst(%dma_wait3A_101 : memref<10008x128xf32, #tpu.memory_space<vmem_shared>>)
        tpu.yield
      }) : () -> ()
      %lt3A_75 = arith.constant 19 : i32
      %lt3A_76 = arith.cmpi slt, %scan3A_59, %lt3A_75 : i32
      %convert_element_type3A_77 = arith.extui %lt3A_76 : i1 to i32
      %cond3A_78 = arith.constant 0 : i32
      %cond3A_79 = arith.cmpi ne, %convert_element_type3A_77, %cond3A_78 : i32
      scf.if %cond3A_79 {
        %add3A_90 = arith.constant 2 : i32
        %add3A_91 = arith.addi %mul3A_61, %add3A_90 : i32
        %dma_start3A_92 = arith.constant 0 : i32
        %dma_start3A_93 = tpu.memref_slice %arg7[%add3A_91, %dma_start3A_92] : memref<40x128xi32, #tpu.memory_space<vmem>> -> memref<1x128xi32, #tpu.memory_space<vmem>>
        %dma_start3A_94 = tpu.memref_squeeze %dma_start3A_93 : memref<1x128xi32, #tpu.memory_space<vmem>> -> memref<128xi32, #tpu.memory_space<vmem>>
        %dma_start3A_95 = arith.constant 0 : i32
        %dma_start3A_96 = arith.constant 0 : i32
        %dma_start3A_97 = tpu.memref_slice %arg2[%dma_start3A_95, %dma_start3A_96] : memref<10008x128xf32, #tpu.memory_space<hbm>> -> memref<10008x128xf32, #tpu.memory_space<hbm>>
        tpu.enqueue_indirect_dma source(%dma_start3A_97 : memref<10008x128xf32, #tpu.memory_space<hbm>>) target(%arg9 : memref<128x128xf32, #tpu.memory_space<vmem>>) offsets(%dma_start3A_94 : memref<128xi32, #tpu.memory_space<vmem>>) semaphore(%arg12 : memref<!tpu.dma_semaphore, #tpu.memory_space<semaphore_mem>>)
      } else {
      }
      %add3A_80 = arith.constant 1 : i32
      %add3A_81 = arith.addi %mul3A_61, %add3A_80 : i32
      %dma_wait3A_82 = arith.constant 0 : i32
      %dma_wait3A_83 = tpu.memref_slice %arg7[%add3A_81, %dma_wait3A_82] : memref<40x128xi32, #tpu.memory_space<vmem>> -> memref<1x128xi32, #tpu.memory_space<vmem>>
      %dma_wait3A_84 = tpu.memref_squeeze %dma_wait3A_83 : memref<1x128xi32, #tpu.memory_space<vmem>> -> memref<128xi32, #tpu.memory_space<vmem>>
      %dma_wait3A_85 = arith.constant 0 : i32
      %dma_wait3A_86 = arith.constant 0 : i32
      %dma_wait3A_87 = tpu.memref_slice %arg2[%dma_wait3A_85, %dma_wait3A_86] : memref<10008x128xf32, #tpu.memory_space<hbm>> -> memref<10008x128xf32, #tpu.memory_space<hbm>>
      tpu.wait_indirect_dma semaphore(%arg13 : memref<!tpu.dma_semaphore, #tpu.memory_space<semaphore_mem>>) src(%dma_wait3A_87 : memref<10008x128xf32, #tpu.memory_space<hbm>>) dst(%arg10 : memref<128x128xf32, #tpu.memory_space<vmem>>)
      %add3A_88 = arith.constant 1 : i32
      %add3A_89 = arith.addi %mul3A_61, %add3A_88 : i32
      "tpu.region"() ({
        %run_scoped3A = tpu.sem_alloc : memref<!tpu.dma_semaphore, #tpu.memory_space<semaphore_mem>>
        %dma_start3A_90 = arith.constant 0 : i32
        %dma_start3A_91 = tpu.memref_slice %arg8[%add3A_89, %dma_start3A_90] : memref<40x128xi32, #tpu.memory_space<vmem>> -> memref<1x128xi32, #tpu.memory_space<vmem>>
        %dma_start3A_92 = tpu.memref_squeeze %dma_start3A_91 : memref<1x128xi32, #tpu.memory_space<vmem>> -> memref<128xi32, #tpu.memory_space<vmem>>
        %dma_start3A_93 = arith.constant 0 : i32
        %dma_start3A_94 = arith.constant 0 : i32
        %dma_start3A_95 = tpu.memref_slice %arg11[%dma_start3A_93, %dma_start3A_94] : memref<10008x128xf32, #tpu.memory_space<vmem_shared>> -> memref<10008x128xf32, #tpu.memory_space<vmem_shared>>
        tpu.enqueue_indirect_dma source(%arg10 : memref<128x128xf32, #tpu.memory_space<vmem>>) target(%dma_start3A_95 : memref<10008x128xf32, #tpu.memory_space<vmem_shared>>) offsets(%dma_start3A_92 : memref<128xi32, #tpu.memory_space<vmem>>) semaphore(%run_scoped3A : memref<!tpu.dma_semaphore, #tpu.memory_space<semaphore_mem>>) {add = true}
        %dma_wait3A_96 = arith.constant 0 : i32
        %dma_wait3A_97 = tpu.memref_slice %arg8[%add3A_89, %dma_wait3A_96] : memref<40x128xi32, #tpu.memory_space<vmem>> -> memref<1x128xi32, #tpu.memory_space<vmem>>
        %dma_wait3A_98 = tpu.memref_squeeze %dma_wait3A_97 : memref<1x128xi32, #tpu.memory_space<vmem>> -> memref<128xi32, #tpu.memory_space<vmem>>
        %dma_wait3A_99 = arith.constant 0 : i32
        %dma_wait3A_100 = arith.constant 0 : i32
        %dma_wait3A_101 = tpu.memref_slice %arg11[%dma_wait3A_99, %dma_wait3A_100] : memref<10008x128xf32, #tpu.memory_space<vmem_shared>> -> memref<10008x128xf32, #tpu.memory_space<vmem_shared>>
        tpu.wait_indirect_dma semaphore(%run_scoped3A : memref<!tpu.dma_semaphore, #tpu.memory_space<semaphore_mem>>) src(%arg10 : memref<128x128xf32, #tpu.memory_space<vmem>>) dst(%dma_wait3A_101 : memref<10008x128xf32, #tpu.memory_space<vmem_shared>>)
        tpu.yield
      }) : () -> ()
    }
    %scan3A_25 = arith.constant 20 : i32
    %add3A_26 = arith.constant 40 : i32
    %add3A_27 = arith.addi %mul3A_2, %add3A_26 : i32
    "tpu.region"() ({
      %run_scoped3A = tpu.sem_alloc : memref<!tpu.dma_semaphore, #tpu.memory_space<semaphore_mem>>
      %dma_start3A_59 = arith.constant 0 : i32
      %dma_start3A_60 = tpu.memref_slice %arg3[%add3A_27, %dma_start3A_59] : memref<2560x128xi32, #tpu.memory_space<hbm>> -> memref<40x128xi32, #tpu.memory_space<hbm>>
      %dma_start3A_61 = arith.constant 0 : i32
      %dma_start3A_62 = tpu.memref_slice %arg3[%add3A_27, %dma_start3A_61] : memref<2560x128xi32, #tpu.memory_space<hbm>> -> memref<40x128xi32, #tpu.memory_space<hbm>>
      tpu.enqueue_dma source(%dma_start3A_62 : memref<40x128xi32, #tpu.memory_space<hbm>>) target(%arg7 : memref<40x128xi32, #tpu.memory_space<vmem>>) target_semaphore(%run_scoped3A : memref<!tpu.dma_semaphore, #tpu.memory_space<semaphore_mem>>)
      %dma_wait3A = arith.constant 0 : i32
      %dma_wait3A_63 = tpu.memref_slice %arg3[%add3A_27, %dma_wait3A] : memref<2560x128xi32, #tpu.memory_space<hbm>> -> memref<40x128xi32, #tpu.memory_space<hbm>>
      %dma_wait3A_64 = arith.constant 0 : i32
      %dma_wait3A_65 = tpu.memref_slice %arg3[%add3A_27, %dma_wait3A_64] : memref<2560x128xi32, #tpu.memory_space<hbm>> -> memref<40x128xi32, #tpu.memory_space<hbm>>
      tpu.wait_dma2 semaphore(%run_scoped3A : memref<!tpu.dma_semaphore, #tpu.memory_space<semaphore_mem>>) src(%dma_wait3A_65 : memref<40x128xi32, #tpu.memory_space<hbm>>) dst(%arg7 : memref<40x128xi32, #tpu.memory_space<vmem>>)
      tpu.yield
    }) : () -> ()
    %add3A_28 = arith.constant 40 : i32
    %add3A_29 = arith.addi %mul3A_2, %add3A_28 : i32
    "tpu.region"() ({
      %run_scoped3A = tpu.sem_alloc : memref<!tpu.dma_semaphore, #tpu.memory_space<semaphore_mem>>
      %dma_start3A_59 = arith.constant 0 : i32
      %dma_start3A_60 = tpu.memref_slice %arg4[%add3A_29, %dma_start3A_59] : memref<2560x128xi32, #tpu.memory_space<hbm>> -> memref<40x128xi32, #tpu.memory_space<hbm>>
      %dma_start3A_61 = arith.constant 0 : i32
      %dma_start3A_62 = tpu.memref_slice %arg4[%add3A_29, %dma_start3A_61] : memref<2560x128xi32, #tpu.memory_space<hbm>> -> memref<40x128xi32, #tpu.memory_space<hbm>>
      tpu.enqueue_dma source(%dma_start3A_62 : memref<40x128xi32, #tpu.memory_space<hbm>>) target(%arg8 : memref<40x128xi32, #tpu.memory_space<vmem>>) target_semaphore(%run_scoped3A : memref<!tpu.dma_semaphore, #tpu.memory_space<semaphore_mem>>)
      %dma_wait3A = arith.constant 0 : i32
      %dma_wait3A_63 = tpu.memref_slice %arg4[%add3A_29, %dma_wait3A] : memref<2560x128xi32, #tpu.memory_space<hbm>> -> memref<40x128xi32, #tpu.memory_space<hbm>>
      %dma_wait3A_64 = arith.constant 0 : i32
      %dma_wait3A_65 = tpu.memref_slice %arg4[%add3A_29, %dma_wait3A_64] : memref<2560x128xi32, #tpu.memory_space<hbm>> -> memref<40x128xi32, #tpu.memory_space<hbm>>
      tpu.wait_dma2 semaphore(%run_scoped3A : memref<!tpu.dma_semaphore, #tpu.memory_space<semaphore_mem>>) src(%dma_wait3A_65 : memref<40x128xi32, #tpu.memory_space<hbm>>) dst(%arg8 : memref<40x128xi32, #tpu.memory_space<vmem>>)
      tpu.yield
    }) : () -> ()
    %dma_start3A_30 = arith.constant 0 : i32
    %dma_start3A_31 = arith.constant 0 : i32
    %dma_start3A_32 = tpu.memref_slice %arg7[%dma_start3A_30, %dma_start3A_31] : memref<40x128xi32, #tpu.memory_space<vmem>> -> memref<1x128xi32, #tpu.memory_space<vmem>>
    %dma_start3A_33 = tpu.memref_squeeze %dma_start3A_32 : memref<1x128xi32, #tpu.memory_space<vmem>> -> memref<128xi32, #tpu.memory_space<vmem>>
    %dma_start3A_34 = arith.constant 0 : i32
    %dma_start3A_35 = arith.constant 0 : i32
    %dma_start3A_36 = tpu.memref_slice %arg2[%dma_start3A_34, %dma_start3A_35] : memref<10008x128xf32, #tpu.memory_space<hbm>> -> memref<10008x128xf32, #tpu.memory_space<hbm>>
    tpu.enqueue_indirect_dma source(%dma_start3A_36 : memref<10008x128xf32, #tpu.memory_space<hbm>>) target(%arg9 : memref<128x128xf32, #tpu.memory_space<vmem>>) offsets(%dma_start3A_33 : memref<128xi32, #tpu.memory_space<vmem>>) semaphore(%arg12 : memref<!tpu.dma_semaphore, #tpu.memory_space<semaphore_mem>>)
    %scan3A_37 = arith.constant 0 : i32
    %scan3A_38 = arith.constant 0 : i32
    %scan3A_39 = arith.constant 20 : i32
    %scan3A_40 = arith.addi %scan3A_38, %scan3A_39 : i32
    %scan3A_41 = arith.constant 1 : i32
    scf.for %scan3A_59 = %scan3A_38 to %scan3A_40 step %scan3A_41  : i32 {
      %mul3A_60 = arith.constant 2 : i32
      %mul3A_61 = arith.muli %mul3A_60, %scan3A_59 : i32
      %add3A_62 = arith.constant 1 : i32
      %add3A_63 = arith.addi %mul3A_61, %add3A_62 : i32
      %dma_start3A_64 = arith.constant 0 : i32
      %dma_start3A_65 = tpu.memref_slice %arg7[%add3A_63, %dma_start3A_64] : memref<40x128xi32, #tpu.memory_space<vmem>> -> memref<1x128xi32, #tpu.memory_space<vmem>>
      %dma_start3A_66 = tpu.memref_squeeze %dma_start3A_65 : memref<1x128xi32, #tpu.memory_space<vmem>> -> memref<128xi32, #tpu.memory_space<vmem>>
      %dma_start3A_67 = arith.constant 0 : i32
      %dma_start3A_68 = arith.constant 0 : i32
      %dma_start3A_69 = tpu.memref_slice %arg2[%dma_start3A_67, %dma_start3A_68] : memref<10008x128xf32, #tpu.memory_space<hbm>> -> memref<10008x128xf32, #tpu.memory_space<hbm>>
      tpu.enqueue_indirect_dma source(%dma_start3A_69 : memref<10008x128xf32, #tpu.memory_space<hbm>>) target(%arg10 : memref<128x128xf32, #tpu.memory_space<vmem>>) offsets(%dma_start3A_66 : memref<128xi32, #tpu.memory_space<vmem>>) semaphore(%arg13 : memref<!tpu.dma_semaphore, #tpu.memory_space<semaphore_mem>>)
      %dma_wait3A = arith.constant 0 : i32
      %dma_wait3A_70 = tpu.memref_slice %arg7[%mul3A_61, %dma_wait3A] : memref<40x128xi32, #tpu.memory_space<vmem>> -> memref<1x128xi32, #tpu.memory_space<vmem>>
      %dma_wait3A_71 = tpu.memref_squeeze %dma_wait3A_70 : memref<1x128xi32, #tpu.memory_space<vmem>> -> memref<128xi32, #tpu.memory_space<vmem>>
      %dma_wait3A_72 = arith.constant 0 : i32
      %dma_wait3A_73 = arith.constant 0 : i32
      %dma_wait3A_74 = tpu.memref_slice %arg2[%dma_wait3A_72, %dma_wait3A_73] : memref<10008x128xf32, #tpu.memory_space<hbm>> -> memref<10008x128xf32, #tpu.memory_space<hbm>>
      tpu.wait_indirect_dma semaphore(%arg12 : memref<!tpu.dma_semaphore, #tpu.memory_space<semaphore_mem>>) src(%dma_wait3A_74 : memref<10008x128xf32, #tpu.memory_space<hbm>>) dst(%arg9 : memref<128x128xf32, #tpu.memory_space<vmem>>)
      "tpu.region"() ({
        %run_scoped3A = tpu.sem_alloc : memref<!tpu.dma_semaphore, #tpu.memory_space<semaphore_mem>>
        %dma_start3A_90 = arith.constant 0 : i32
        %dma_start3A_91 = tpu.memref_slice %arg8[%mul3A_61, %dma_start3A_90] : memref<40x128xi32, #tpu.memory_space<vmem>> -> memref<1x128xi32, #tpu.memory_space<vmem>>
        %dma_start3A_92 = tpu.memref_squeeze %dma_start3A_91 : memref<1x128xi32, #tpu.memory_space<vmem>> -> memref<128xi32, #tpu.memory_space<vmem>>
        %dma_start3A_93 = arith.constant 0 : i32
        %dma_start3A_94 = arith.constant 0 : i32
        %dma_start3A_95 = tpu.memref_slice %arg11[%dma_start3A_93, %dma_start3A_94] : memref<10008x128xf32, #tpu.memory_space<vmem_shared>> -> memref<10008x128xf32, #tpu.memory_space<vmem_shared>>
        tpu.enqueue_indirect_dma source(%arg9 : memref<128x128xf32, #tpu.memory_space<vmem>>) target(%dma_start3A_95 : memref<10008x128xf32, #tpu.memory_space<vmem_shared>>) offsets(%dma_start3A_92 : memref<128xi32, #tpu.memory_space<vmem>>) semaphore(%run_scoped3A : memref<!tpu.dma_semaphore, #tpu.memory_space<semaphore_mem>>) {add = true}
        %dma_wait3A_96 = arith.constant 0 : i32
        %dma_wait3A_97 = tpu.memref_slice %arg8[%mul3A_61, %dma_wait3A_96] : memref<40x128xi32, #tpu.memory_space<vmem>> -> memref<1x128xi32, #tpu.memory_space<vmem>>
        %dma_wait3A_98 = tpu.memref_squeeze %dma_wait3A_97 : memref<1x128xi32, #tpu.memory_space<vmem>> -> memref<128xi32, #tpu.memory_space<vmem>>
        %dma_wait3A_99 = arith.constant 0 : i32
        %dma_wait3A_100 = arith.constant 0 : i32
        %dma_wait3A_101 = tpu.memref_slice %arg11[%dma_wait3A_99, %dma_wait3A_100] : memref<10008x128xf32, #tpu.memory_space<vmem_shared>> -> memref<10008x128xf32, #tpu.memory_space<vmem_shared>>
        tpu.wait_indirect_dma semaphore(%run_scoped3A : memref<!tpu.dma_semaphore, #tpu.memory_space<semaphore_mem>>) src(%arg9 : memref<128x128xf32, #tpu.memory_space<vmem>>) dst(%dma_wait3A_101 : memref<10008x128xf32, #tpu.memory_space<vmem_shared>>)
        tpu.yield
      }) : () -> ()
      %lt3A_75 = arith.constant 19 : i32
      %lt3A_76 = arith.cmpi slt, %scan3A_59, %lt3A_75 : i32
      %convert_element_type3A_77 = arith.extui %lt3A_76 : i1 to i32
      %cond3A_78 = arith.constant 0 : i32
      %cond3A_79 = arith.cmpi ne, %convert_element_type3A_77, %cond3A_78 : i32
      scf.if %cond3A_79 {
        %add3A_90 = arith.constant 2 : i32
        %add3A_91 = arith.addi %mul3A_61, %add3A_90 : i32
        %dma_start3A_92 = arith.constant 0 : i32
        %dma_start3A_93 = tpu.memref_slice %arg7[%add3A_91, %dma_start3A_92] : memref<40x128xi32, #tpu.memory_space<vmem>> -> memref<1x128xi32, #tpu.memory_space<vmem>>
        %dma_start3A_94 = tpu.memref_squeeze %dma_start3A_93 : memref<1x128xi32, #tpu.memory_space<vmem>> -> memref<128xi32, #tpu.memory_space<vmem>>
        %dma_start3A_95 = arith.constant 0 : i32
        %dma_start3A_96 = arith.constant 0 : i32
        %dma_start3A_97 = tpu.memref_slice %arg2[%dma_start3A_95, %dma_start3A_96] : memref<10008x128xf32, #tpu.memory_space<hbm>> -> memref<10008x128xf32, #tpu.memory_space<hbm>>
        tpu.enqueue_indirect_dma source(%dma_start3A_97 : memref<10008x128xf32, #tpu.memory_space<hbm>>) target(%arg9 : memref<128x128xf32, #tpu.memory_space<vmem>>) offsets(%dma_start3A_94 : memref<128xi32, #tpu.memory_space<vmem>>) semaphore(%arg12 : memref<!tpu.dma_semaphore, #tpu.memory_space<semaphore_mem>>)
      } else {
      }
      %add3A_80 = arith.constant 1 : i32
      %add3A_81 = arith.addi %mul3A_61, %add3A_80 : i32
      %dma_wait3A_82 = arith.constant 0 : i32
      %dma_wait3A_83 = tpu.memref_slice %arg7[%add3A_81, %dma_wait3A_82] : memref<40x128xi32, #tpu.memory_space<vmem>> -> memref<1x128xi32, #tpu.memory_space<vmem>>
      %dma_wait3A_84 = tpu.memref_squeeze %dma_wait3A_83 : memref<1x128xi32, #tpu.memory_space<vmem>> -> memref<128xi32, #tpu.memory_space<vmem>>
      %dma_wait3A_85 = arith.constant 0 : i32
      %dma_wait3A_86 = arith.constant 0 : i32
      %dma_wait3A_87 = tpu.memref_slice %arg2[%dma_wait3A_85, %dma_wait3A_86] : memref<10008x128xf32, #tpu.memory_space<hbm>> -> memref<10008x128xf32, #tpu.memory_space<hbm>>
      tpu.wait_indirect_dma semaphore(%arg13 : memref<!tpu.dma_semaphore, #tpu.memory_space<semaphore_mem>>) src(%dma_wait3A_87 : memref<10008x128xf32, #tpu.memory_space<hbm>>) dst(%arg10 : memref<128x128xf32, #tpu.memory_space<vmem>>)
      %add3A_88 = arith.constant 1 : i32
      %add3A_89 = arith.addi %mul3A_61, %add3A_88 : i32
      "tpu.region"() ({
        %run_scoped3A = tpu.sem_alloc : memref<!tpu.dma_semaphore, #tpu.memory_space<semaphore_mem>>
        %dma_start3A_90 = arith.constant 0 : i32
        %dma_start3A_91 = tpu.memref_slice %arg8[%add3A_89, %dma_start3A_90] : memref<40x128xi32, #tpu.memory_space<vmem>> -> memref<1x128xi32, #tpu.memory_space<vmem>>
        %dma_start3A_92 = tpu.memref_squeeze %dma_start3A_91 : memref<1x128xi32, #tpu.memory_space<vmem>> -> memref<128xi32, #tpu.memory_space<vmem>>
        %dma_start3A_93 = arith.constant 0 : i32
        %dma_start3A_94 = arith.constant 0 : i32
        %dma_start3A_95 = tpu.memref_slice %arg11[%dma_start3A_93, %dma_start3A_94] : memref<10008x128xf32, #tpu.memory_space<vmem_shared>> -> memref<10008x128xf32, #tpu.memory_space<vmem_shared>>
        tpu.enqueue_indirect_dma source(%arg10 : memref<128x128xf32, #tpu.memory_space<vmem>>) target(%dma_start3A_95 : memref<10008x128xf32, #tpu.memory_space<vmem_shared>>) offsets(%dma_start3A_92 : memref<128xi32, #tpu.memory_space<vmem>>) semaphore(%run_scoped3A : memref<!tpu.dma_semaphore, #tpu.memory_space<semaphore_mem>>) {add = true}
        %dma_wait3A_96 = arith.constant 0 : i32
        %dma_wait3A_97 = tpu.memref_slice %arg8[%add3A_89, %dma_wait3A_96] : memref<40x128xi32, #tpu.memory_space<vmem>> -> memref<1x128xi32, #tpu.memory_space<vmem>>
        %dma_wait3A_98 = tpu.memref_squeeze %dma_wait3A_97 : memref<1x128xi32, #tpu.memory_space<vmem>> -> memref<128xi32, #tpu.memory_space<vmem>>
        %dma_wait3A_99 = arith.constant 0 : i32
        %dma_wait3A_100 = arith.constant 0 : i32
        %dma_wait3A_101 = tpu.memref_slice %arg11[%dma_wait3A_99, %dma_wait3A_100] : memref<10008x128xf32, #tpu.memory_space<vmem_shared>> -> memref<10008x128xf32, #tpu.memory_space<vmem_shared>>
        tpu.wait_indirect_dma semaphore(%run_scoped3A : memref<!tpu.dma_semaphore, #tpu.memory_space<semaphore_mem>>) src(%arg10 : memref<128x128xf32, #tpu.memory_space<vmem>>) dst(%dma_wait3A_101 : memref<10008x128xf32, #tpu.memory_space<vmem_shared>>)
        tpu.yield
      }) : () -> ()
    }
    %scan3A_42 = arith.constant 20 : i32
    %barrier3A_43 = arith.constant 0 : index
    tpu.barrier barrier_id(%barrier3A_43)
    %mul3A_44 = arith.constant 10008 : i32
    %mul3A_45 = arith.muli %arg0, %mul3A_44 : i32
    %mul3A_46 = arith.constant 632 : i32
    %mul3A_47 = arith.muli %arg1, %mul3A_46 : i32
    %multiple_of3A_48 = tpu.assume_multiple %mul3A_47, 8 : i32
    %lt3A_49 = arith.constant 15 : i32
    %lt3A_50 = arith.cmpi slt, %arg1, %lt3A_49 : i32
    %convert_element_type3A_51 = arith.extui %lt3A_50 : i1 to i32
    %cond3A_52 = arith.constant 0 : i32
    %cond3A_53 = arith.cmpi ne, %convert_element_type3A_51, %cond3A_52 : i32
    scf.if %cond3A_53 {
      %add3A_59 = arith.constant 0 : i32
      %add3A_60 = arith.addi %add3A_59, %multiple_of3A_48 : i32
      %multiple_of3A_61 = tpu.assume_multiple %add3A_60, 8 : i32
      %add3A_62 = arith.addi %mul3A_45, %multiple_of3A_48 : i32
      %multiple_of3A_63 = tpu.assume_multiple %add3A_62, 8 : i32
      "tpu.region"() ({
        %run_scoped3A = tpu.sem_alloc : memref<!tpu.dma_semaphore, #tpu.memory_space<semaphore_mem>>
        %dma_start3A_64 = arith.constant 0 : i32
        %dma_start3A_65 = tpu.memref_slice %arg6[%multiple_of3A_63, %dma_start3A_64] : memref<20016x128xf32, #tpu.memory_space<hbm>> -> memref<632x128xf32, #tpu.memory_space<hbm>>
        %dma_start3A_66 = arith.constant 0 : i32
        %dma_start3A_67 = tpu.memref_slice %arg11[%multiple_of3A_61, %dma_start3A_66] : memref<10008x128xf32, #tpu.memory_space<vmem_shared>> -> memref<632x128xf32, #tpu.memory_space<vmem_shared>>
        tpu.enqueue_dma source(%dma_start3A_67 : memref<632x128xf32, #tpu.memory_space<vmem_shared>>) target(%dma_start3A_65 : memref<632x128xf32, #tpu.memory_space<hbm>>) target_semaphore(%run_scoped3A : memref<!tpu.dma_semaphore, #tpu.memory_space<semaphore_mem>>)
        %dma_wait3A = arith.constant 0 : i32
        %dma_wait3A_68 = tpu.memref_slice %arg6[%multiple_of3A_63, %dma_wait3A] : memref<20016x128xf32, #tpu.memory_space<hbm>> -> memref<632x128xf32, #tpu.memory_space<hbm>>
        %dma_wait3A_69 = arith.constant 0 : i32
        %dma_wait3A_70 = tpu.memref_slice %arg11[%multiple_of3A_61, %dma_wait3A_69] : memref<10008x128xf32, #tpu.memory_space<vmem_shared>> -> memref<632x128xf32, #tpu.memory_space<vmem_shared>>
        tpu.wait_dma2 semaphore(%run_scoped3A : memref<!tpu.dma_semaphore, #tpu.memory_space<semaphore_mem>>) src(%dma_wait3A_70 : memref<632x128xf32, #tpu.memory_space<vmem_shared>>) dst(%dma_wait3A_68 : memref<632x128xf32, #tpu.memory_space<hbm>>)
        tpu.yield
      }) : () -> ()
    } else {
    }
    %eq3A_54 = arith.constant 15 : i32
    %eq3A_55 = arith.cmpi eq, %arg1, %eq3A_54 : i32
    %convert_element_type3A_56 = arith.extui %eq3A_55 : i1 to i32
    %cond3A_57 = arith.constant 0 : i32
    %cond3A_58 = arith.cmpi ne, %convert_element_type3A_56, %cond3A_57 : i32
    scf.if %cond3A_58 {
      %multiple_of3A_59 = arith.constant 9480 : i32
      %multiple_of3A_60 = tpu.assume_multiple %multiple_of3A_59, 8 : i32
      %add3A_61 = arith.constant 9480 : i32
      %add3A_62 = arith.addi %mul3A_45, %add3A_61 : i32
      %multiple_of3A_63 = tpu.assume_multiple %add3A_62, 8 : i32
      "tpu.region"() ({
        %run_scoped3A = tpu.sem_alloc : memref<!tpu.dma_semaphore, #tpu.memory_space<semaphore_mem>>
        %dma_start3A_64 = arith.constant 0 : i32
        %dma_start3A_65 = tpu.memref_slice %arg6[%multiple_of3A_63, %dma_start3A_64] : memref<20016x128xf32, #tpu.memory_space<hbm>> -> memref<528x128xf32, #tpu.memory_space<hbm>>
        %dma_start3A_66 = arith.constant 0 : i32
        %dma_start3A_67 = tpu.memref_slice %arg11[%multiple_of3A_60, %dma_start3A_66] : memref<10008x128xf32, #tpu.memory_space<vmem_shared>> -> memref<528x128xf32, #tpu.memory_space<vmem_shared>>
        tpu.enqueue_dma source(%dma_start3A_67 : memref<528x128xf32, #tpu.memory_space<vmem_shared>>) target(%dma_start3A_65 : memref<528x128xf32, #tpu.memory_space<hbm>>) target_semaphore(%run_scoped3A : memref<!tpu.dma_semaphore, #tpu.memory_space<semaphore_mem>>)
        %dma_wait3A = arith.constant 0 : i32
        %dma_wait3A_68 = tpu.memref_slice %arg6[%multiple_of3A_63, %dma_wait3A] : memref<20016x128xf32, #tpu.memory_space<hbm>> -> memref<528x128xf32, #tpu.memory_space<hbm>>
        %dma_wait3A_69 = arith.constant 0 : i32
        %dma_wait3A_70 = tpu.memref_slice %arg11[%multiple_of3A_60, %dma_wait3A_69] : memref<10008x128xf32, #tpu.memory_space<vmem_shared>> -> memref<528x128xf32, #tpu.memory_space<vmem_shared>>
        tpu.wait_dma2 semaphore(%run_scoped3A : memref<!tpu.dma_semaphore, #tpu.memory_space<semaphore_mem>>) src(%dma_wait3A_70 : memref<528x128xf32, #tpu.memory_space<vmem_shared>>) dst(%dma_wait3A_68 : memref<528x128xf32, #tpu.memory_space<hbm>>)
        tpu.yield
      }) : () -> ()
    } else {
    }
    return
  }
}

module attributes {stable_mosaic.version = 14 : i64} {
  func.func @_pre_body(%arg0: i32, %arg1: memref<1112x128xf32, #tpu.memory_space<vmem>>, %arg2: memref<128x128xf32, #tpu.memory_space<vmem>>, %arg3: memref<1112x16xf32, #tpu.memory_space<vmem>>, %arg4: memref<1112x16xf32, #tpu.memory_space<vmem>>, %arg5: memref<1112x128xf32, #tpu.memory_space<vmem>>, %arg6: memref<1112x128xf32, #tpu.memory_space<vmem>>) attributes {dimension_semantics = [#tpu.dimension_semantics<arbitrary>], iteration_bounds = array<i64: 9>, scalar_prefetch = 0 : i64, scratch_operands = 0 : i64, tpu.core_type = #tpu.core_type<tc>, window_params = [{transform_indices = @transform_0, window_bounds = array<i64: 1112, 128>}, {pipeline_mode = #tpu.pipeline_mode<synchronous>, transform_indices = @transform_1, window_bounds = array<i64: 128, 128>}, {transform_indices = @transform_2, window_bounds = array<i64: 1112, 16>}, {transform_indices = @transform_3, window_bounds = array<i64: 1112, 16>}, {transform_indices = @transform_4, window_bounds = array<i64: 1112, 128>}, {transform_indices = @transform_5, window_bounds = array<i64: 1112, 128>}]} {
    %get3A = arith.constant 0 : index
    %get3A_0 = arith.constant 0 : index
    %get3A_1 = vector.load %arg3[%get3A, %get3A_0] : memref<1112x16xf32, #tpu.memory_space<vmem>>, vector<1112x1xf32>
    %get3A_2 = arith.constant 0 : index
    %get3A_3 = arith.constant 0 : index
    %get3A_4 = vector.load %arg4[%get3A_2, %get3A_3] : memref<1112x16xf32, #tpu.memory_space<vmem>>, vector<1112x1xf32>
    %add3A = arith.addf %get3A_1, %get3A_4 : vector<1112x1xf32>
    %add3A_5 = arith.constant 1.000000e+00 : f32
    %add3A_6 = vector.broadcast %add3A_5 : f32 to vector<1112x1xf32>
    %add3A_7 = arith.addf %add3A, %add3A_6 : vector<1112x1xf32>
    %rsqrt3A = math.rsqrt %add3A_7 : vector<1112x1xf32>
    %broadcast_in_dim3A = vector.shape_cast %rsqrt3A : vector<1112x1xf32> to vector<1112x1xf32>
    %broadcast_in_dim3A_8 = vector.broadcast %broadcast_in_dim3A : vector<1112x1xf32> to vector<1112x128xf32>
    %swap3A = arith.constant 0 : index
    %swap3A_9 = arith.constant 0 : index
    %swap3A_10 = vector.load %arg6[%swap3A, %swap3A_9] : memref<1112x128xf32, #tpu.memory_space<vmem>>, vector<1112x128xf32>
    tpu.vector_store %arg6[%swap3A, %swap3A_9], %broadcast_in_dim3A_8 {strides = array<i32>} : memref<1112x128xf32, #tpu.memory_space<vmem>>, vector<1112x128xf32>,
    %get3A_11 = arith.constant 0 : index
    %get3A_12 = arith.constant 0 : index
    %get3A_13 = vector.load %arg1[%get3A_11, %get3A_12] : memref<1112x128xf32, #tpu.memory_space<vmem>>, vector<1112x128xf32>
    %get3A_14 = arith.constant 0 : index
    %get3A_15 = arith.constant 0 : index
    %get3A_16 = vector.load %arg2[%get3A_14, %get3A_15] : memref<128x128xf32, #tpu.memory_space<vmem>>, vector<128x128xf32>
    %dot_general3A = arith.constant dense<0.000000e+00> : vector<1112x128xf32>
    %dot_general3A_17 = tpu.matmul %get3A_13, %get3A_16, %dot_general3A {dimension_numbers = #tpu.dot_dimension_numbers<[1], [0], [0], [1], [0, 0, 1, 1], [], []>, transpose_lhs_hint = false} : vector<1112x128xf32>, vector<128x128xf32>, vector<1112x128xf32> -> vector<1112x128xf32>
    %mul3A = arith.mulf %dot_general3A_17, %broadcast_in_dim3A_8 : vector<1112x128xf32>
    %swap3A_18 = arith.constant 0 : index
    %swap3A_19 = arith.constant 0 : index
    %swap3A_20 = vector.load %arg5[%swap3A_18, %swap3A_19] : memref<1112x128xf32, #tpu.memory_space<vmem>>, vector<1112x128xf32>
    tpu.vector_store %arg5[%swap3A_18, %swap3A_19], %mul3A {strides = array<i32>} : memref<1112x128xf32, #tpu.memory_space<vmem>>, vector<1112x128xf32>,
    return
  }
  func.func @transform_0(%arg0: i32) -> (i32, i32) {
    %c0_i32 = arith.constant 0 : i32
    %c0_i32_0 = arith.constant 0 : i32
    return %arg0, %c0_i32 : i32, i32
  }
  func.func @transform_1(%arg0: i32) -> (i32, i32) {
    %c0_i32 = arith.constant 0 : i32
    %c0_i32_0 = arith.constant 0 : i32
    %c0_i32_1 = arith.constant 0 : i32
    return %c0_i32, %c0_i32_0 : i32, i32
  }
  func.func @transform_2(%arg0: i32) -> (i32, i32) {
    %c0_i32 = arith.constant 0 : i32
    %c0_i32_0 = arith.constant 0 : i32
    return %arg0, %c0_i32 : i32, i32
  }
  func.func @transform_3(%arg0: i32) -> (i32, i32) {
    %add3A = arith.constant 9 : i32
    %add3A_0 = arith.addi %arg0, %add3A : i32
    %c0_i32 = arith.constant 0 : i32
    %c0_i32_1 = arith.constant 0 : i32
    return %add3A_0, %c0_i32 : i32, i32
  }
  func.func @transform_4(%arg0: i32) -> (i32, i32) {
    %c0_i32 = arith.constant 0 : i32
    %c0_i32_0 = arith.constant 0 : i32
    return %arg0, %c0_i32 : i32, i32
  }
  func.func @transform_5(%arg0: i32) -> (i32, i32) {
    %c0_i32 = arith.constant 0 : i32
    %c0_i32_0 = arith.constant 0 : i32
    return %arg0, %c0_i32 : i32, i32
  }
}

module attributes {stable_mosaic.version = 14 : i64} {
  func.func @_mid_body(%arg0: i32, %arg1: memref<1112x128xf32, #tpu.memory_space<vmem>>, %arg2: memref<1112x128xf32, #tpu.memory_space<vmem>>, %arg3: memref<1112x128xf32, #tpu.memory_space<vmem>>, %arg4: memref<1112x128xf32, #tpu.memory_space<vmem>>, %arg5: memref<1x128xf32, #tpu.memory_space<vmem>>, %arg6: memref<128x128xf32, #tpu.memory_space<vmem>>, %arg7: memref<1112x128xf32, #tpu.memory_space<vmem>>) attributes {dimension_semantics = [#tpu.dimension_semantics<arbitrary>], iteration_bounds = array<i64: 9>, scalar_prefetch = 0 : i64, scratch_operands = 0 : i64, tpu.core_type = #tpu.core_type<tc>, window_params = [{transform_indices = @transform_0, window_bounds = array<i64: 1112, 128>}, {transform_indices = @transform_1, window_bounds = array<i64: 1112, 128>}, {transform_indices = @transform_2, window_bounds = array<i64: 1112, 128>}, {transform_indices = @transform_3, window_bounds = array<i64: 1112, 128>}, {pipeline_mode = #tpu.pipeline_mode<synchronous>, transform_indices = @transform_4, window_bounds = array<i64: 1, 128>}, {pipeline_mode = #tpu.pipeline_mode<synchronous>, transform_indices = @transform_5, window_bounds = array<i64: 128, 128>}, {transform_indices = @transform_6, window_bounds = array<i64: 1112, 128>}]} {
    %get3A = arith.constant 0 : index
    %get3A_0 = arith.constant 0 : index
    %get3A_1 = vector.load %arg4[%get3A, %get3A_0] : memref<1112x128xf32, #tpu.memory_space<vmem>>, vector<1112x128xf32>
    %get3A_2 = arith.constant 0 : index
    %get3A_3 = arith.constant 0 : index
    %get3A_4 = vector.load %arg1[%get3A_2, %get3A_3] : memref<1112x128xf32, #tpu.memory_space<vmem>>, vector<1112x128xf32>
    %get3A_5 = arith.constant 0 : index
    %get3A_6 = arith.constant 0 : index
    %get3A_7 = vector.load %arg2[%get3A_5, %get3A_6] : memref<1112x128xf32, #tpu.memory_space<vmem>>, vector<1112x128xf32>
    %add3A = arith.addf %get3A_4, %get3A_7 : vector<1112x128xf32>
    %get3A_8 = arith.constant 0 : index
    %get3A_9 = arith.constant 0 : index
    %get3A_10 = vector.load %arg3[%get3A_8, %get3A_9] : memref<1112x128xf32, #tpu.memory_space<vmem>>, vector<1112x128xf32>
    %add3A_11 = arith.addf %add3A, %get3A_10 : vector<1112x128xf32>
    %mul3A = arith.mulf %add3A_11, %get3A_1 : vector<1112x128xf32>
    %get3A_12 = arith.constant 0 : index
    %get3A_13 = arith.constant 0 : index
    %get3A_14 = vector.load %arg5[%get3A_12, %get3A_13] : memref<1x128xf32, #tpu.memory_space<vmem>>, vector<1x128xf32>
    %add3A_15 = vector.broadcast %get3A_14 : vector<1x128xf32> to vector<1112x128xf32>
    %add3A_16 = arith.addf %mul3A, %add3A_15 : vector<1112x128xf32>
    %max3A = arith.constant 0.000000e+00 : f32
    %max3A_17 = vector.broadcast %max3A : f32 to vector<1112x128xf32>
    %max3A_18 = arith.maximumf %add3A_16, %max3A_17 : vector<1112x128xf32>
    %get3A_19 = arith.constant 0 : index
    %get3A_20 = arith.constant 0 : index
    %get3A_21 = vector.load %arg6[%get3A_19, %get3A_20] : memref<128x128xf32, #tpu.memory_space<vmem>>, vector<128x128xf32>
    %dot_general3A = arith.constant dense<0.000000e+00> : vector<1112x128xf32>
    %dot_general3A_22 = tpu.matmul %max3A_18, %get3A_21, %dot_general3A {dimension_numbers = #tpu.dot_dimension_numbers<[1], [0], [0], [1], [0, 0, 1, 1], [], []>, transpose_lhs_hint = false} : vector<1112x128xf32>, vector<128x128xf32>, vector<1112x128xf32> -> vector<1112x128xf32>
    %mul3A_23 = arith.mulf %dot_general3A_22, %get3A_1 : vector<1112x128xf32>
    %swap3A = arith.constant 0 : index
    %swap3A_24 = arith.constant 0 : index
    %swap3A_25 = vector.load %arg7[%swap3A, %swap3A_24] : memref<1112x128xf32, #tpu.memory_space<vmem>>, vector<1112x128xf32>
    tpu.vector_store %arg7[%swap3A, %swap3A_24], %mul3A_23 {strides = array<i32>} : memref<1112x128xf32, #tpu.memory_space<vmem>>, vector<1112x128xf32>,
    return
  }
  func.func @transform_0(%arg0: i32) -> (i32, i32) {
    %c0_i32 = arith.constant 0 : i32
    %c0_i32_0 = arith.constant 0 : i32
    return %arg0, %c0_i32 : i32, i32
  }
  func.func @transform_1(%arg0: i32) -> (i32, i32) {
    %add3A = arith.constant 9 : i32
    %add3A_0 = arith.addi %arg0, %add3A : i32
    %c0_i32 = arith.constant 0 : i32
    %c0_i32_1 = arith.constant 0 : i32
    return %add3A_0, %c0_i32 : i32, i32
  }
  func.func @transform_2(%arg0: i32) -> (i32, i32) {
    %c0_i32 = arith.constant 0 : i32
    %c0_i32_0 = arith.constant 0 : i32
    return %arg0, %c0_i32 : i32, i32
  }
  func.func @transform_3(%arg0: i32) -> (i32, i32) {
    %c0_i32 = arith.constant 0 : i32
    %c0_i32_0 = arith.constant 0 : i32
    return %arg0, %c0_i32 : i32, i32
  }
  func.func @transform_4(%arg0: i32) -> (i32, i32) {
    %c0_i32 = arith.constant 0 : i32
    %c0_i32_0 = arith.constant 0 : i32
    %c0_i32_1 = arith.constant 0 : i32
    return %c0_i32, %c0_i32_0 : i32, i32
  }
  func.func @transform_5(%arg0: i32) -> (i32, i32) {
    %c0_i32 = arith.constant 0 : i32
    %c0_i32_0 = arith.constant 0 : i32
    %c0_i32_1 = arith.constant 0 : i32
    return %c0_i32, %c0_i32_0 : i32, i32
  }
  func.func @transform_6(%arg0: i32) -> (i32, i32) {
    %c0_i32 = arith.constant 0 : i32
    %c0_i32_0 = arith.constant 0 : i32
    return %arg0, %c0_i32 : i32, i32
  }
}

module attributes {stable_mosaic.version = 14 : i64} {
  func.func @_fin_body(%arg0: i32, %arg1: memref<1112x128xf32, #tpu.memory_space<vmem>>, %arg2: memref<1112x128xf32, #tpu.memory_space<vmem>>, %arg3: memref<1112x128xf32, #tpu.memory_space<vmem>>, %arg4: memref<1112x128xf32, #tpu.memory_space<vmem>>, %arg5: memref<1x128xf32, #tpu.memory_space<vmem>>, %arg6: memref<1112x128xf32, #tpu.memory_space<vmem>>) attributes {dimension_semantics = [#tpu.dimension_semantics<arbitrary>], iteration_bounds = array<i64: 9>, scalar_prefetch = 0 : i64, scratch_operands = 0 : i64, tpu.core_type = #tpu.core_type<tc>, window_params = [{transform_indices = @transform_0, window_bounds = array<i64: 1112, 128>}, {transform_indices = @transform_1, window_bounds = array<i64: 1112, 128>}, {transform_indices = @transform_2, window_bounds = array<i64: 1112, 128>}, {transform_indices = @transform_3, window_bounds = array<i64: 1112, 128>}, {pipeline_mode = #tpu.pipeline_mode<synchronous>, transform_indices = @transform_4, window_bounds = array<i64: 1, 128>}, {transform_indices = @transform_5, window_bounds = array<i64: 1112, 128>}]} {
    %get3A = arith.constant 0 : index
    %get3A_0 = arith.constant 0 : index
    %get3A_1 = vector.load %arg1[%get3A, %get3A_0] : memref<1112x128xf32, #tpu.memory_space<vmem>>, vector<1112x128xf32>
    %get3A_2 = arith.constant 0 : index
    %get3A_3 = arith.constant 0 : index
    %get3A_4 = vector.load %arg2[%get3A_2, %get3A_3] : memref<1112x128xf32, #tpu.memory_space<vmem>>, vector<1112x128xf32>
    %add3A = arith.addf %get3A_1, %get3A_4 : vector<1112x128xf32>
    %get3A_5 = arith.constant 0 : index
    %get3A_6 = arith.constant 0 : index
    %get3A_7 = vector.load %arg3[%get3A_5, %get3A_6] : memref<1112x128xf32, #tpu.memory_space<vmem>>, vector<1112x128xf32>
    %add3A_8 = arith.addf %add3A, %get3A_7 : vector<1112x128xf32>
    %get3A_9 = arith.constant 0 : index
    %get3A_10 = arith.constant 0 : index
    %get3A_11 = vector.load %arg4[%get3A_9, %get3A_10] : memref<1112x128xf32, #tpu.memory_space<vmem>>, vector<1112x128xf32>
    %mul3A = arith.mulf %add3A_8, %get3A_11 : vector<1112x128xf32>
    %get3A_12 = arith.constant 0 : index
    %get3A_13 = arith.constant 0 : index
    %get3A_14 = vector.load %arg5[%get3A_12, %get3A_13] : memref<1x128xf32, #tpu.memory_space<vmem>>, vector<1x128xf32>
    %add3A_15 = vector.broadcast %get3A_14 : vector<1x128xf32> to vector<1112x128xf32>
    %add3A_16 = arith.addf %mul3A, %add3A_15 : vector<1112x128xf32>
    %swap3A = arith.constant 0 : index
    %swap3A_17 = arith.constant 0 : index
    %swap3A_18 = vector.load %arg6[%swap3A, %swap3A_17] : memref<1112x128xf32, #tpu.memory_space<vmem>>, vector<1112x128xf32>
    tpu.vector_store %arg6[%swap3A, %swap3A_17], %add3A_16 {strides = array<i32>} : memref<1112x128xf32, #tpu.memory_space<vmem>>, vector<1112x128xf32>,
    return
  }
  func.func @transform_0(%arg0: i32) -> (i32, i32) {
    %c0_i32 = arith.constant 0 : i32
    %c0_i32_0 = arith.constant 0 : i32
    return %arg0, %c0_i32 : i32, i32
  }
  func.func @transform_1(%arg0: i32) -> (i32, i32) {
    %add3A = arith.constant 9 : i32
    %add3A_0 = arith.addi %arg0, %add3A : i32
    %c0_i32 = arith.constant 0 : i32
    %c0_i32_1 = arith.constant 0 : i32
    return %add3A_0, %c0_i32 : i32, i32
  }
  func.func @transform_2(%arg0: i32) -> (i32, i32) {
    %c0_i32 = arith.constant 0 : i32
    %c0_i32_0 = arith.constant 0 : i32
    return %arg0, %c0_i32 : i32, i32
  }
  func.func @transform_3(%arg0: i32) -> (i32, i32) {
    %c0_i32 = arith.constant 0 : i32
    %c0_i32_0 = arith.constant 0 : i32
    return %arg0, %c0_i32 : i32, i32
  }
  func.func @transform_4(%arg0: i32) -> (i32, i32) {
    %c0_i32 = arith.constant 0 : i32
    %c0_i32_0 = arith.constant 0 : i32
    %c0_i32_1 = arith.constant 0 : i32
    return %c0_i32, %c0_i32_0 : i32, i32
  }
  func.func @transform_5(%arg0: i32) -> (i32, i32) {
    %c0_i32 = arith.constant 0 : i32
    %c0_i32_0 = arith.constant 0 : i32
    return %arg0, %c0_i32 : i32, i32
  }
}

</mosaic_0001>

<sc_bundles>
// kernel: kernel.10.cloned.1.call-start
scs
__scs_entry_jumppad:
0x0: {  	(pc) =	sbr.rel $0x88, $3  }
0x1: {  	(tag) =	ssettag $0x0;
	lr =	simm.s32 $0x1  }
0x2: {  	[smem:$0x3F99] =	sst lr;
	_ =	strace $0xD0000000  }
0x3: {  	_ = 	snop  }
0x4: {  	_ = 	snop  }
0x5: {  	_ = 	snop  }
0x6: {  	_ = 	snop  }
0x7: {  	_ = 	snop  }
__scs_overlays_trampoline_lowered:
0x8: {  	[smem:$0x3FA8] =	sst s0  }
0x9: {  	[smem:$0x3FA9] =	sst s1  }
0xa: {  	[smem:$0x3FAA] =	sst s2  }
0xb: {  	[smem:$0x3FAB] =	sst s3  }
0xc: {  	[smem:$0x3FAC] =	sst s4  }
0xd: {  	[smem:$0x3FAD] =	sst s5  }
0xe: {  	[smem:$0x3FAE] =	sst s6  }
0xf: {  	[smem:$0x3FAF] =	sst s7  }
0x10: {  	[smem:$0x3FB0] =	sst s8  }
0x11: {  	[smem:$0x3FB1] =	sst s9;
	s0 =	simm.s32 @!p0 $0x0  }
0x12: {  	s1 =	sld [smem:$0x3F97];
	s0 =	simm.s32 @p0 $0x1  }
0x13: {  	[smem:$0x3FB2] =	sst s0;
	s0 =	simm.s32 @!p1 $0x0  }
0x14: {  	s2 =	sld [smem:$0x3F96];
	s0 =	simm.s32 @p1 $0x1  }
0x15: {  	[smem:$0x3FB3] =	sst s0;
	s0 =	simm.s32 @!p2 $0x0  }
0x16: {  	s3 =	sld [smem:$0x3FDB];
	s0 =	simm.s32 @p2 $0x1  }
0x17: {  	s4 =	simm.s32 $0x1BF5;
	[smem:$0x3FB5] =	sst s0  }
0x18: {  	s0 =	sld [smem:$0x3F98];
	_ =	swait.ge [sflag:s4], $0x0  }
0x19: {  	s7 =	sld [smem:$0x3F99]  }
0x1a: {  	s8 =	sadd.s32 $0xFFFFE003, lr  }
0x1b: {  	s9 =	sadd.s32 $0xFFFFFEF7, lr;
	s5 =	simm.s32 $0xFFFFFFFF;
	p2 =	slt.u32 s8, $0xFFFFF086  }
0x1c: {  	p1 =	slt.u32 s9, $0xF7A;
	s5 =	simm.s32 @!p2 $0x0  }
0x1d: {  	s5 =	simm.s32 @p1 $0x1;
	p0 =	seq.s32 s7, s2  }
0x1e: {  	s7 =	smul.u32 @!p0 $0xF7A, s2;
	p2 =	seq.s32 @!p0 s5, $0x0  }
0x1f: {  	s9 =	smul.u32 $0xF7A, s1;
	s8 =	simm.s32 @!p0 $0x1BF5;
	p2 =	por !p2, p0  }
0x20: {  	[sflag:s8] =	ssyncset.s32 @!p0 $0xFFFFF086;
	s6 =	sadd.s32 @!p0 s3, s7;
	s7 =	simm.s32 @!p0 $0x108  }
0x21: {  	s3 =	sadd.s32 s3, s9;
	s6 =	sadd.s32 @!p0 $0x88, s6;
	s7 =	simm.s32 @p2 $0x1082  }
0x22: {  	[simem:s7], [sflag:s8] =	dma.local @!p0 [hbm:s6], $0xF7A  }
0x23: {  	s9 =	sor.u32 $0xD0000000, s2;
	s6 =	simm.s32 $0x108;
	_ =	swait.ge @!p0 [sflag:s8], $0x0  }
0x24: {  	s3 =	sadd.s32 $0x88, s3;
	s6 =	simm.s32 @!p1 $0x1082;
	[sflag:s4] =	ssyncset.s32 $0xFFFFF086  }
0x25: {  	[simem:s6], [sflag:s4] =	dma.local [hbm:s3], $0xF7A  }
0x26: {  	[smem:$0x3F99] =	sst s1;
	(tag) =	ssettag s2;
	_ =	strace s9  }
0x27: {  	s1 =	sld [smem:$0x3FA9]  }
0x28: {  	s2 =	sld [smem:$0x3FAA]  }
0x29: {  	s4 =	sld [smem:$0x3FAC]  }
0x2a: {  	p0 =	seq.s32 s5, $0x0;
	s5 =	sld [smem:$0x3FAD]  }
0x2b: {  	s6 =	sld [smem:$0x3FAE]  }
0x2c: {  	s7 =	sld [smem:$0x3FAF]  }
0x2d: {  	s3 =	simm.s32 $0x108;
	s8 =	sld [smem:$0x3FB0]  }
0x2e: {  	s3 =	simm.s32 @!p0 $0x1082;
	s9 =	sld [smem:$0x3FB1]  }
0x2f: {  	lr =	sadd.s32 s0, s3;
	s0 =	sld [smem:$0x3FA8]  }
0x30: {  	s3 =	sld [smem:$0x3FAB]  }
0x31: {  	[smem:$0x3FB4] =	sst s10  }
0x32: {  	s10 =	sld [smem:$0x3FB2];
	_ =	sdelay $0x3  }
0x33: {  	p0 =	seq.s32 s10, $0x1;
	s10 =	sld [smem:$0x3FB4];
	_ =	sdelay $0x3  }
0x34: {  	[smem:$0x3FB4] =	sst s10  }
0x35: {  	s10 =	sld [smem:$0x3FB3];
	_ =	sdelay $0x3  }
0x36: {  	p1 =	seq.s32 s10, $0x1;
	s10 =	sld [smem:$0x3FB4];
	_ =	sdelay $0x3  }
0x37: {  	[smem:$0x3FB4] =	sst s10  }
0x38: {  	s10 =	sld [smem:$0x3FB5]  }
0x39: {  	_ = 	snop;
	(pc) =	sbr.ind lr, $3  }
0x3a: {  	_ = 	snop  }
0x3b: {  	_ = 	snop  }
0x3c: {  	p2 =	seq.s32 s10, $0x1;
	s10 =	sld [smem:$0x3FB4]  }
0x3d: {  	_ =	shalt  }
0x3e: {  	_ =	shalt  }
0x3f: {  	_ =	shalt  }
0x40: {  	_ =	shalt  }
0x41: {  	_ =	shalt  }
0x42: {  	_ =	shalt  }
0x43: {  	_ =	shalt  }
0x44: {  	_ =	shalt  }
0x45: {  	_ =	shalt  }
0x46: {  	_ =	shalt  }
0x47: {  	_ =	shalt  }
0x48: {  	_ =	shalt  }
0x49: {  	_ =	shalt  }
0x4a: {  	_ =	shalt  }
0x4b: {  	_ =	shalt  }
0x4c: {  	_ =	shalt  }
0x4d: {  	_ =	shalt  }
0x4e: {  	_ =	shalt  }
0x4f: {  	_ =	shalt  }
0x50: {  	_ =	shalt  }
0x51: {  	_ =	shalt  }
0x52: {  	_ =	shalt  }
0x53: {  	_ =	shalt  }
0x54: {  	_ =	shalt  }
0x55: {  	_ =	shalt  }
0x56: {  	_ =	shalt  }
0x57: {  	_ =	shalt  }
0x58: {  	_ =	shalt  }
0x59: {  	_ =	shalt  }
0x5a: {  	_ =	shalt  }
0x5b: {  	_ =	shalt  }
0x5c: {  	_ =	shalt  }
0x5d: {  	_ =	shalt  }
0x5e: {  	_ =	shalt  }
0x5f: {  	_ =	shalt  }
0x60: {  	_ =	shalt  }
0x61: {  	_ =	shalt  }
0x62: {  	_ =	shalt  }
0x63: {  	_ =	shalt  }
0x64: {  	_ =	shalt  }
0x65: {  	_ =	shalt  }
0x66: {  	_ =	shalt  }
0x67: {  	_ =	shalt  }
0x68: {  	_ =	shalt  }
0x69: {  	_ =	shalt  }
0x6a: {  	_ =	shalt  }
0x6b: {  	_ =	shalt  }
0x6c: {  	_ =	shalt  }
0x6d: {  	_ =	shalt  }
0x6e: {  	_ =	shalt  }
0x6f: {  	_ =	shalt  }
0x70: {  	_ =	shalt  }
0x71: {  	_ =	shalt  }
0x72: {  	_ =	shalt  }
0x73: {  	_ =	shalt  }
0x74: {  	_ =	shalt  }
0x75: {  	_ =	shalt  }
0x76: {  	_ =	shalt  }
0x77: {  	_ =	shalt  }
0x78: {  	_ =	shalt  }
0x79: {  	_ =	shalt  }
0x7a: {  	_ =	shalt  }
0x7b: {  	_ =	shalt  }
0x7c: {  	_ =	shalt  }
0x7d: {  	_ =	shalt  }
0x7e: {  	_ =	shalt  }
0x7f: {  	_ =	shalt  }
0x80: {  	_ =	shalt  }
0x81: {  	_ =	shalt  }
0x82: {  	_ =	shalt  }
0x83: {  	_ =	shalt  }
0x84: {  	_ =	shalt  }
0x85: {  	_ =	shalt  }
0x86: {  	_ =	shalt  }
0x87: {  	_ =	shalt  }
.Lfunc_end0:
.L_simem_size_0:
called_computation_lowered:
.L_overlay_start_0:
0x88: {  	s2 =	sld [smem:$0x3FD9]  }
0x89: {  	s3 =	sld [smem:$0x3FFE];
	_ =	sdelay $0x1  }
0x8a: {  	s1 =	srdreg.scid  }
0x8b: {  	s0 =	sand.u32 $0x1, s1  }
0x8c: {  	s16 =	sshll.u32 s0, $0xA;
	s2 =	sadd.s32 s3, s2  }
0x8d: {  	s2 =	sadd.s32 s2, s16  }
0x8e: {  	[smem:$0x3FC0] =	sst s2  }
0x8f: {  	_ = 	snop  }
0x90: {  	(tm) =	ssettm $0x1  }
0x91: {  	s17 =	sld [smem:$0x3FFB];
	_ =	sdelay $0x3  }
0x92: {  	_ =	strace s17  }
0x93: {  	s2 =	sld [smem:$0x3FFC];
	_ =	sdelay $0x3  }
0x94: {  	_ =	strace s2  }
0x95: {  	s2 =	sld [smem:$0x3FFD];
	_ =	sdelay $0x3  }
0x96: {  	_ =	strace s2  }
0x97: {  	_ =	strace $0x8FFFFFFF  }
0x98: {  	s18 =	sld [smem:$0x3FDB];
	_ =	sdelay $0x1  }
0x99: {  	s19 =	simm.s32 $_scs_section_size  }
0x9a: {  	s4 =	simm.s32 $_size__tile_overlayer_lowered;
	s5 =	simm.s32 $_tile_overlayer_lowered  }
0x9b: {  	s22 =	simm.s32 $0x1BFF;
	s21 =	sshll.u32 s5, $0x1;
	s2 =	sadd.s32 s19, s18  }
0x9c: {  	s6 =	simm.s32 $0x0;
	s20 =	sshll.u32 s4, $0x1;
	s4 =	sadd.s32 s21, s2  }
0x9d: {  	[timem:s6], [sflag:s22] =	dma.local [hbm:s4], s20  }
0x9e: {  	_ =	swait.ge [sflag:s22], s20  }
0x9f: {  	s3 =	ssub.s32 $0x0, s20;
	[sflag:s22] =	ssyncset.done $0x0  }
0xa0: {  	[sflag:s22] =	ssyncadd.s32 s3;
	_ =	sdelay $0x1  }
0xa1: {  	s23 =	simm.s32 $0x1B8B  }
0xa2: {  	_ =	swait.ge [sflag:s23], $0x1  }
0xa3: {  	[sflag:s23] =	ssyncset.done $0x0  }
0xa4: {  	s25 =	simm.s32 $0x1B8E;
	s24 =	sld [smem:$0x3FFE];
	[sflag:s23] =	ssyncadd.s32 $0xFFFFFFFF  }
0xa5: {  	s26 =	simm.s32 $execute0_lowered;
	[smem:$0x3FD2] =	sst s25  }
0xa6: {  	s4 =	sshll.u32 s26, $0x1;
	_ =	strace $0x80000046;
	[dreg:$0x1] =	wrdreg $0xFFFFFFFF  }
0xa7: {  	s28 =	simm.s32 $_size_execute0_lowered;
	s2 =	sadd.s32 s2, s4;
	[dreg:$0x0] =	wrdreg $0x0  }
0xa8: {  	s4 =	sshll.u32 s28, $0x1;
	[dreg:$0x2] =	wrdreg s2  }
0xa9: {  	[dreg:$0x3] =	wrdreg s4  }
0xaa: {  	[dreg:$0x4] =	wrdreg $0xC0  }
0xab: {  	_ =	task [dreg:s6], $0x5FFFF  }
0xac: {  	[dreg:$0x1] =	wrdreg $0xFFFFFFFF  }
0xad: {  	[dreg:$0x0] =	wrdreg $0x60  }
0xae: {  	[dreg:$0x2] =	wrdreg s24  }
0xaf: {  	[dreg:$0x3] =	wrdreg $0x68000  }
0xb0: {  	[dreg:$0x4] =	wrdreg $0x9  }
0xb1: {  	_ =	task.clear_ibuf [dreg:s6], $0x5FFFF;
	_ =	strace $0x90000046  }
0xb2: {  	s29 =	simm.s32 $0x9;
	_ =	strace $0x80000048  }
0xb3: {  	_ =	swait.ge [sflag:s29], $0x1  }
0xb4: {  	[sflag:s29] =	ssyncadd.s32 $0xFFFFFFFF  }
0xb5: {  	_ =	strace $0x90000048  }
0xb6: {  	_ =	sfence  }
0xb7: {  	s30 =	sld [smem:$0x0];
	_ =	sdelay $0x2  }
0xb8: {  	s31 =	sshll.u32 s1, $0xD;
	s1 =	sshrl.u32 s1, $0x2  }
0xb9: {  	s3 =	sand.u32 $0x4000, s31;
	s1 =	sadd.s32 s1, s30  }
0xba: {  	s0 =	sor.u32 s3, s0;
	s1 =	sshll.u32 s1, $0x11  }
0xbb: {  	s0 =	sor.u32 s1, s0  }
0xbc: {  	s0 =	sadd.s32 $0x8F2B, s0  }
0xbd: {  	[sflag:s0] =	ssyncadd.remote.s32 $0x1  }
0xbe: {  	_ =	sfence.sel $0xFFFF  }
0xbf: {  	[dreg:$0x0] =	wrdreg $0xFFFFFFFF;
	(pc) =	sbr.abs _section_cstart, $3  }
0xc0: {  	[dreg:$0x1] =	wrdreg $0xFFFFFFFF  }
0xc1: {  	_ =	task.clear_ibuf [dreg:s6], $0x2FFFF;
	_ =	strace $0x9FFFFFFF  }
0xc2: {  	(tm) =	ssettm $0x7FFFFFFF  }
0xc3: {  	_ =	shalt  }
tec
execute0_lowered:
.L_overlay_start_1:
0x0: {  	(tag) =	ssettag $0x1  }
0x1: {  	s1 =	srdreg.scid;
	s6 =	rddreg [dreg:$0x0]  }
0x2: {  	s0 =	stileid.u32;
	s2 =	rddreg [dreg:$0x1];
	s3 =	simm.s32 $0x0  }
0x3: {  	s16 =	simm.s32 $0x80;
	s17 =	simm.s32 $0x0;
	s7 =	sand.u32 $0x1, s1  }
0x4: {  	s25 =	sshll.u32 s0, $0x1;
	s1 =	rddreg [dreg:$0x2];
	s9 =	smul.u32 $0x2780, s0  }
0x5: {  	[smem:$0x7FF] =	sst s3;
	s10 =	smul.u32 $0x4F000, s0;
	s15 =	sadd.s32 $0x128400, s2  }
0x6: {  	s12 =	sadd.s32 $0x34600, s6;
	p0 =	seq.s32 s0, $0xF;
	s28 =	smul.u32 $0x138C00, s7  }
0x7: {  	s4 =	sor.u32 s7, s25;
	s5 =	ssub.s32 $0x2, s7;
	s29 =	smul.u32 $0x27180, s7  }
0x8: {  	_ =	strace $0x80000047;
	s4 =	smul.u32 $0x500, s4;
	s13 =	sshrl.u32 s5, $0x1  }
0x9: {  	s11 =	sadd.s32 s9, s6;
	s26 =	sshrl.u32 s10, $0x2;
	s13 =	ssub.s32 s5, s13  }
0xa: {  	s14 =	sadd.s32 s26, s2;
	s5 =	sadd.s32 $0xCC00, s11;
	s10 =	sshrl.u32 s28, $0x3  }
0xb: {  	s30 =	sadd.s32 s9, s29;
	s11 =	sshrl.u32 @p0 s15, $0x3;
	s15 =	simm.s32 $0x4000  }
0xc: {  	s8 =	sadd.s32 s4, s6;
	s4 =	sadd.s32 $0x33E00, s6;
	s6 =	sadd.s32 $0x31C80, s6  }
0xd: {  	s31 =	sadd.s32 s12, s10;
	s10 =	smax.u32 s13, $0x1;
	s13 =	sshrl.u32 @!p0 s14, $0x3  }
0xe: {  	s7 =	sadd.s32 $0x2C00, s8;
	s8 =	sadd.s32 s12, s30;
	s12 =	sshll.u32 @!p0 s0, $0x6  }
0xf: {  	s14 =	simm.s32 $0x1;
	s9 =	sadd.s32 $0x25080, s31;
	s12 =	sor.u32 @!p0 $0x1C01, s12  }
.LBB2_1:
0x10: {  	s18 =	simm.s32 @p0 $0x1FC1  }
0x11: {  	[spmem:s11], [sflag:s18] =	dma.local @p0 [hbm:s6], $0x2100  }
0x12: {  	s18 =	simm.s32 @p0 $0x1  }
0x13: {  	_ =	swait.ge @p0 [sflag:s18], $0x2100  }
0x14: {  	[sflag:s18] =	ssyncset.done @p0 $0x0  }
0x15: {  	[sflag:s18] =	ssyncadd.s32 @p0 $0xFFFFDF00;
	s18 =	simm.s32 @!p0 $0x1  }
0x16: {  	[spmem:s13], [sflag:s12] =	dma.local @!p0 [hbm:s5], $0x2780  }
0x17: {  	_ =	swait.ge @!p0 [sflag:s18], $0x2780  }
0x18: {  	[sflag:s18] =	ssyncset.done @!p0 $0x0  }
0x19: {  	[sflag:s18] =	ssyncadd.s32 @!p0 $0xFFFFD880  }
0x1a: {  	[tilespmem:s3], [sflag:$0x1] =	stream.linear.gather [hbm4b:s4+s3], $0x4000, $0x38;
	[tilespmem:$0x8F18] =	vst v63  }
0x1b: {  	_ =	swait.ge [sflag:s14], $0x4000  }
0x1c: {  	[sflag:s14] =	ssyncset.done $0x0  }
0x1d: {  	[sflag:s14] =	ssyncadd.s32 $0xFFFFC000  }
0x1e: {  	[tilespmem:s15], [sflag:$0x1] =	stream.linear.gather [hbm4b:s7+s3], $0x2800, $0x38;
	[tilespmem:$0x8F18] =	vst v63  }
0x1f: {  	_ =	swait.ge [sflag:s14], $0x2800  }
0x20: {  	[sflag:s14] =	ssyncset.done $0x0  }
0x21: {  	[sflag:s14] =	ssyncadd.s32 $0xFFFFD800  }
0x22: {  	s31 =	simm.s32 $0x4000;
	[bflag:$0x0] =	sbarrier.arrive $0xFFFF  }
0x23: {  	[spmem:s2] =	stream.indirect.scatter.add.f32 [tilespmem:s3], [sflag:$0x1], $0x10, s31, s16, $0xb8;
	[tilespmem:$0x8F18] =	vst v63  }
0x24: {  	s18 =	simm.s32 $0x200;
	_ =	swait.ge [sflag:s14], $0x800  }
.LBB2_2:
0x25: {  	s19 =	sshra.s32 s18, $0x2;
	[sflag:s14] =	ssyncset.done $0x0;
	p1 =	sne.s32 s18, $0x9E00  }
.Ltmp0:
0x26: {  	s19 =	sadd.s32 $0x4000, s19;
	[sflag:s14] =	ssyncadd.s32 $0xFFFFF800;
	(pc) =	sbr.rel @p1 .LBB2_2-.Ltmp0, $3  }
0x27: {  	[spmem:s2] =	stream.indirect.scatter.add.f32 [tilespmem:s3], [sflag:$0x1], $0x10, s19, s16, $0xb8;
	[tilespmem:$0x8F18] =	vst v63  }
0x28: {  	s18 =	sadd.s32 $0x200, s18;
	_ =	sdelay $0x1  }
0x29: {  	_ =	swait.ge [sflag:s14], $0x800  }
0x2a: {  	[sflag:s14] =	ssyncset.done $0x0  }
0x2b: {  	[sflag:s14] =	ssyncadd.s32 $0xFFFFF800  }
0x2c: {  	s18 =	simm.s32 @p0 $0x1FC1;
	[bflag:$0x0] =	sbarrier.arrive $0xFFFF  }
0x2d: {  	[hbm:s9], [sflag:s18] =	dma.local @p0 [spmem:s11], $0x2100  }
0x2e: {  	s18 =	simm.s32 @p0 $0x1  }
0x2f: {  	s17 =	sadd.s32 $0x1, s17;
	_ =	swait.ge @p0 [sflag:s18], $0x2100  }
0x30: {  	p1 =	sne.s32 s17, s10;
	[sflag:s18] =	ssyncset.done @p0 $0x0  }
.Ltmp1:
0x31: {  	[sflag:s18] =	ssyncadd.s32 @p0 $0xFFFFDF00;
	s18 =	simm.s32 @!p0 $0x1;
	(pc) =	sbr.rel @p1 .LBB2_1-.Ltmp1, $4  }
0x32: {  	[hbm:s8], [sflag:s12] =	dma.local @!p0 [spmem:s13], $0x2780  }
0x33: {  	_ =	swait.ge @!p0 [sflag:s18], $0x2780  }
0x34: {  	[sflag:s18] =	ssyncset.done @!p0 $0x0  }
0x35: {  	[sflag:s18] =	ssyncadd.s32 @!p0 $0xFFFFD880  }
0x36: {  	_ =	sfence.sel $0x180000  }
0x37: {  	[bflag:$0x0] =	sbarrier.arrive $0xFFFF  }
0x38: {  	p0 =	sne.s32 s0, $0x0;
	_ =	strace $0x90000047  }
0x39: {  	s0 =	sadd.s32 @!p0 $0x100000, s1;
	[bflag:$0x2] =	sbarrier.arrive $0xFFFF  }
0x3a: {  	[sflag:s0] =	ssyncadd.tile.s32 @!p0 $0x1;
	_ =	shalt  }
.Lfunc_end2:
_tile_overlayer_lowered:
.L_overlay_start_2:
0x3b: {  	(tag) =	ssettag $0x2  }
0x3c: {  	s0 =	rddreg [dreg:$0x0];
	s2 =	stileid.u32  }
0x3d: {  	s1 =	rddreg [dreg:$0x1];
	p0 =	sne.s32 s2, $0x0  }
0x3e: {  	s3 =	rddreg [dreg:$0x2];
	[bflag:$0x3] =	sbarrier.arrive $0xFFFF;
	s2 =	simm.s32 @!p0 $0x1C01  }
0x3f: {  	[timem:s3], [sflag:s2] =	dma.local @!p0 [hbm:s0], s1  }
0x40: {  	s0 =	simm.s32 @!p0 $0x1  }
0x41: {  	_ =	swait.ge @!p0 [sflag:s0], s1  }
0x42: {  	s1 =	ssub.s32 @!p0 $0x0, s1;
	[sflag:s0] =	ssyncset.done @!p0 $0x0  }
0x43: {  	[sflag:s0] =	ssyncadd.s32 @!p0 s1  }
0x44: {  	[bflag:$0x3] =	sbarrier.arrive $0xFFFF  }
0x45: {  	_ =	shalt  }

// kernel: kernel.13.cloned.1.call-start
scs
__scs_entry_jumppad:
0x0: {  	(pc) =	sbr.rel $0x88, $3  }
0x1: {  	(tag) =	ssettag $0x0;
	lr =	simm.s32 $0x1  }
0x2: {  	[smem:$0x3F99] =	sst lr;
	_ =	strace $0xD0000000  }
0x3: {  	_ = 	snop  }
0x4: {  	_ = 	snop  }
0x5: {  	_ = 	snop  }
0x6: {  	_ = 	snop  }
0x7: {  	_ = 	snop  }
__scs_overlays_trampoline_lowered:
0x8: {  	[smem:$0x3FA8] =	sst s0  }
0x9: {  	[smem:$0x3FA9] =	sst s1  }
0xa: {  	[smem:$0x3FAA] =	sst s2  }
0xb: {  	[smem:$0x3FAB] =	sst s3  }
0xc: {  	[smem:$0x3FAC] =	sst s4  }
0xd: {  	[smem:$0x3FAD] =	sst s5  }
0xe: {  	[smem:$0x3FAE] =	sst s6  }
0xf: {  	[smem:$0x3FAF] =	sst s7  }
0x10: {  	[smem:$0x3FB0] =	sst s8  }
0x11: {  	[smem:$0x3FB1] =	sst s9;
	s0 =	simm.s32 @!p0 $0x0  }
0x12: {  	s1 =	sld [smem:$0x3F97];
	s0 =	simm.s32 @p0 $0x1  }
0x13: {  	[smem:$0x3FB2] =	sst s0;
	s0 =	simm.s32 @!p1 $0x0  }
0x14: {  	s2 =	sld [smem:$0x3F96];
	s0 =	simm.s32 @p1 $0x1  }
0x15: {  	[smem:$0x3FB3] =	sst s0;
	s0 =	simm.s32 @!p2 $0x0  }
0x16: {  	s3 =	sld [smem:$0x3FDB];
	s0 =	simm.s32 @p2 $0x1  }
0x17: {  	s4 =	simm.s32 $0x1BF5;
	[smem:$0x3FB5] =	sst s0  }
0x18: {  	s0 =	sld [smem:$0x3F98];
	_ =	swait.ge [sflag:s4], $0x0  }
0x19: {  	s7 =	sld [smem:$0x3F99]  }
0x1a: {  	s8 =	sadd.s32 $0xFFFFE003, lr  }
0x1b: {  	s9 =	sadd.s32 $0xFFFFFEF7, lr;
	s5 =	simm.s32 $0xFFFFFFFF;
	p2 =	slt.u32 s8, $0xFFFFF086  }
0x1c: {  	p1 =	slt.u32 s9, $0xF7A;
	s5 =	simm.s32 @!p2 $0x0  }
0x1d: {  	s5 =	simm.s32 @p1 $0x1;
	p0 =	seq.s32 s7, s2  }
0x1e: {  	s7 =	smul.u32 @!p0 $0xF7A, s2;
	p2 =	seq.s32 @!p0 s5, $0x0  }
0x1f: {  	s9 =	smul.u32 $0xF7A, s1;
	s8 =	simm.s32 @!p0 $0x1BF5;
	p2 =	por !p2, p0  }
0x20: {  	[sflag:s8] =	ssyncset.s32 @!p0 $0xFFFFF086;
	s6 =	sadd.s32 @!p0 s3, s7;
	s7 =	simm.s32 @!p0 $0x108  }
0x21: {  	s3 =	sadd.s32 s3, s9;
	s6 =	sadd.s32 @!p0 $0x88, s6;
	s7 =	simm.s32 @p2 $0x1082  }
0x22: {  	[simem:s7], [sflag:s8] =	dma.local @!p0 [hbm:s6], $0xF7A  }
0x23: {  	s9 =	sor.u32 $0xD0000000, s2;
	s6 =	simm.s32 $0x108;
	_ =	swait.ge @!p0 [sflag:s8], $0x0  }
0x24: {  	s3 =	sadd.s32 $0x88, s3;
	s6 =	simm.s32 @!p1 $0x1082;
	[sflag:s4] =	ssyncset.s32 $0xFFFFF086  }
0x25: {  	[simem:s6], [sflag:s4] =	dma.local [hbm:s3], $0xF7A  }
0x26: {  	[smem:$0x3F99] =	sst s1;
	(tag) =	ssettag s2;
	_ =	strace s9  }
0x27: {  	s1 =	sld [smem:$0x3FA9]  }
0x28: {  	s2 =	sld [smem:$0x3FAA]  }
0x29: {  	s4 =	sld [smem:$0x3FAC]  }
0x2a: {  	p0 =	seq.s32 s5, $0x0;
	s5 =	sld [smem:$0x3FAD]  }
0x2b: {  	s6 =	sld [smem:$0x3FAE]  }
0x2c: {  	s7 =	sld [smem:$0x3FAF]  }
0x2d: {  	s3 =	simm.s32 $0x108;
	s8 =	sld [smem:$0x3FB0]  }
0x2e: {  	s3 =	simm.s32 @!p0 $0x1082;
	s9 =	sld [smem:$0x3FB1]  }
0x2f: {  	lr =	sadd.s32 s0, s3;
	s0 =	sld [smem:$0x3FA8]  }
0x30: {  	s3 =	sld [smem:$0x3FAB]  }
0x31: {  	[smem:$0x3FB4] =	sst s10  }
0x32: {  	s10 =	sld [smem:$0x3FB2];
	_ =	sdelay $0x3  }
0x33: {  	p0 =	seq.s32 s10, $0x1;
	s10 =	sld [smem:$0x3FB4];
	_ =	sdelay $0x3  }
0x34: {  	[smem:$0x3FB4] =	sst s10  }
0x35: {  	s10 =	sld [smem:$0x3FB3];
	_ =	sdelay $0x3  }
0x36: {  	p1 =	seq.s32 s10, $0x1;
	s10 =	sld [smem:$0x3FB4];
	_ =	sdelay $0x3  }
0x37: {  	[smem:$0x3FB4] =	sst s10  }
0x38: {  	s10 =	sld [smem:$0x3FB5]  }
0x39: {  	_ = 	snop;
	(pc) =	sbr.ind lr, $3  }
0x3a: {  	_ = 	snop  }
0x3b: {  	_ = 	snop  }
0x3c: {  	p2 =	seq.s32 s10, $0x1;
	s10 =	sld [smem:$0x3FB4]  }
0x3d: {  	_ =	shalt  }
0x3e: {  	_ =	shalt  }
0x3f: {  	_ =	shalt  }
0x40: {  	_ =	shalt  }
0x41: {  	_ =	shalt  }
0x42: {  	_ =	shalt  }
0x43: {  	_ =	shalt  }
0x44: {  	_ =	shalt  }
0x45: {  	_ =	shalt  }
0x46: {  	_ =	shalt  }
0x47: {  	_ =	shalt  }
0x48: {  	_ =	shalt  }
0x49: {  	_ =	shalt  }
0x4a: {  	_ =	shalt  }
0x4b: {  	_ =	shalt  }
0x4c: {  	_ =	shalt  }
0x4d: {  	_ =	shalt  }
0x4e: {  	_ =	shalt  }
0x4f: {  	_ =	shalt  }
0x50: {  	_ =	shalt  }
0x51: {  	_ =	shalt  }
0x52: {  	_ =	shalt  }
0x53: {  	_ =	shalt  }
0x54: {  	_ =	shalt  }
0x55: {  	_ =	shalt  }
0x56: {  	_ =	shalt  }
0x57: {  	_ =	shalt  }
0x58: {  	_ =	shalt  }
0x59: {  	_ =	shalt  }
0x5a: {  	_ =	shalt  }
0x5b: {  	_ =	shalt  }
0x5c: {  	_ =	shalt  }
0x5d: {  	_ =	shalt  }
0x5e: {  	_ =	shalt  }
0x5f: {  	_ =	shalt  }
0x60: {  	_ =	shalt  }
0x61: {  	_ =	shalt  }
0x62: {  	_ =	shalt  }
0x63: {  	_ =	shalt  }
0x64: {  	_ =	shalt  }
0x65: {  	_ =	shalt  }
0x66: {  	_ =	shalt  }
0x67: {  	_ =	shalt  }
0x68: {  	_ =	shalt  }
0x69: {  	_ =	shalt  }
0x6a: {  	_ =	shalt  }
0x6b: {  	_ =	shalt  }
0x6c: {  	_ =	shalt  }
0x6d: {  	_ =	shalt  }
0x6e: {  	_ =	shalt  }
0x6f: {  	_ =	shalt  }
0x70: {  	_ =	shalt  }
0x71: {  	_ =	shalt  }
0x72: {  	_ =	shalt  }
0x73: {  	_ =	shalt  }
0x74: {  	_ =	shalt  }
0x75: {  	_ =	shalt  }
0x76: {  	_ =	shalt  }
0x77: {  	_ =	shalt  }
0x78: {  	_ =	shalt  }
0x79: {  	_ =	shalt  }
0x7a: {  	_ =	shalt  }
0x7b: {  	_ =	shalt  }
0x7c: {  	_ =	shalt  }
0x7d: {  	_ =	shalt  }
0x7e: {  	_ =	shalt  }
0x7f: {  	_ =	shalt  }
0x80: {  	_ =	shalt  }
0x81: {  	_ =	shalt  }
0x82: {  	_ =	shalt  }
0x83: {  	_ =	shalt  }
0x84: {  	_ =	shalt  }
0x85: {  	_ =	shalt  }
0x86: {  	_ =	shalt  }
0x87: {  	_ =	shalt  }
.Lfunc_end0:
.L_simem_size_0:
called_computation.1_lowered:
.L_overlay_start_0:
0x88: {  	s2 =	sld [smem:$0x3FD9]  }
0x89: {  	s3 =	sld [smem:$0x3FFE];
	_ =	sdelay $0x1  }
0x8a: {  	s1 =	srdreg.scid  }
0x8b: {  	s0 =	sand.u32 $0x1, s1  }
0x8c: {  	s17 =	sshll.u32 s0, $0xA;
	s2 =	sadd.s32 s3, s2  }
0x8d: {  	s2 =	sadd.s32 s2, s17  }
0x8e: {  	[smem:$0x3FC0] =	sst s2  }
0x8f: {  	_ = 	snop  }
0x90: {  	s2 =	sld [smem:$0x3FD0];
	(tm) =	ssettm $0x1  }
0x91: {  	s18 =	sld [smem:$0x3FFB];
	_ =	sdelay $0x3  }
0x92: {  	_ =	strace s18  }
0x93: {  	s3 =	sld [smem:$0x3FFC];
	_ =	sdelay $0x3  }
0x94: {  	_ =	strace s3  }
0x95: {  	s3 =	sld [smem:$0x3FFD];
	_ =	sdelay $0x3  }
0x96: {  	_ =	strace s3  }
0x97: {  	_ =	strace $0x8FFFFFFF  }
0x98: {  	s19 =	sld [smem:$0x3FDB];
	_ =	sdelay $0x1  }
0x99: {  	s4 =	simm.s32 $_scs_section_size  }
0x9a: {  	s5 =	simm.s32 $_size__tile_overlayer_lowered;
	s6 =	simm.s32 $_tile_overlayer_lowered  }
0x9b: {  	s22 =	simm.s32 $0x1BFF;
	s21 =	sshll.u32 s6, $0x1;
	s3 =	sadd.s32 s4, s19  }
0x9c: {  	s7 =	simm.s32 $0x0;
	s20 =	sshll.u32 s5, $0x1;
	s5 =	sadd.s32 s21, s3  }
0x9d: {  	[timem:s7], [sflag:s22] =	dma.local [hbm:s5], s20  }
0x9e: {  	_ =	swait.ge [sflag:s22], s20  }
0x9f: {  	s4 =	ssub.s32 $0x0, s20;
	[sflag:s22] =	ssyncset.done $0x0  }
0xa0: {  	[sflag:s22] =	ssyncadd.s32 s4;
	_ =	sdelay $0x1  }
0xa1: {  	s23 =	simm.s32 $0x1B8B  }
0xa2: {  	_ =	swait.ge [sflag:s23], $0x1  }
0xa3: {  	[sflag:s23] =	ssyncset.done $0x0  }
0xa4: {  	s25 =	simm.s32 $0x1B8E;
	s24 =	sld [smem:$0x3FFE];
	[sflag:s23] =	ssyncadd.s32 $0xFFFFFFFF  }
0xa5: {  	s26 =	simm.s32 $execute0_lowered;
	[smem:$0x3FD2] =	sst s25  }
0xa6: {  	s5 =	sshll.u32 s26, $0x1;
	_ =	strace $0x80000049;
	[dreg:$0x1] =	wrdreg $0xFFFFFFFF  }
0xa7: {  	s28 =	simm.s32 $_size_execute0_lowered;
	s3 =	sadd.s32 s3, s5;
	[dreg:$0x0] =	wrdreg $0x0  }
0xa8: {  	s5 =	sshll.u32 s28, $0x1;
	[dreg:$0x2] =	wrdreg s3  }
0xa9: {  	[dreg:$0x3] =	wrdreg s5  }
0xaa: {  	[dreg:$0x4] =	wrdreg $0xC0  }
0xab: {  	_ =	task [dreg:s7], $0x5FFFF  }
0xac: {  	[dreg:$0x1] =	wrdreg $0xFFFFFFFF  }
0xad: {  	[dreg:$0x0] =	wrdreg $0x60  }
0xae: {  	[dreg:$0x2] =	wrdreg s24  }
0xaf: {  	[dreg:$0x3] =	wrdreg s2  }
0xb0: {  	[dreg:$0x4] =	wrdreg $0xA8000  }
0xb1: {  	[dreg:$0x5] =	wrdreg $0x9  }
0xb2: {  	_ =	task.clear_ibuf [dreg:s7], $0x6FFFF;
	_ =	strace $0x90000049  }
0xb3: {  	s29 =	simm.s32 $0x9;
	_ =	strace $0x8000004B  }
0xb4: {  	_ =	swait.ge [sflag:s29], $0x1  }
0xb5: {  	[sflag:s29] =	ssyncadd.s32 $0xFFFFFFFF  }
0xb6: {  	_ =	strace $0x9000004B  }
0xb7: {  	_ =	sfence  }
0xb8: {  	s30 =	sld [smem:$0x0];
	_ =	sdelay $0x2  }
0xb9: {  	s31 =	sshll.u32 s1, $0xD;
	s1 =	sshrl.u32 s1, $0x2  }
0xba: {  	s3 =	sand.u32 $0x4000, s31;
	s1 =	sadd.s32 s1, s30  }
0xbb: {  	s0 =	sor.u32 s3, s0;
	s1 =	sshll.u32 s1, $0x11  }
0xbc: {  	s0 =	sor.u32 s1, s0  }
0xbd: {  	s0 =	sadd.s32 $0x8F2B, s0  }
0xbe: {  	[sflag:s0] =	ssyncadd.remote.s32 $0x1  }
0xbf: {  	_ =	sfence.sel $0xFFFF  }
0xc0: {  	[dreg:$0x0] =	wrdreg $0xFFFFFFFF;
	(pc) =	sbr.abs _section_cstart, $3  }
0xc1: {  	[dreg:$0x1] =	wrdreg $0xFFFFFFFF  }
0xc2: {  	_ =	task.clear_ibuf [dreg:s7], $0x2FFFF;
	_ =	strace $0x9FFFFFFF  }
0xc3: {  	(tm) =	ssettm $0x7FFFFFFF  }
tec
execute0_lowered:
.L_overlay_start_1:
0x0: {  	(tag) =	ssettag $0x1  }
0x1: {  	s6 =	rddreg [dreg:$0x0]  }
0x2: {  	s9 =	rddreg [dreg:$0x1]  }
0x3: {  	s2 =	rddreg [dreg:$0x2]  }
0x4: {  	s3 =	simm.s32 $0x0;
	s0 =	stileid.u32;
	s7 =	srdreg.scid  }
0x5: {  	s20 =	simm.s32 $0x2800;
	s21 =	simm.s32 $0x6800;
	s22 =	simm.s32 $0x1  }
0x6: {  	s23 =	simm.s32 $0x2;
	s24 =	simm.s32 $0x1380;
	s28 =	simm.s32 $0x0  }
0x7: {  	[smem:$0x7FF] =	sst s3;
	s11 =	smul.u32 $0x2780, s0;
	s4 =	sadd.s32 $0xCC00, s6  }
0x8: {  	s10 =	sadd.s32 $0x2C00, s6;
	s12 =	sand.u32 $0x1, s7;
	s25 =	sshll.u32 s0, $0x1  }
0x9: {  	s8 =	smul.u32 $0x4F000, s0;
	s13 =	sadd.s32 $0x5B000, s6;
	p0 =	seq.s32 s0, $0xF  }
0xa: {  	_ =	strace $0x8000004A;
	s14 =	ssub.s32 $0x2, s12;
	s19 =	smul.u32 $0x138C00, s12  }
0xb: {  	s7 =	sor.u32 s12, s25;
	s12 =	smul.u32 $0x27180, s12;
	s25 =	simm.s32 $0x2700  }
0xc: {  	s5 =	sadd.s32 s11, s6;
	s15 =	sshrl.u32 s14, $0x1;
	s16 =	smul.u32 $0x500, s7  }
0xd: {  	s8 =	sshrl.u32 s8, $0x2;
	s26 =	smul.u32 $0x2800, s7;
	s6 =	sadd.s32 $0x58E80, s6  }
0xe: {  	s14 =	ssub.s32 s14, s15;
	s17 =	sadd.s32 s8, s2;
	s5 =	sadd.s32 $0x33E00, s5  }
0xf: {  	s15 =	sadd.s32 $0x128400, s2;
	s30 =	sshrl.u32 s19, $0x3;
	s11 =	sadd.s32 s11, s12  }
0x10: {  	s19 =	simm.s32 $0x80;
	s7 =	sadd.s32 s9, s16;
	s18 =	sshrl.u32 s26, $0x3  }
0x11: {  	s8 =	sadd.s32 s10, s16;
	s31 =	sadd.s32 s13, s30;
	s11 =	sadd.s32 s13, s11  }
0x12: {  	s16 =	sshll.u32 @!p0 s0, $0x6;
	s13 =	smax.u32 s14, $0x1;
	s14 =	sshrl.u32 @p0 s15, $0x3  }
0x13: {  	s26 =	simm.s32 $0x2780;
	s29 =	sadd.s32 $0x280, s18;
	s12 =	sadd.s32 $0x25080, s31  }
0x14: {  	s15 =	sor.u32 @!p0 $0x1C03, s16;
	s16 =	sshrl.u32 @!p0 s17, $0x3;
	s17 =	simm.s32 $0x3  }
0x15: {  	s18 =	simm.s32 $0x1400;
	s9 =	sadd.s32 s9, s29;
	s10 =	sadd.s32 s10, s29  }
.LBB2_1:
0x16: {  	s29 =	simm.s32 @p0 $0x1FC3  }
0x17: {  	[spmem:s14], [sflag:s29] =	dma.local @p0 [hbm:s6], $0x2100  }
0x18: {  	s29 =	simm.s32 @p0 $0x3  }
0x19: {  	_ =	swait.ge @p0 [sflag:s29], $0x2100  }
0x1a: {  	[sflag:s29] =	ssyncset.done @p0 $0x0  }
0x1b: {  	[sflag:s29] =	ssyncadd.s32 @p0 $0xFFFFDF00;
	s29 =	simm.s32 @!p0 $0x3  }
0x1c: {  	[spmem:s16], [sflag:s15] =	dma.local @!p0 [hbm:s5], $0x2780  }
0x1d: {  	_ =	swait.ge @!p0 [sflag:s29], $0x2780  }
0x1e: {  	[sflag:s29] =	ssyncset.done @!p0 $0x0  }
0x1f: {  	[sflag:s29] =	ssyncadd.s32 @!p0 $0xFFFFD880  }
0x20: {  	[bflag:$0x0] =	sbarrier.arrive $0xFFFF  }
0x21: {  	[tilespmem:s3], [sflag:$0x3] =	stream.linear.gather [hbm4b:s7+s3], $0x1400, $0x38;
	[tilespmem:$0x1E0C0] =	vst v63  }
0x22: {  	_ =	swait.ge [sflag:s17], $0x1400  }
0x23: {  	[sflag:s17] =	ssyncset.done $0x0  }
0x24: {  	[sflag:s17] =	ssyncadd.s32 $0xFFFFEC00  }
0x25: {  	[tilespmem:s18], [sflag:$0x3] =	stream.linear.gather [hbm4b:s8+s3], $0x1400, $0x38;
	[tilespmem:$0x1E0C0] =	vst v63  }
0x26: {  	_ =	swait.ge [sflag:s17], $0x1400  }
0x27: {  	[sflag:s17] =	ssyncset.done $0x0  }
0x28: {  	[sflag:s17] =	ssyncadd.s32 $0xFFFFEC00  }
0x29: {  	[tilespmem:s20], [sflag:$0x1] =	stream.indirect.gather [hbm4b:s4+s19], $0x80, s3, s19, $0xb8;
	[tilespmem:$0x1E0C0] =	vst v63  }
0x2a: {  	s29 =	simm.s32 $0x80  }
0x2b: {  	[tilespmem:s21], [sflag:$0x2] =	stream.indirect.gather [hbm4b:s4+s19], $0x80, s29, s19, $0xb8;
	[tilespmem:$0x1E0C0] =	vst v63  }
0x2c: {  	_ =	swait.ge [sflag:s22], $0x4000  }
0x2d: {  	[sflag:s22] =	ssyncset.done $0x0  }
0x2e: {  	s29 =	simm.s32 $0x1400;
	[sflag:s22] =	ssyncadd.s32 $0xFFFFC000  }
0x2f: {  	[spmem:s2] =	stream.indirect.scatter.add.f32 [tilespmem:s20], [sflag:$0x3], $0x80, s29, s19, $0xb8;
	[tilespmem:$0x1E0C0] =	vst v63  }
0x30: {  	_ =	swait.ge [sflag:s17], $0x4000  }
0x31: {  	[sflag:s17] =	ssyncset.done $0x0  }
0x32: {  	s29 =	simm.s32 $0x100;
	[sflag:s17] =	ssyncadd.s32 $0xFFFFC000  }
0x33: {  	[tilespmem:s20], [sflag:$0x1] =	stream.indirect.gather [hbm4b:s4+s19], $0x80, s29, s19, $0xb8;
	[tilespmem:$0x1E0C0] =	vst v63  }
0x34: {  	_ =	swait.ge [sflag:s23], $0x4000  }
0x35: {  	[sflag:s23] =	ssyncset.done $0x0  }
0x36: {  	s29 =	simm.s32 $0x1480;
	[sflag:s23] =	ssyncadd.s32 $0xFFFFC000  }
0x37: {  	[spmem:s2] =	stream.indirect.scatter.add.f32 [tilespmem:s21], [sflag:$0x3], $0x80, s29, s19, $0xb8;
	[tilespmem:$0x1E0C0] =	vst v63  }
0x38: {  	_ =	swait.ge [sflag:s17], $0x4000  }
0x39: {  	s30 =	simm.s32 $0x800;
	s29 =	simm.s32 $0x100;
	[sflag:s17] =	ssyncset.done $0x0  }
.LBB2_2:
0x3a: {  	s31 =	sadd.s32 $0x80, s29  }
0x3b: {  	[sflag:s17] =	ssyncadd.s32 $0xFFFFC000;
	s0 =	smov.u32 s30;
	s1 =	sadd.s32 $0x400, s30  }
0x3c: {  	[tilespmem:s21], [sflag:$0x2] =	stream.indirect.gather [hbm4b:s4+s19], $0x80, s31, s19, $0xb8;
	[tilespmem:$0x1E0C0] =	vst v63  }
0x3d: {  	p1 =	sne.s32 s30, $0x4800;
	_ =	swait.ge [sflag:s22], $0x4000  }
0x3e: {  	[sflag:s22] =	ssyncset.done $0x0  }
0x3f: {  	s30 =	sadd.s32 $0x1400, s29;
	[sflag:s22] =	ssyncadd.s32 $0xFFFFC000  }
0x40: {  	[spmem:s2] =	stream.indirect.scatter.add.f32 [tilespmem:s20], [sflag:$0x3], $0x80, s30, s19, $0xb8;
	[tilespmem:$0x1E0C0] =	vst v63  }
0x41: {  	_ =	swait.ge [sflag:s17], $0x4000  }
0x42: {  	[sflag:s17] =	ssyncset.done $0x0  }
0x43: {  	s30 =	sadd.s32 $0x100, s29;
	[sflag:s17] =	ssyncadd.s32 $0xFFFFC000  }
0x44: {  	[tilespmem:s20], [sflag:$0x1] =	stream.indirect.gather [hbm4b:s4+s19], $0x80, s30, s19, $0xb8;
	[tilespmem:$0x1E0C0] =	vst v63  }
0x45: {  	_ =	swait.ge [sflag:s23], $0x4000  }
.Ltmp0:
0x46: {  	[sflag:s23] =	ssyncset.done $0x0;
	(pc) =	sbr.rel @p1 .LBB2_2-.Ltmp0, $4  }
0x47: {  	s29 =	sadd.s32 $0x1480, s29;
	[sflag:s23] =	ssyncadd.s32 $0xFFFFC000  }
0x48: {  	[spmem:s2] =	stream.indirect.scatter.add.f32 [tilespmem:s21], [sflag:$0x3], $0x80, s29, s19, $0xb8;
	[tilespmem:$0x1E0C0] =	vst v63  }
0x49: {  	_ =	swait.ge [sflag:s17], $0x4000  }
0x4a: {  	s30 =	smov.u32 s1;
	s29 =	sshra.s32 s0, $0x2;
	[sflag:s17] =	ssyncset.done $0x0  }
0x4b: {  	s0 =	sadd.s32 $0x80, s29;
	[sflag:s17] =	ssyncadd.s32 $0xFFFFC000  }
0x4c: {  	[tilespmem:s21], [sflag:$0x2] =	stream.indirect.gather [hbm4b:s4+s19], $0x80, s0, s19, $0xb8;
	[tilespmem:$0x1E0C0] =	vst v63  }
0x4d: {  	_ =	swait.ge [sflag:s22], $0x4000  }
0x4e: {  	[sflag:s22] =	ssyncset.done $0x0  }
0x4f: {  	s1 =	sadd.s32 $0x1400, s29;
	[sflag:s22] =	ssyncadd.s32 $0xFFFFC000  }
0x50: {  	[spmem:s2] =	stream.indirect.scatter.add.f32 [tilespmem:s20], [sflag:$0x3], $0x80, s1, s19, $0xb8;
	[tilespmem:$0x1E0C0] =	vst v63  }
0x51: {  	_ =	swait.ge [sflag:s17], $0x4000  }
0x52: {  	[sflag:s17] =	ssyncset.done $0x0  }
0x53: {  	s31 =	sadd.s32 $0x100, s29;
	[sflag:s17] =	ssyncadd.s32 $0xFFFFC000  }
0x54: {  	[tilespmem:s20], [sflag:$0x1] =	stream.indirect.gather [hbm4b:s4+s19], $0x80, s31, s19, $0xb8;
	[tilespmem:$0x1E0C0] =	vst v63  }
0x55: {  	_ =	swait.ge [sflag:s23], $0x4000  }
0x56: {  	[sflag:s23] =	ssyncset.done $0x0  }
0x57: {  	s1 =	sadd.s32 $0x1480, s29;
	[sflag:s23] =	ssyncadd.s32 $0xFFFFC000  }
0x58: {  	[spmem:s2] =	stream.indirect.scatter.add.f32 [tilespmem:s21], [sflag:$0x3], $0x80, s1, s19, $0xb8;
	[tilespmem:$0x1E0C0] =	vst v63  }
0x59: {  	_ =	swait.ge [sflag:s17], $0x4000  }
0x5a: {  	[sflag:s17] =	ssyncset.done $0x0  }
0x5b: {  	[sflag:s17] =	ssyncadd.s32 $0xFFFFC000  }
0x5c: {  	[tilespmem:s21], [sflag:$0x2] =	stream.indirect.gather [hbm4b:s4+s19], $0x80, s24, s19, $0xb8;
	[tilespmem:$0x1E0C0] =	vst v63  }
0x5d: {  	_ =	swait.ge [sflag:s22], $0x4000  }
0x5e: {  	[sflag:s22] =	ssyncset.done $0x0  }
0x5f: {  	[sflag:s22] =	ssyncadd.s32 $0xFFFFC000  }
0x60: {  	[spmem:s2] =	stream.indirect.scatter.add.f32 [tilespmem:s20], [sflag:$0x3], $0x80, s25, s19, $0xb8;
	[tilespmem:$0x1E0C0] =	vst v63  }
0x61: {  	_ =	swait.ge [sflag:s17], $0x4000  }
0x62: {  	[sflag:s17] =	ssyncset.done $0x0  }
0x63: {  	[sflag:s17] =	ssyncadd.s32 $0xFFFFC000  }
0x64: {  	_ =	swait.ge [sflag:s23], $0x4000  }
0x65: {  	[sflag:s23] =	ssyncset.done $0x0  }
0x66: {  	[sflag:s23] =	ssyncadd.s32 $0xFFFFC000  }
0x67: {  	[spmem:s2] =	stream.indirect.scatter.add.f32 [tilespmem:s21], [sflag:$0x3], $0x80, s26, s19, $0xb8;
	[tilespmem:$0x1E0C0] =	vst v63  }
0x68: {  	_ =	swait.ge [sflag:s17], $0x4000  }
0x69: {  	[sflag:s17] =	ssyncset.done $0x0  }
0x6a: {  	s31 =	simm.s32 $0x0;
	[sflag:s17] =	ssyncadd.s32 $0xFFFFC000  }
0x6b: {  	[tilespmem:s31], [sflag:$0x3] =	stream.linear.gather [hbm4b:s9+s31], $0x1400, $0x38;
	[tilespmem:$0x1E0C0] =	vst v63  }
0x6c: {  	_ =	swait.ge [sflag:s17], $0x1400  }
0x6d: {  	[sflag:s17] =	ssyncset.done $0x0  }
0x6e: {  	[sflag:s17] =	ssyncadd.s32 $0xFFFFEC00  }
0x6f: {  	[tilespmem:s18], [sflag:$0x3] =	stream.linear.gather [hbm4b:s10+s31], $0x1400, $0x38;
	[tilespmem:$0x1E0C0] =	vst v63  }
0x70: {  	_ =	swait.ge [sflag:s17], $0x1400  }
0x71: {  	[sflag:s17] =	ssyncset.done $0x0  }
0x72: {  	[sflag:s17] =	ssyncadd.s32 $0xFFFFEC00  }
0x73: {  	[tilespmem:s20], [sflag:$0x1] =	stream.indirect.gather [hbm4b:s4+s19], $0x80, s31, s19, $0xb8;
	[tilespmem:$0x1E0C0] =	vst v63  }
0x74: {  	s1 =	simm.s32 $0x80  }
0x75: {  	[tilespmem:s21], [sflag:$0x2] =	stream.indirect.gather [hbm4b:s4+s19], $0x80, s1, s19, $0xb8;
	[tilespmem:$0x1E0C0] =	vst v63  }
0x76: {  	_ =	swait.ge [sflag:s22], $0x4000  }
0x77: {  	[sflag:s22] =	ssyncset.done $0x0  }
0x78: {  	s31 =	simm.s32 $0x1400;
	[sflag:s22] =	ssyncadd.s32 $0xFFFFC000  }
0x79: {  	[spmem:s2] =	stream.indirect.scatter.add.f32 [tilespmem:s20], [sflag:$0x3], $0x80, s31, s19, $0xb8;
	[tilespmem:$0x1E0C0] =	vst v63  }
0x7a: {  	_ =	swait.ge [sflag:s17], $0x4000  }
0x7b: {  	[sflag:s17] =	ssyncset.done $0x0  }
0x7c: {  	s1 =	simm.s32 $0x100;
	[sflag:s17] =	ssyncadd.s32 $0xFFFFC000  }
0x7d: {  	[tilespmem:s20], [sflag:$0x1] =	stream.indirect.gather [hbm4b:s4+s19], $0x80, s1, s19, $0xb8;
	[tilespmem:$0x1E0C0] =	vst v63  }
0x7e: {  	_ =	swait.ge [sflag:s23], $0x4000  }
0x7f: {  	[sflag:s23] =	ssyncset.done $0x0  }
0x80: {  	s31 =	simm.s32 $0x1480;
	[sflag:s23] =	ssyncadd.s32 $0xFFFFC000  }
0x81: {  	[spmem:s2] =	stream.indirect.scatter.add.f32 [tilespmem:s21], [sflag:$0x3], $0x80, s31, s19, $0xb8;
	[tilespmem:$0x1E0C0] =	vst v63  }
0x82: {  	_ =	swait.ge [sflag:s17], $0x4000  }
0x83: {  	s30 =	simm.s32 $0x800;
	s29 =	simm.s32 $0x100;
	[sflag:s17] =	ssyncset.done $0x0  }
.LBB2_4:
0x84: {  	s0 =	sadd.s32 $0x80, s29  }
0x85: {  	[sflag:s17] =	ssyncadd.s32 $0xFFFFC000;
	s1 =	smov.u32 s30;
	s31 =	sadd.s32 $0x400, s30  }
0x86: {  	[tilespmem:s21], [sflag:$0x2] =	stream.indirect.gather [hbm4b:s4+s19], $0x80, s0, s19, $0xb8;
	[tilespmem:$0x1E0C0] =	vst v63  }
0x87: {  	p1 =	sne.s32 s30, $0x4800;
	_ =	swait.ge [sflag:s22], $0x4000  }
0x88: {  	[sflag:s22] =	ssyncset.done $0x0  }
0x89: {  	s0 =	sadd.s32 $0x1400, s29;
	[sflag:s22] =	ssyncadd.s32 $0xFFFFC000  }
0x8a: {  	[spmem:s2] =	stream.indirect.scatter.add.f32 [tilespmem:s20], [sflag:$0x3], $0x80, s0, s19, $0xb8;
	[tilespmem:$0x1E0C0] =	vst v63  }
0x8b: {  	_ =	swait.ge [sflag:s17], $0x4000  }
0x8c: {  	[sflag:s17] =	ssyncset.done $0x0  }
0x8d: {  	s0 =	sadd.s32 $0x100, s29;
	[sflag:s17] =	ssyncadd.s32 $0xFFFFC000  }
0x8e: {  	[tilespmem:s20], [sflag:$0x1] =	stream.indirect.gather [hbm4b:s4+s19], $0x80, s0, s19, $0xb8;
	[tilespmem:$0x1E0C0] =	vst v63  }
0x8f: {  	_ =	swait.ge [sflag:s23], $0x4000  }
.Ltmp1:
0x90: {  	[sflag:s23] =	ssyncset.done $0x0;
	(pc) =	sbr.rel @p1 .LBB2_4-.Ltmp1, $4  }
0x91: {  	s0 =	sadd.s32 $0x1480, s29;
	[sflag:s23] =	ssyncadd.s32 $0xFFFFC000  }
0x92: {  	[spmem:s2] =	stream.indirect.scatter.add.f32 [tilespmem:s21], [sflag:$0x3], $0x80, s0, s19, $0xb8;
	[tilespmem:$0x1E0C0] =	vst v63  }
0x93: {  	_ =	swait.ge [sflag:s17], $0x4000  }
0x94: {  	s30 =	smov.u32 s31;
	s29 =	sshra.s32 s1, $0x2;
	[sflag:s17] =	ssyncset.done $0x0  }
0x95: {  	s0 =	sadd.s32 $0x80, s29;
	[sflag:s17] =	ssyncadd.s32 $0xFFFFC000  }
0x96: {  	[tilespmem:s21], [sflag:$0x2] =	stream.indirect.gather [hbm4b:s4+s19], $0x80, s0, s19, $0xb8;
	[tilespmem:$0x1E0C0] =	vst v63  }
0x97: {  	_ =	swait.ge [sflag:s22], $0x4000  }
0x98: {  	[sflag:s22] =	ssyncset.done $0x0  }
0x99: {  	s1 =	sadd.s32 $0x1400, s29;
	[sflag:s22] =	ssyncadd.s32 $0xFFFFC000  }
0x9a: {  	[spmem:s2] =	stream.indirect.scatter.add.f32 [tilespmem:s20], [sflag:$0x3], $0x80, s1, s19, $0xb8;
	[tilespmem:$0x1E0C0] =	vst v63  }
0x9b: {  	_ =	swait.ge [sflag:s17], $0x4000  }
0x9c: {  	[sflag:s17] =	ssyncset.done $0x0  }
0x9d: {  	s30 =	sadd.s32 $0x100, s29;
	[sflag:s17] =	ssyncadd.s32 $0xFFFFC000  }
0x9e: {  	[tilespmem:s20], [sflag:$0x1] =	stream.indirect.gather [hbm4b:s4+s19], $0x80, s30, s19, $0xb8;
	[tilespmem:$0x1E0C0] =	vst v63  }
0x9f: {  	_ =	swait.ge [sflag:s23], $0x4000  }
0xa0: {  	[sflag:s23] =	ssyncset.done $0x0  }
0xa1: {  	s31 =	sadd.s32 $0x1480, s29;
	[sflag:s23] =	ssyncadd.s32 $0xFFFFC000  }
0xa2: {  	[spmem:s2] =	stream.indirect.scatter.add.f32 [tilespmem:s21], [sflag:$0x3], $0x80, s31, s19, $0xb8;
	[tilespmem:$0x1E0C0] =	vst v63  }
0xa3: {  	_ =	swait.ge [sflag:s17], $0x4000  }
0xa4: {  	[sflag:s17] =	ssyncset.done $0x0  }
0xa5: {  	[sflag:s17] =	ssyncadd.s32 $0xFFFFC000  }
0xa6: {  	[tilespmem:s21], [sflag:$0x2] =	stream.indirect.gather [hbm4b:s4+s19], $0x80, s24, s19, $0xb8;
	[tilespmem:$0x1E0C0] =	vst v63  }
0xa7: {  	_ =	swait.ge [sflag:s22], $0x4000  }
0xa8: {  	[sflag:s22] =	ssyncset.done $0x0  }
0xa9: {  	[sflag:s22] =	ssyncadd.s32 $0xFFFFC000  }
0xaa: {  	[spmem:s2] =	stream.indirect.scatter.add.f32 [tilespmem:s20], [sflag:$0x3], $0x80, s25, s19, $0xb8;
	[tilespmem:$0x1E0C0] =	vst v63  }
0xab: {  	_ =	swait.ge [sflag:s17], $0x4000  }
0xac: {  	[sflag:s17] =	ssyncset.done $0x0  }
0xad: {  	[sflag:s17] =	ssyncadd.s32 $0xFFFFC000  }
0xae: {  	_ =	swait.ge [sflag:s23], $0x4000  }
0xaf: {  	[sflag:s23] =	ssyncset.done $0x0  }
0xb0: {  	[sflag:s23] =	ssyncadd.s32 $0xFFFFC000  }
0xb1: {  	[spmem:s2] =	stream.indirect.scatter.add.f32 [tilespmem:s21], [sflag:$0x3], $0x80, s26, s19, $0xb8;
	[tilespmem:$0x1E0C0] =	vst v63  }
0xb2: {  	_ =	swait.ge [sflag:s17], $0x4000  }
0xb3: {  	[sflag:s17] =	ssyncset.done $0x0  }
0xb4: {  	[sflag:s17] =	ssyncadd.s32 $0xFFFFC000  }
0xb5: {  	s0 =	simm.s32 @p0 $0x1FC3;
	[bflag:$0x0] =	sbarrier.arrive $0xFFFF  }
0xb6: {  	[hbm:s12], [sflag:s0] =	dma.local @p0 [spmem:s14], $0x2100  }
0xb7: {  	s0 =	simm.s32 @p0 $0x3  }
0xb8: {  	s28 =	sadd.s32 $0x1, s28;
	_ =	swait.ge @p0 [sflag:s0], $0x2100  }
0xb9: {  	p1 =	sne.s32 s28, s13;
	[sflag:s0] =	ssyncset.done @p0 $0x0  }
.Ltmp2:
0xba: {  	[sflag:s0] =	ssyncadd.s32 @p0 $0xFFFFDF00;
	s0 =	simm.s32 @!p0 $0x3;
	(pc) =	sbr.rel @p1 .LBB2_1-.Ltmp2, $4  }
0xbb: {  	[hbm:s11], [sflag:s15] =	dma.local @!p0 [spmem:s16], $0x2780  }
0xbc: {  	_ =	swait.ge @!p0 [sflag:s0], $0x2780  }
0xbd: {  	[sflag:s0] =	ssyncset.done @!p0 $0x0  }
0xbe: {  	[sflag:s0] =	ssyncadd.s32 @!p0 $0xFFFFD880  }
0xbf: {  	_ =	sfence.sel $0x180000  }
0xc0: {  	[bflag:$0x0] =	sbarrier.arrive $0xFFFF  }
0xc1: {  	_ =	strace $0x9000004A  }
0xc2: {  	s0 =	stileid.u32;
	[bflag:$0x2] =	sbarrier.arrive $0xFFFF  }
0xc3: {  	p0 =	sne.s32 s0, $0x0;
	s0 =	rddreg [dreg:$0x3]  }
0xc4: {  	s0 =	sadd.s32 @!p0 $0x100000, s0  }
0xc5: {  	[sflag:s0] =	ssyncadd.tile.s32 @!p0 $0x1;
	_ =	shalt  }
.Lfunc_end2:
_tile_overlayer_lowered:
.L_overlay_start_2:
0xc6: {  	(tag) =	ssettag $0x2  }
0xc7: {  	s0 =	rddreg [dreg:$0x0];
	s2 =	stileid.u32  }
0xc8: {  	s1 =	rddreg [dreg:$0x1];
	p0 =	sne.s32 s2, $0x0  }
0xc9: {  	s3 =	rddreg [dreg:$0x2];
	[bflag:$0x3] =	sbarrier.arrive $0xFFFF;
	s2 =	simm.s32 @!p0 $0x1C03  }
0xca: {  	[timem:s3], [sflag:s2] =	dma.local @!p0 [hbm:s0], s1  }
0xcb: {  	s0 =	simm.s32 @!p0 $0x3  }
0xcc: {  	_ =	swait.ge @!p0 [sflag:s0], s1  }
0xcd: {  	s1 =	ssub.s32 @!p0 $0x0, s1;
	[sflag:s0] =	ssyncset.done @!p0 $0x0  }
0xce: {  	[sflag:s0] =	ssyncadd.s32 @!p0 s1  }
0xcf: {  	[bflag:$0x3] =	sbarrier.arrive $0xFFFF  }
0xd0: {  	_ =	shalt  }

// kernel: kernel.16.cloned.1.call-start
scs
__scs_entry_jumppad:
0x0: {  	(pc) =	sbr.rel $0x88, $3  }
0x1: {  	(tag) =	ssettag $0x0;
	lr =	simm.s32 $0x1  }
0x2: {  	[smem:$0x3F99] =	sst lr;
	_ =	strace $0xD0000000  }
0x3: {  	_ = 	snop  }
0x4: {  	_ = 	snop  }
0x5: {  	_ = 	snop  }
0x6: {  	_ = 	snop  }
0x7: {  	_ = 	snop  }
__scs_overlays_trampoline_lowered:
0x8: {  	[smem:$0x3FA8] =	sst s0  }
0x9: {  	[smem:$0x3FA9] =	sst s1  }
0xa: {  	[smem:$0x3FAA] =	sst s2  }
0xb: {  	[smem:$0x3FAB] =	sst s3  }
0xc: {  	[smem:$0x3FAC] =	sst s4  }
0xd: {  	[smem:$0x3FAD] =	sst s5  }
0xe: {  	[smem:$0x3FAE] =	sst s6  }
0xf: {  	[smem:$0x3FAF] =	sst s7  }
0x10: {  	[smem:$0x3FB0] =	sst s8  }
0x11: {  	[smem:$0x3FB1] =	sst s9;
	s0 =	simm.s32 @!p0 $0x0  }
0x12: {  	s1 =	sld [smem:$0x3F97];
	s0 =	simm.s32 @p0 $0x1  }
0x13: {  	[smem:$0x3FB2] =	sst s0;
	s0 =	simm.s32 @!p1 $0x0  }
0x14: {  	s2 =	sld [smem:$0x3F96];
	s0 =	simm.s32 @p1 $0x1  }
0x15: {  	[smem:$0x3FB3] =	sst s0;
	s0 =	simm.s32 @!p2 $0x0  }
0x16: {  	s3 =	sld [smem:$0x3FDB];
	s0 =	simm.s32 @p2 $0x1  }
0x17: {  	s4 =	simm.s32 $0x1BF5;
	[smem:$0x3FB5] =	sst s0  }
0x18: {  	s0 =	sld [smem:$0x3F98];
	_ =	swait.ge [sflag:s4], $0x0  }
0x19: {  	s7 =	sld [smem:$0x3F99]  }
0x1a: {  	s8 =	sadd.s32 $0xFFFFE003, lr  }
0x1b: {  	s9 =	sadd.s32 $0xFFFFFEF7, lr;
	s5 =	simm.s32 $0xFFFFFFFF;
	p2 =	slt.u32 s8, $0xFFFFF086  }
0x1c: {  	p1 =	slt.u32 s9, $0xF7A;
	s5 =	simm.s32 @!p2 $0x0  }
0x1d: {  	s5 =	simm.s32 @p1 $0x1;
	p0 =	seq.s32 s7, s2  }
0x1e: {  	s7 =	smul.u32 @!p0 $0xF7A, s2;
	p2 =	seq.s32 @!p0 s5, $0x0  }
0x1f: {  	s9 =	smul.u32 $0xF7A, s1;
	s8 =	simm.s32 @!p0 $0x1BF5;
	p2 =	por !p2, p0  }
0x20: {  	[sflag:s8] =	ssyncset.s32 @!p0 $0xFFFFF086;
	s6 =	sadd.s32 @!p0 s3, s7;
	s7 =	simm.s32 @!p0 $0x108  }
0x21: {  	s3 =	sadd.s32 s3, s9;
	s6 =	sadd.s32 @!p0 $0x88, s6;
	s7 =	simm.s32 @p2 $0x1082  }
0x22: {  	[simem:s7], [sflag:s8] =	dma.local @!p0 [hbm:s6], $0xF7A  }
0x23: {  	s9 =	sor.u32 $0xD0000000, s2;
	s6 =	simm.s32 $0x108;
	_ =	swait.ge @!p0 [sflag:s8], $0x0  }
0x24: {  	s3 =	sadd.s32 $0x88, s3;
	s6 =	simm.s32 @!p1 $0x1082;
	[sflag:s4] =	ssyncset.s32 $0xFFFFF086  }
0x25: {  	[simem:s6], [sflag:s4] =	dma.local [hbm:s3], $0xF7A  }
0x26: {  	[smem:$0x3F99] =	sst s1;
	(tag) =	ssettag s2;
	_ =	strace s9  }
0x27: {  	s1 =	sld [smem:$0x3FA9]  }
0x28: {  	s2 =	sld [smem:$0x3FAA]  }
0x29: {  	s4 =	sld [smem:$0x3FAC]  }
0x2a: {  	p0 =	seq.s32 s5, $0x0;
	s5 =	sld [smem:$0x3FAD]  }
0x2b: {  	s6 =	sld [smem:$0x3FAE]  }
0x2c: {  	s7 =	sld [smem:$0x3FAF]  }
0x2d: {  	s3 =	simm.s32 $0x108;
	s8 =	sld [smem:$0x3FB0]  }
0x2e: {  	s3 =	simm.s32 @!p0 $0x1082;
	s9 =	sld [smem:$0x3FB1]  }
0x2f: {  	lr =	sadd.s32 s0, s3;
	s0 =	sld [smem:$0x3FA8]  }
0x30: {  	s3 =	sld [smem:$0x3FAB]  }
0x31: {  	[smem:$0x3FB4] =	sst s10  }
0x32: {  	s10 =	sld [smem:$0x3FB2];
	_ =	sdelay $0x3  }
0x33: {  	p0 =	seq.s32 s10, $0x1;
	s10 =	sld [smem:$0x3FB4];
	_ =	sdelay $0x3  }
0x34: {  	[smem:$0x3FB4] =	sst s10  }
0x35: {  	s10 =	sld [smem:$0x3FB3];
	_ =	sdelay $0x3  }
0x36: {  	p1 =	seq.s32 s10, $0x1;
	s10 =	sld [smem:$0x3FB4];
	_ =	sdelay $0x3  }
0x37: {  	[smem:$0x3FB4] =	sst s10  }
0x38: {  	s10 =	sld [smem:$0x3FB5]  }
0x39: {  	_ = 	snop;
	(pc) =	sbr.ind lr, $3  }
0x3a: {  	_ = 	snop  }
0x3b: {  	_ = 	snop  }
0x3c: {  	p2 =	seq.s32 s10, $0x1;
	s10 =	sld [smem:$0x3FB4]  }
0x3d: {  	_ =	shalt  }
0x3e: {  	_ =	shalt  }
0x3f: {  	_ =	shalt  }
0x40: {  	_ =	shalt  }
0x41: {  	_ =	shalt  }
0x42: {  	_ =	shalt  }
0x43: {  	_ =	shalt  }
0x44: {  	_ =	shalt  }
0x45: {  	_ =	shalt  }
0x46: {  	_ =	shalt  }
0x47: {  	_ =	shalt  }
0x48: {  	_ =	shalt  }
0x49: {  	_ =	shalt  }
0x4a: {  	_ =	shalt  }
0x4b: {  	_ =	shalt  }
0x4c: {  	_ =	shalt  }
0x4d: {  	_ =	shalt  }
0x4e: {  	_ =	shalt  }
0x4f: {  	_ =	shalt  }
0x50: {  	_ =	shalt  }
0x51: {  	_ =	shalt  }
0x52: {  	_ =	shalt  }
0x53: {  	_ =	shalt  }
0x54: {  	_ =	shalt  }
0x55: {  	_ =	shalt  }
0x56: {  	_ =	shalt  }
0x57: {  	_ =	shalt  }
0x58: {  	_ =	shalt  }
0x59: {  	_ =	shalt  }
0x5a: {  	_ =	shalt  }
0x5b: {  	_ =	shalt  }
0x5c: {  	_ =	shalt  }
0x5d: {  	_ =	shalt  }
0x5e: {  	_ =	shalt  }
0x5f: {  	_ =	shalt  }
0x60: {  	_ =	shalt  }
0x61: {  	_ =	shalt  }
0x62: {  	_ =	shalt  }
0x63: {  	_ =	shalt  }
0x64: {  	_ =	shalt  }
0x65: {  	_ =	shalt  }
0x66: {  	_ =	shalt  }
0x67: {  	_ =	shalt  }
0x68: {  	_ =	shalt  }
0x69: {  	_ =	shalt  }
0x6a: {  	_ =	shalt  }
0x6b: {  	_ =	shalt  }
0x6c: {  	_ =	shalt  }
0x6d: {  	_ =	shalt  }
0x6e: {  	_ =	shalt  }
0x6f: {  	_ =	shalt  }
0x70: {  	_ =	shalt  }
0x71: {  	_ =	shalt  }
0x72: {  	_ =	shalt  }
0x73: {  	_ =	shalt  }
0x74: {  	_ =	shalt  }
0x75: {  	_ =	shalt  }
0x76: {  	_ =	shalt  }
0x77: {  	_ =	shalt  }
0x78: {  	_ =	shalt  }
0x79: {  	_ =	shalt  }
0x7a: {  	_ =	shalt  }
0x7b: {  	_ =	shalt  }
0x7c: {  	_ =	shalt  }
0x7d: {  	_ =	shalt  }
0x7e: {  	_ =	shalt  }
0x7f: {  	_ =	shalt  }
0x80: {  	_ =	shalt  }
0x81: {  	_ =	shalt  }
0x82: {  	_ =	shalt  }
0x83: {  	_ =	shalt  }
0x84: {  	_ =	shalt  }
0x85: {  	_ =	shalt  }
0x86: {  	_ =	shalt  }
0x87: {  	_ =	shalt  }
.Lfunc_end0:
.L_simem_size_0:
called_computation.2_lowered:
.L_overlay_start_0:
0x88: {  	s2 =	sld [smem:$0x3FD9]  }
0x89: {  	s3 =	sld [smem:$0x3FFE];
	_ =	sdelay $0x1  }
0x8a: {  	s1 =	srdreg.scid  }
0x8b: {  	s0 =	sand.u32 $0x1, s1  }
0x8c: {  	s17 =	sshll.u32 s0, $0xA;
	s2 =	sadd.s32 s3, s2  }
0x8d: {  	s2 =	sadd.s32 s2, s17  }
0x8e: {  	[smem:$0x3FC0] =	sst s2  }
0x8f: {  	_ = 	snop  }
0x90: {  	s2 =	sld [smem:$0x3FD0];
	(tm) =	ssettm $0x1  }
0x91: {  	s18 =	sld [smem:$0x3FFB];
	_ =	sdelay $0x3  }
0x92: {  	_ =	strace s18  }
0x93: {  	s3 =	sld [smem:$0x3FFC];
	_ =	sdelay $0x3  }
0x94: {  	_ =	strace s3  }
0x95: {  	s3 =	sld [smem:$0x3FFD];
	_ =	sdelay $0x3  }
0x96: {  	_ =	strace s3  }
0x97: {  	_ =	strace $0x8FFFFFFF  }
0x98: {  	s19 =	sld [smem:$0x3FDB];
	_ =	sdelay $0x1  }
0x99: {  	s4 =	simm.s32 $_scs_section_size  }
0x9a: {  	s5 =	simm.s32 $_size__tile_overlayer_lowered;
	s6 =	simm.s32 $_tile_overlayer_lowered  }
0x9b: {  	s22 =	simm.s32 $0x1BFF;
	s21 =	sshll.u32 s6, $0x1;
	s3 =	sadd.s32 s4, s19  }
0x9c: {  	s7 =	simm.s32 $0x0;
	s20 =	sshll.u32 s5, $0x1;
	s5 =	sadd.s32 s21, s3  }
0x9d: {  	[timem:s7], [sflag:s22] =	dma.local [hbm:s5], s20  }
0x9e: {  	_ =	swait.ge [sflag:s22], s20  }
0x9f: {  	s4 =	ssub.s32 $0x0, s20;
	[sflag:s22] =	ssyncset.done $0x0  }
0xa0: {  	[sflag:s22] =	ssyncadd.s32 s4;
	_ =	sdelay $0x1  }
0xa1: {  	s23 =	simm.s32 $0x1B8B  }
0xa2: {  	_ =	swait.ge [sflag:s23], $0x1  }
0xa3: {  	[sflag:s23] =	ssyncset.done $0x0  }
0xa4: {  	s25 =	simm.s32 $0x1B8E;
	s24 =	sld [smem:$0x3FFE];
	[sflag:s23] =	ssyncadd.s32 $0xFFFFFFFF  }
0xa5: {  	s26 =	simm.s32 $execute0_lowered;
	[smem:$0x3FD2] =	sst s25  }
0xa6: {  	s5 =	sshll.u32 s26, $0x1;
	_ =	strace $0x8000004C;
	[dreg:$0x1] =	wrdreg $0xFFFFFFFF  }
0xa7: {  	s28 =	simm.s32 $_size_execute0_lowered;
	s3 =	sadd.s32 s3, s5;
	[dreg:$0x0] =	wrdreg $0x0  }
0xa8: {  	s5 =	sshll.u32 s28, $0x1;
	[dreg:$0x2] =	wrdreg s3  }
0xa9: {  	[dreg:$0x3] =	wrdreg s5  }
0xaa: {  	[dreg:$0x4] =	wrdreg $0xC0  }
0xab: {  	_ =	task [dreg:s7], $0x5FFFF  }
0xac: {  	[dreg:$0x1] =	wrdreg $0xFFFFFFFF  }
0xad: {  	[dreg:$0x0] =	wrdreg $0x60  }
0xae: {  	[dreg:$0x2] =	wrdreg s24  }
0xaf: {  	[dreg:$0x3] =	wrdreg s2  }
0xb0: {  	[dreg:$0x4] =	wrdreg $0xA8000  }
0xb1: {  	[dreg:$0x5] =	wrdreg $0x9  }
0xb2: {  	_ =	task.clear_ibuf [dreg:s7], $0x6FFFF;
	_ =	strace $0x9000004C  }
0xb3: {  	s29 =	simm.s32 $0x9;
	_ =	strace $0x8000004E  }
0xb4: {  	_ =	swait.ge [sflag:s29], $0x1  }
0xb5: {  	[sflag:s29] =	ssyncadd.s32 $0xFFFFFFFF  }
0xb6: {  	_ =	strace $0x9000004E  }
0xb7: {  	_ =	sfence  }
0xb8: {  	s30 =	sld [smem:$0x0];
	_ =	sdelay $0x2  }
0xb9: {  	s31 =	sshll.u32 s1, $0xD;
	s1 =	sshrl.u32 s1, $0x2  }
0xba: {  	s3 =	sand.u32 $0x4000, s31;
	s1 =	sadd.s32 s1, s30  }
0xbb: {  	s0 =	sor.u32 s3, s0;
	s1 =	sshll.u32 s1, $0x11  }
0xbc: {  	s0 =	sor.u32 s1, s0  }
0xbd: {  	s0 =	sadd.s32 $0x8F2B, s0  }
0xbe: {  	[sflag:s0] =	ssyncadd.remote.s32 $0x1  }
0xbf: {  	_ =	sfence.sel $0xFFFF  }
0xc0: {  	[dreg:$0x0] =	wrdreg $0xFFFFFFFF;
	(pc) =	sbr.abs _section_cstart, $3  }
0xc1: {  	[dreg:$0x1] =	wrdreg $0xFFFFFFFF  }
0xc2: {  	_ =	task.clear_ibuf [dreg:s7], $0x2FFFF;
	_ =	strace $0x9FFFFFFF  }
0xc3: {  	(tm) =	ssettm $0x7FFFFFFF  }
tec
execute0_lowered:
.L_overlay_start_1:
0x0: {  	(tag) =	ssettag $0x1  }
0x1: {  	s6 =	rddreg [dreg:$0x0]  }
0x2: {  	s9 =	rddreg [dreg:$0x1]  }
0x3: {  	s2 =	rddreg [dreg:$0x2]  }
0x4: {  	s3 =	simm.s32 $0x0;
	s0 =	stileid.u32;
	s7 =	srdreg.scid  }
0x5: {  	s20 =	simm.s32 $0x2800;
	s21 =	simm.s32 $0x6800;
	s22 =	simm.s32 $0x1  }
0x6: {  	s23 =	simm.s32 $0x2;
	s24 =	simm.s32 $0x1380;
	s28 =	simm.s32 $0x0  }
0x7: {  	[smem:$0x7FF] =	sst s3;
	s11 =	smul.u32 $0x2780, s0;
	s4 =	sadd.s32 $0xCC00, s6  }
0x8: {  	s10 =	sadd.s32 $0x2C00, s6;
	s12 =	sand.u32 $0x1, s7;
	s25 =	sshll.u32 s0, $0x1  }
0x9: {  	s8 =	smul.u32 $0x4F000, s0;
	s13 =	sadd.s32 $0x5B000, s6;
	p0 =	seq.s32 s0, $0xF  }
0xa: {  	_ =	strace $0x8000004D;
	s14 =	ssub.s32 $0x2, s12;
	s19 =	smul.u32 $0x138C00, s12  }
0xb: {  	s7 =	sor.u32 s12, s25;
	s12 =	smul.u32 $0x27180, s12;
	s25 =	simm.s32 $0x2700  }
0xc: {  	s5 =	sadd.s32 s11, s6;
	s15 =	sshrl.u32 s14, $0x1;
	s16 =	smul.u32 $0x500, s7  }
0xd: {  	s8 =	sshrl.u32 s8, $0x2;
	s26 =	smul.u32 $0x2800, s7;
	s6 =	sadd.s32 $0x58E80, s6  }
0xe: {  	s14 =	ssub.s32 s14, s15;
	s17 =	sadd.s32 s8, s2;
	s5 =	sadd.s32 $0x33E00, s5  }
0xf: {  	s15 =	sadd.s32 $0x128400, s2;
	s30 =	sshrl.u32 s19, $0x3;
	s11 =	sadd.s32 s11, s12  }
0x10: {  	s19 =	simm.s32 $0x80;
	s7 =	sadd.s32 s9, s16;
	s18 =	sshrl.u32 s26, $0x3  }
0x11: {  	s8 =	sadd.s32 s10, s16;
	s31 =	sadd.s32 s13, s30;
	s11 =	sadd.s32 s13, s11  }
0x12: {  	s16 =	sshll.u32 @!p0 s0, $0x6;
	s13 =	smax.u32 s14, $0x1;
	s14 =	sshrl.u32 @p0 s15, $0x3  }
0x13: {  	s26 =	simm.s32 $0x2780;
	s29 =	sadd.s32 $0x280, s18;
	s12 =	sadd.s32 $0x25080, s31  }
0x14: {  	s15 =	sor.u32 @!p0 $0x1C03, s16;
	s16 =	sshrl.u32 @!p0 s17, $0x3;
	s17 =	simm.s32 $0x3  }
0x15: {  	s18 =	simm.s32 $0x1400;
	s9 =	sadd.s32 s9, s29;
	s10 =	sadd.s32 s10, s29  }
.LBB2_1:
0x16: {  	s29 =	simm.s32 @p0 $0x1FC3  }
0x17: {  	[spmem:s14], [sflag:s29] =	dma.local @p0 [hbm:s6], $0x2100  }
0x18: {  	s29 =	simm.s32 @p0 $0x3  }
0x19: {  	_ =	swait.ge @p0 [sflag:s29], $0x2100  }
0x1a: {  	[sflag:s29] =	ssyncset.done @p0 $0x0  }
0x1b: {  	[sflag:s29] =	ssyncadd.s32 @p0 $0xFFFFDF00;
	s29 =	simm.s32 @!p0 $0x3  }
0x1c: {  	[spmem:s16], [sflag:s15] =	dma.local @!p0 [hbm:s5], $0x2780  }
0x1d: {  	_ =	swait.ge @!p0 [sflag:s29], $0x2780  }
0x1e: {  	[sflag:s29] =	ssyncset.done @!p0 $0x0  }
0x1f: {  	[sflag:s29] =	ssyncadd.s32 @!p0 $0xFFFFD880  }
0x20: {  	[bflag:$0x0] =	sbarrier.arrive $0xFFFF  }
0x21: {  	[tilespmem:s3], [sflag:$0x3] =	stream.linear.gather [hbm4b:s7+s3], $0x1400, $0x38;
	[tilespmem:$0x1E0C0] =	vst v63  }
0x22: {  	_ =	swait.ge [sflag:s17], $0x1400  }
0x23: {  	[sflag:s17] =	ssyncset.done $0x0  }
0x24: {  	[sflag:s17] =	ssyncadd.s32 $0xFFFFEC00  }
0x25: {  	[tilespmem:s18], [sflag:$0x3] =	stream.linear.gather [hbm4b:s8+s3], $0x1400, $0x38;
	[tilespmem:$0x1E0C0] =	vst v63  }
0x26: {  	_ =	swait.ge [sflag:s17], $0x1400  }
0x27: {  	[sflag:s17] =	ssyncset.done $0x0  }
0x28: {  	[sflag:s17] =	ssyncadd.s32 $0xFFFFEC00  }
0x29: {  	[tilespmem:s20], [sflag:$0x1] =	stream.indirect.gather [hbm4b:s4+s19], $0x80, s3, s19, $0xb8;
	[tilespmem:$0x1E0C0] =	vst v63  }
0x2a: {  	s29 =	simm.s32 $0x80  }
0x2b: {  	[tilespmem:s21], [sflag:$0x2] =	stream.indirect.gather [hbm4b:s4+s19], $0x80, s29, s19, $0xb8;
	[tilespmem:$0x1E0C0] =	vst v63  }
0x2c: {  	_ =	swait.ge [sflag:s22], $0x4000  }
0x2d: {  	[sflag:s22] =	ssyncset.done $0x0  }
0x2e: {  	s29 =	simm.s32 $0x1400;
	[sflag:s22] =	ssyncadd.s32 $0xFFFFC000  }
0x2f: {  	[spmem:s2] =	stream.indirect.scatter.add.f32 [tilespmem:s20], [sflag:$0x3], $0x80, s29, s19, $0xb8;
	[tilespmem:$0x1E0C0] =	vst v63  }
0x30: {  	_ =	swait.ge [sflag:s17], $0x4000  }
0x31: {  	[sflag:s17] =	ssyncset.done $0x0  }
0x32: {  	s29 =	simm.s32 $0x100;
	[sflag:s17] =	ssyncadd.s32 $0xFFFFC000  }
0x33: {  	[tilespmem:s20], [sflag:$0x1] =	stream.indirect.gather [hbm4b:s4+s19], $0x80, s29, s19, $0xb8;
	[tilespmem:$0x1E0C0] =	vst v63  }
0x34: {  	_ =	swait.ge [sflag:s23], $0x4000  }
0x35: {  	[sflag:s23] =	ssyncset.done $0x0  }
0x36: {  	s29 =	simm.s32 $0x1480;
	[sflag:s23] =	ssyncadd.s32 $0xFFFFC000  }
0x37: {  	[spmem:s2] =	stream.indirect.scatter.add.f32 [tilespmem:s21], [sflag:$0x3], $0x80, s29, s19, $0xb8;
	[tilespmem:$0x1E0C0] =	vst v63  }
0x38: {  	_ =	swait.ge [sflag:s17], $0x4000  }
0x39: {  	s30 =	simm.s32 $0x800;
	s29 =	simm.s32 $0x100;
	[sflag:s17] =	ssyncset.done $0x0  }
.LBB2_2:
0x3a: {  	s31 =	sadd.s32 $0x80, s29  }
0x3b: {  	[sflag:s17] =	ssyncadd.s32 $0xFFFFC000;
	s0 =	smov.u32 s30;
	s1 =	sadd.s32 $0x400, s30  }
0x3c: {  	[tilespmem:s21], [sflag:$0x2] =	stream.indirect.gather [hbm4b:s4+s19], $0x80, s31, s19, $0xb8;
	[tilespmem:$0x1E0C0] =	vst v63  }
0x3d: {  	p1 =	sne.s32 s30, $0x4800;
	_ =	swait.ge [sflag:s22], $0x4000  }
0x3e: {  	[sflag:s22] =	ssyncset.done $0x0  }
0x3f: {  	s30 =	sadd.s32 $0x1400, s29;
	[sflag:s22] =	ssyncadd.s32 $0xFFFFC000  }
0x40: {  	[spmem:s2] =	stream.indirect.scatter.add.f32 [tilespmem:s20], [sflag:$0x3], $0x80, s30, s19, $0xb8;
	[tilespmem:$0x1E0C0] =	vst v63  }
0x41: {  	_ =	swait.ge [sflag:s17], $0x4000  }
0x42: {  	[sflag:s17] =	ssyncset.done $0x0  }
0x43: {  	s30 =	sadd.s32 $0x100, s29;
	[sflag:s17] =	ssyncadd.s32 $0xFFFFC000  }
0x44: {  	[tilespmem:s20], [sflag:$0x1] =	stream.indirect.gather [hbm4b:s4+s19], $0x80, s30, s19, $0xb8;
	[tilespmem:$0x1E0C0] =	vst v63  }
0x45: {  	_ =	swait.ge [sflag:s23], $0x4000  }
.Ltmp0:
0x46: {  	[sflag:s23] =	ssyncset.done $0x0;
	(pc) =	sbr.rel @p1 .LBB2_2-.Ltmp0, $4  }
0x47: {  	s29 =	sadd.s32 $0x1480, s29;
	[sflag:s23] =	ssyncadd.s32 $0xFFFFC000  }
0x48: {  	[spmem:s2] =	stream.indirect.scatter.add.f32 [tilespmem:s21], [sflag:$0x3], $0x80, s29, s19, $0xb8;
	[tilespmem:$0x1E0C0] =	vst v63  }
0x49: {  	_ =	swait.ge [sflag:s17], $0x4000  }
0x4a: {  	s30 =	smov.u32 s1;
	s29 =	sshra.s32 s0, $0x2;
	[sflag:s17] =	ssyncset.done $0x0  }
0x4b: {  	s0 =	sadd.s32 $0x80, s29;
	[sflag:s17] =	ssyncadd.s32 $0xFFFFC000  }
0x4c: {  	[tilespmem:s21], [sflag:$0x2] =	stream.indirect.gather [hbm4b:s4+s19], $0x80, s0, s19, $0xb8;
	[tilespmem:$0x1E0C0] =	vst v63  }
0x4d: {  	_ =	swait.ge [sflag:s22], $0x4000  }
0x4e: {  	[sflag:s22] =	ssyncset.done $0x0  }
0x4f: {  	s1 =	sadd.s32 $0x1400, s29;
	[sflag:s22] =	ssyncadd.s32 $0xFFFFC000  }
0x50: {  	[spmem:s2] =	stream.indirect.scatter.add.f32 [tilespmem:s20], [sflag:$0x3], $0x80, s1, s19, $0xb8;
	[tilespmem:$0x1E0C0] =	vst v63  }
0x51: {  	_ =	swait.ge [sflag:s17], $0x4000  }
0x52: {  	[sflag:s17] =	ssyncset.done $0x0  }
0x53: {  	s31 =	sadd.s32 $0x100, s29;
	[sflag:s17] =	ssyncadd.s32 $0xFFFFC000  }
0x54: {  	[tilespmem:s20], [sflag:$0x1] =	stream.indirect.gather [hbm4b:s4+s19], $0x80, s31, s19, $0xb8;
	[tilespmem:$0x1E0C0] =	vst v63  }
0x55: {  	_ =	swait.ge [sflag:s23], $0x4000  }
0x56: {  	[sflag:s23] =	ssyncset.done $0x0  }
0x57: {  	s1 =	sadd.s32 $0x1480, s29;
	[sflag:s23] =	ssyncadd.s32 $0xFFFFC000  }
0x58: {  	[spmem:s2] =	stream.indirect.scatter.add.f32 [tilespmem:s21], [sflag:$0x3], $0x80, s1, s19, $0xb8;
	[tilespmem:$0x1E0C0] =	vst v63  }
0x59: {  	_ =	swait.ge [sflag:s17], $0x4000  }
0x5a: {  	[sflag:s17] =	ssyncset.done $0x0  }
0x5b: {  	[sflag:s17] =	ssyncadd.s32 $0xFFFFC000  }
0x5c: {  	[tilespmem:s21], [sflag:$0x2] =	stream.indirect.gather [hbm4b:s4+s19], $0x80, s24, s19, $0xb8;
	[tilespmem:$0x1E0C0] =	vst v63  }
0x5d: {  	_ =	swait.ge [sflag:s22], $0x4000  }
0x5e: {  	[sflag:s22] =	ssyncset.done $0x0  }
0x5f: {  	[sflag:s22] =	ssyncadd.s32 $0xFFFFC000  }
0x60: {  	[spmem:s2] =	stream.indirect.scatter.add.f32 [tilespmem:s20], [sflag:$0x3], $0x80, s25, s19, $0xb8;
	[tilespmem:$0x1E0C0] =	vst v63  }
0x61: {  	_ =	swait.ge [sflag:s17], $0x4000  }
0x62: {  	[sflag:s17] =	ssyncset.done $0x0  }
0x63: {  	[sflag:s17] =	ssyncadd.s32 $0xFFFFC000  }
0x64: {  	_ =	swait.ge [sflag:s23], $0x4000  }
0x65: {  	[sflag:s23] =	ssyncset.done $0x0  }
0x66: {  	[sflag:s23] =	ssyncadd.s32 $0xFFFFC000  }
0x67: {  	[spmem:s2] =	stream.indirect.scatter.add.f32 [tilespmem:s21], [sflag:$0x3], $0x80, s26, s19, $0xb8;
	[tilespmem:$0x1E0C0] =	vst v63  }
0x68: {  	_ =	swait.ge [sflag:s17], $0x4000  }
0x69: {  	[sflag:s17] =	ssyncset.done $0x0  }
0x6a: {  	s31 =	simm.s32 $0x0;
	[sflag:s17] =	ssyncadd.s32 $0xFFFFC000  }
0x6b: {  	[tilespmem:s31], [sflag:$0x3] =	stream.linear.gather [hbm4b:s9+s31], $0x1400, $0x38;
	[tilespmem:$0x1E0C0] =	vst v63  }
0x6c: {  	_ =	swait.ge [sflag:s17], $0x1400  }
0x6d: {  	[sflag:s17] =	ssyncset.done $0x0  }
0x6e: {  	[sflag:s17] =	ssyncadd.s32 $0xFFFFEC00  }
0x6f: {  	[tilespmem:s18], [sflag:$0x3] =	stream.linear.gather [hbm4b:s10+s31], $0x1400, $0x38;
	[tilespmem:$0x1E0C0] =	vst v63  }
0x70: {  	_ =	swait.ge [sflag:s17], $0x1400  }
0x71: {  	[sflag:s17] =	ssyncset.done $0x0  }
0x72: {  	[sflag:s17] =	ssyncadd.s32 $0xFFFFEC00  }
0x73: {  	[tilespmem:s20], [sflag:$0x1] =	stream.indirect.gather [hbm4b:s4+s19], $0x80, s31, s19, $0xb8;
	[tilespmem:$0x1E0C0] =	vst v63  }
0x74: {  	s1 =	simm.s32 $0x80  }
0x75: {  	[tilespmem:s21], [sflag:$0x2] =	stream.indirect.gather [hbm4b:s4+s19], $0x80, s1, s19, $0xb8;
	[tilespmem:$0x1E0C0] =	vst v63  }
0x76: {  	_ =	swait.ge [sflag:s22], $0x4000  }
0x77: {  	[sflag:s22] =	ssyncset.done $0x0  }
0x78: {  	s31 =	simm.s32 $0x1400;
	[sflag:s22] =	ssyncadd.s32 $0xFFFFC000  }
0x79: {  	[spmem:s2] =	stream.indirect.scatter.add.f32 [tilespmem:s20], [sflag:$0x3], $0x80, s31, s19, $0xb8;
	[tilespmem:$0x1E0C0] =	vst v63  }
0x7a: {  	_ =	swait.ge [sflag:s17], $0x4000  }
0x7b: {  	[sflag:s17] =	ssyncset.done $0x0  }
0x7c: {  	s1 =	simm.s32 $0x100;
	[sflag:s17] =	ssyncadd.s32 $0xFFFFC000  }
0x7d: {  	[tilespmem:s20], [sflag:$0x1] =	stream.indirect.gather [hbm4b:s4+s19], $0x80, s1, s19, $0xb8;
	[tilespmem:$0x1E0C0] =	vst v63  }
0x7e: {  	_ =	swait.ge [sflag:s23], $0x4000  }
0x7f: {  	[sflag:s23] =	ssyncset.done $0x0  }
0x80: {  	s31 =	simm.s32 $0x1480;
	[sflag:s23] =	ssyncadd.s32 $0xFFFFC000  }
0x81: {  	[spmem:s2] =	stream.indirect.scatter.add.f32 [tilespmem:s21], [sflag:$0x3], $0x80, s31, s19, $0xb8;
	[tilespmem:$0x1E0C0] =	vst v63  }
0x82: {  	_ =	swait.ge [sflag:s17], $0x4000  }
0x83: {  	s30 =	simm.s32 $0x800;
	s29 =	simm.s32 $0x100;
	[sflag:s17] =	ssyncset.done $0x0  }
.LBB2_4:
0x84: {  	s0 =	sadd.s32 $0x80, s29  }
0x85: {  	[sflag:s17] =	ssyncadd.s32 $0xFFFFC000;
	s1 =	smov.u32 s30;
	s31 =	sadd.s32 $0x400, s30  }
0x86: {  	[tilespmem:s21], [sflag:$0x2] =	stream.indirect.gather [hbm4b:s4+s19], $0x80, s0, s19, $0xb8;
	[tilespmem:$0x1E0C0] =	vst v63  }
0x87: {  	p1 =	sne.s32 s30, $0x4800;
	_ =	swait.ge [sflag:s22], $0x4000  }
0x88: {  	[sflag:s22] =	ssyncset.done $0x0  }
0x89: {  	s0 =	sadd.s32 $0x1400, s29;
	[sflag:s22] =	ssyncadd.s32 $0xFFFFC000  }
0x8a: {  	[spmem:s2] =	stream.indirect.scatter.add.f32 [tilespmem:s20], [sflag:$0x3], $0x80, s0, s19, $0xb8;
	[tilespmem:$0x1E0C0] =	vst v63  }
0x8b: {  	_ =	swait.ge [sflag:s17], $0x4000  }
0x8c: {  	[sflag:s17] =	ssyncset.done $0x0  }
0x8d: {  	s0 =	sadd.s32 $0x100, s29;
	[sflag:s17] =	ssyncadd.s32 $0xFFFFC000  }
0x8e: {  	[tilespmem:s20], [sflag:$0x1] =	stream.indirect.gather [hbm4b:s4+s19], $0x80, s0, s19, $0xb8;
	[tilespmem:$0x1E0C0] =	vst v63  }
0x8f: {  	_ =	swait.ge [sflag:s23], $0x4000  }
.Ltmp1:
0x90: {  	[sflag:s23] =	ssyncset.done $0x0;
	(pc) =	sbr.rel @p1 .LBB2_4-.Ltmp1, $4  }
0x91: {  	s0 =	sadd.s32 $0x1480, s29;
	[sflag:s23] =	ssyncadd.s32 $0xFFFFC000  }
0x92: {  	[spmem:s2] =	stream.indirect.scatter.add.f32 [tilespmem:s21], [sflag:$0x3], $0x80, s0, s19, $0xb8;
	[tilespmem:$0x1E0C0] =	vst v63  }
0x93: {  	_ =	swait.ge [sflag:s17], $0x4000  }
0x94: {  	s30 =	smov.u32 s31;
	s29 =	sshra.s32 s1, $0x2;
	[sflag:s17] =	ssyncset.done $0x0  }
0x95: {  	s0 =	sadd.s32 $0x80, s29;
	[sflag:s17] =	ssyncadd.s32 $0xFFFFC000  }
0x96: {  	[tilespmem:s21], [sflag:$0x2] =	stream.indirect.gather [hbm4b:s4+s19], $0x80, s0, s19, $0xb8;
	[tilespmem:$0x1E0C0] =	vst v63  }
0x97: {  	_ =	swait.ge [sflag:s22], $0x4000  }
0x98: {  	[sflag:s22] =	ssyncset.done $0x0  }
0x99: {  	s1 =	sadd.s32 $0x1400, s29;
	[sflag:s22] =	ssyncadd.s32 $0xFFFFC000  }
0x9a: {  	[spmem:s2] =	stream.indirect.scatter.add.f32 [tilespmem:s20], [sflag:$0x3], $0x80, s1, s19, $0xb8;
	[tilespmem:$0x1E0C0] =	vst v63  }
0x9b: {  	_ =	swait.ge [sflag:s17], $0x4000  }
0x9c: {  	[sflag:s17] =	ssyncset.done $0x0  }
0x9d: {  	s30 =	sadd.s32 $0x100, s29;
	[sflag:s17] =	ssyncadd.s32 $0xFFFFC000  }
0x9e: {  	[tilespmem:s20], [sflag:$0x1] =	stream.indirect.gather [hbm4b:s4+s19], $0x80, s30, s19, $0xb8;
	[tilespmem:$0x1E0C0] =	vst v63  }
0x9f: {  	_ =	swait.ge [sflag:s23], $0x4000  }
0xa0: {  	[sflag:s23] =	ssyncset.done $0x0  }
0xa1: {  	s31 =	sadd.s32 $0x1480, s29;
	[sflag:s23] =	ssyncadd.s32 $0xFFFFC000  }
0xa2: {  	[spmem:s2] =	stream.indirect.scatter.add.f32 [tilespmem:s21], [sflag:$0x3], $0x80, s31, s19, $0xb8;
	[tilespmem:$0x1E0C0] =	vst v63  }
0xa3: {  	_ =	swait.ge [sflag:s17], $0x4000  }
0xa4: {  	[sflag:s17] =	ssyncset.done $0x0  }
0xa5: {  	[sflag:s17] =	ssyncadd.s32 $0xFFFFC000  }
0xa6: {  	[tilespmem:s21], [sflag:$0x2] =	stream.indirect.gather [hbm4b:s4+s19], $0x80, s24, s19, $0xb8;
	[tilespmem:$0x1E0C0] =	vst v63  }
0xa7: {  	_ =	swait.ge [sflag:s22], $0x4000  }
0xa8: {  	[sflag:s22] =	ssyncset.done $0x0  }
0xa9: {  	[sflag:s22] =	ssyncadd.s32 $0xFFFFC000  }
0xaa: {  	[spmem:s2] =	stream.indirect.scatter.add.f32 [tilespmem:s20], [sflag:$0x3], $0x80, s25, s19, $0xb8;
	[tilespmem:$0x1E0C0] =	vst v63  }
0xab: {  	_ =	swait.ge [sflag:s17], $0x4000  }
0xac: {  	[sflag:s17] =	ssyncset.done $0x0  }
0xad: {  	[sflag:s17] =	ssyncadd.s32 $0xFFFFC000  }
0xae: {  	_ =	swait.ge [sflag:s23], $0x4000  }
0xaf: {  	[sflag:s23] =	ssyncset.done $0x0  }
0xb0: {  	[sflag:s23] =	ssyncadd.s32 $0xFFFFC000  }
0xb1: {  	[spmem:s2] =	stream.indirect.scatter.add.f32 [tilespmem:s21], [sflag:$0x3], $0x80, s26, s19, $0xb8;
	[tilespmem:$0x1E0C0] =	vst v63  }
0xb2: {  	_ =	swait.ge [sflag:s17], $0x4000  }
0xb3: {  	[sflag:s17] =	ssyncset.done $0x0  }
0xb4: {  	[sflag:s17] =	ssyncadd.s32 $0xFFFFC000  }
0xb5: {  	s0 =	simm.s32 @p0 $0x1FC3;
	[bflag:$0x0] =	sbarrier.arrive $0xFFFF  }
0xb6: {  	[hbm:s12], [sflag:s0] =	dma.local @p0 [spmem:s14], $0x2100  }
0xb7: {  	s0 =	simm.s32 @p0 $0x3  }
0xb8: {  	s28 =	sadd.s32 $0x1, s28;
	_ =	swait.ge @p0 [sflag:s0], $0x2100  }
0xb9: {  	p1 =	sne.s32 s28, s13;
	[sflag:s0] =	ssyncset.done @p0 $0x0  }
.Ltmp2:
0xba: {  	[sflag:s0] =	ssyncadd.s32 @p0 $0xFFFFDF00;
	s0 =	simm.s32 @!p0 $0x3;
	(pc) =	sbr.rel @p1 .LBB2_1-.Ltmp2, $4  }
0xbb: {  	[hbm:s11], [sflag:s15] =	dma.local @!p0 [spmem:s16], $0x2780  }
0xbc: {  	_ =	swait.ge @!p0 [sflag:s0], $0x2780  }
0xbd: {  	[sflag:s0] =	ssyncset.done @!p0 $0x0  }
0xbe: {  	[sflag:s0] =	ssyncadd.s32 @!p0 $0xFFFFD880  }
0xbf: {  	_ =	sfence.sel $0x180000  }
0xc0: {  	[bflag:$0x0] =	sbarrier.arrive $0xFFFF  }
0xc1: {  	_ =	strace $0x9000004D  }
0xc2: {  	s0 =	stileid.u32;
	[bflag:$0x2] =	sbarrier.arrive $0xFFFF  }
0xc3: {  	p0 =	sne.s32 s0, $0x0;
	s0 =	rddreg [dreg:$0x3]  }
0xc4: {  	s0 =	sadd.s32 @!p0 $0x100000, s0  }
0xc5: {  	[sflag:s0] =	ssyncadd.tile.s32 @!p0 $0x1;
	_ =	shalt  }
.Lfunc_end2:
_tile_overlayer_lowered:
.L_overlay_start_2:
0xc6: {  	(tag) =	ssettag $0x2  }
0xc7: {  	s0 =	rddreg [dreg:$0x0];
	s2 =	stileid.u32  }
0xc8: {  	s1 =	rddreg [dreg:$0x1];
	p0 =	sne.s32 s2, $0x0  }
0xc9: {  	s3 =	rddreg [dreg:$0x2];
	[bflag:$0x3] =	sbarrier.arrive $0xFFFF;
	s2 =	simm.s32 @!p0 $0x1C03  }
0xca: {  	[timem:s3], [sflag:s2] =	dma.local @!p0 [hbm:s0], s1  }
0xcb: {  	s0 =	simm.s32 @!p0 $0x3  }
0xcc: {  	_ =	swait.ge @!p0 [sflag:s0], s1  }
0xcd: {  	s1 =	ssub.s32 @!p0 $0x0, s1;
	[sflag:s0] =	ssyncset.done @!p0 $0x0  }
0xce: {  	[sflag:s0] =	ssyncadd.s32 @!p0 s1  }
0xcf: {  	[bflag:$0x3] =	sbarrier.arrive $0xFFFF  }
0xd0: {  	_ =	shalt  }

// kernel: kernel.19.cloned.1.call-start
scs
__scs_entry_jumppad:
0x0: {  	(pc) =	sbr.rel $0x88, $3  }
0x1: {  	(tag) =	ssettag $0x0;
	lr =	simm.s32 $0x1  }
0x2: {  	[smem:$0x3F99] =	sst lr;
	_ =	strace $0xD0000000  }
0x3: {  	_ = 	snop  }
0x4: {  	_ = 	snop  }
0x5: {  	_ = 	snop  }
0x6: {  	_ = 	snop  }
0x7: {  	_ = 	snop  }
__scs_overlays_trampoline_lowered:
0x8: {  	[smem:$0x3FA8] =	sst s0  }
0x9: {  	[smem:$0x3FA9] =	sst s1  }
0xa: {  	[smem:$0x3FAA] =	sst s2  }
0xb: {  	[smem:$0x3FAB] =	sst s3  }
0xc: {  	[smem:$0x3FAC] =	sst s4  }
0xd: {  	[smem:$0x3FAD] =	sst s5  }
0xe: {  	[smem:$0x3FAE] =	sst s6  }
0xf: {  	[smem:$0x3FAF] =	sst s7  }
0x10: {  	[smem:$0x3FB0] =	sst s8  }
0x11: {  	[smem:$0x3FB1] =	sst s9;
	s0 =	simm.s32 @!p0 $0x0  }
0x12: {  	s1 =	sld [smem:$0x3F97];
	s0 =	simm.s32 @p0 $0x1  }
0x13: {  	[smem:$0x3FB2] =	sst s0;
	s0 =	simm.s32 @!p1 $0x0  }
0x14: {  	s2 =	sld [smem:$0x3F96];
	s0 =	simm.s32 @p1 $0x1  }
0x15: {  	[smem:$0x3FB3] =	sst s0;
	s0 =	simm.s32 @!p2 $0x0  }
0x16: {  	s3 =	sld [smem:$0x3FDB];
	s0 =	simm.s32 @p2 $0x1  }
0x17: {  	s4 =	simm.s32 $0x1BF5;
	[smem:$0x3FB5] =	sst s0  }
0x18: {  	s0 =	sld [smem:$0x3F98];
	_ =	swait.ge [sflag:s4], $0x0  }
0x19: {  	s7 =	sld [smem:$0x3F99]  }
0x1a: {  	s8 =	sadd.s32 $0xFFFFE003, lr  }
0x1b: {  	s9 =	sadd.s32 $0xFFFFFEF7, lr;
	s5 =	simm.s32 $0xFFFFFFFF;
	p2 =	slt.u32 s8, $0xFFFFF086  }
0x1c: {  	p1 =	slt.u32 s9, $0xF7A;
	s5 =	simm.s32 @!p2 $0x0  }
0x1d: {  	s5 =	simm.s32 @p1 $0x1;
	p0 =	seq.s32 s7, s2  }
0x1e: {  	s7 =	smul.u32 @!p0 $0xF7A, s2;
	p2 =	seq.s32 @!p0 s5, $0x0  }
0x1f: {  	s9 =	smul.u32 $0xF7A, s1;
	s8 =	simm.s32 @!p0 $0x1BF5;
	p2 =	por !p2, p0  }
0x20: {  	[sflag:s8] =	ssyncset.s32 @!p0 $0xFFFFF086;
	s6 =	sadd.s32 @!p0 s3, s7;
	s7 =	simm.s32 @!p0 $0x108  }
0x21: {  	s3 =	sadd.s32 s3, s9;
	s6 =	sadd.s32 @!p0 $0x88, s6;
	s7 =	simm.s32 @p2 $0x1082  }
0x22: {  	[simem:s7], [sflag:s8] =	dma.local @!p0 [hbm:s6], $0xF7A  }
0x23: {  	s9 =	sor.u32 $0xD0000000, s2;
	s6 =	simm.s32 $0x108;
	_ =	swait.ge @!p0 [sflag:s8], $0x0  }
0x24: {  	s3 =	sadd.s32 $0x88, s3;
	s6 =	simm.s32 @!p1 $0x1082;
	[sflag:s4] =	ssyncset.s32 $0xFFFFF086  }
0x25: {  	[simem:s6], [sflag:s4] =	dma.local [hbm:s3], $0xF7A  }
0x26: {  	[smem:$0x3F99] =	sst s1;
	(tag) =	ssettag s2;
	_ =	strace s9  }
0x27: {  	s1 =	sld [smem:$0x3FA9]  }
0x28: {  	s2 =	sld [smem:$0x3FAA]  }
0x29: {  	s4 =	sld [smem:$0x3FAC]  }
0x2a: {  	p0 =	seq.s32 s5, $0x0;
	s5 =	sld [smem:$0x3FAD]  }
0x2b: {  	s6 =	sld [smem:$0x3FAE]  }
0x2c: {  	s7 =	sld [smem:$0x3FAF]  }
0x2d: {  	s3 =	simm.s32 $0x108;
	s8 =	sld [smem:$0x3FB0]  }
0x2e: {  	s3 =	simm.s32 @!p0 $0x1082;
	s9 =	sld [smem:$0x3FB1]  }
0x2f: {  	lr =	sadd.s32 s0, s3;
	s0 =	sld [smem:$0x3FA8]  }
0x30: {  	s3 =	sld [smem:$0x3FAB]  }
0x31: {  	[smem:$0x3FB4] =	sst s10  }
0x32: {  	s10 =	sld [smem:$0x3FB2];
	_ =	sdelay $0x3  }
0x33: {  	p0 =	seq.s32 s10, $0x1;
	s10 =	sld [smem:$0x3FB4];
	_ =	sdelay $0x3  }
0x34: {  	[smem:$0x3FB4] =	sst s10  }
0x35: {  	s10 =	sld [smem:$0x3FB3];
	_ =	sdelay $0x3  }
0x36: {  	p1 =	seq.s32 s10, $0x1;
	s10 =	sld [smem:$0x3FB4];
	_ =	sdelay $0x3  }
0x37: {  	[smem:$0x3FB4] =	sst s10  }
0x38: {  	s10 =	sld [smem:$0x3FB5]  }
0x39: {  	_ = 	snop;
	(pc) =	sbr.ind lr, $3  }
0x3a: {  	_ = 	snop  }
0x3b: {  	_ = 	snop  }
0x3c: {  	p2 =	seq.s32 s10, $0x1;
	s10 =	sld [smem:$0x3FB4]  }
0x3d: {  	_ =	shalt  }
0x3e: {  	_ =	shalt  }
0x3f: {  	_ =	shalt  }
0x40: {  	_ =	shalt  }
0x41: {  	_ =	shalt  }
0x42: {  	_ =	shalt  }
0x43: {  	_ =	shalt  }
0x44: {  	_ =	shalt  }
0x45: {  	_ =	shalt  }
0x46: {  	_ =	shalt  }
0x47: {  	_ =	shalt  }
0x48: {  	_ =	shalt  }
0x49: {  	_ =	shalt  }
0x4a: {  	_ =	shalt  }
0x4b: {  	_ =	shalt  }
0x4c: {  	_ =	shalt  }
0x4d: {  	_ =	shalt  }
0x4e: {  	_ =	shalt  }
0x4f: {  	_ =	shalt  }
0x50: {  	_ =	shalt  }
0x51: {  	_ =	shalt  }
0x52: {  	_ =	shalt  }
0x53: {  	_ =	shalt  }
0x54: {  	_ =	shalt  }
0x55: {  	_ =	shalt  }
0x56: {  	_ =	shalt  }
0x57: {  	_ =	shalt  }
0x58: {  	_ =	shalt  }
0x59: {  	_ =	shalt  }
0x5a: {  	_ =	shalt  }
0x5b: {  	_ =	shalt  }
0x5c: {  	_ =	shalt  }
0x5d: {  	_ =	shalt  }
0x5e: {  	_ =	shalt  }
0x5f: {  	_ =	shalt  }
0x60: {  	_ =	shalt  }
0x61: {  	_ =	shalt  }
0x62: {  	_ =	shalt  }
0x63: {  	_ =	shalt  }
0x64: {  	_ =	shalt  }
0x65: {  	_ =	shalt  }
0x66: {  	_ =	shalt  }
0x67: {  	_ =	shalt  }
0x68: {  	_ =	shalt  }
0x69: {  	_ =	shalt  }
0x6a: {  	_ =	shalt  }
0x6b: {  	_ =	shalt  }
0x6c: {  	_ =	shalt  }
0x6d: {  	_ =	shalt  }
0x6e: {  	_ =	shalt  }
0x6f: {  	_ =	shalt  }
0x70: {  	_ =	shalt  }
0x71: {  	_ =	shalt  }
0x72: {  	_ =	shalt  }
0x73: {  	_ =	shalt  }
0x74: {  	_ =	shalt  }
0x75: {  	_ =	shalt  }
0x76: {  	_ =	shalt  }
0x77: {  	_ =	shalt  }
0x78: {  	_ =	shalt  }
0x79: {  	_ =	shalt  }
0x7a: {  	_ =	shalt  }
0x7b: {  	_ =	shalt  }
0x7c: {  	_ =	shalt  }
0x7d: {  	_ =	shalt  }
0x7e: {  	_ =	shalt  }
0x7f: {  	_ =	shalt  }
0x80: {  	_ =	shalt  }
0x81: {  	_ =	shalt  }
0x82: {  	_ =	shalt  }
0x83: {  	_ =	shalt  }
0x84: {  	_ =	shalt  }
0x85: {  	_ =	shalt  }
0x86: {  	_ =	shalt  }
0x87: {  	_ =	shalt  }
.Lfunc_end0:
.L_simem_size_0:
called_computation.3_lowered:
.L_overlay_start_0:
0x88: {  	s2 =	sld [smem:$0x3FD9]  }
0x89: {  	s3 =	sld [smem:$0x3FFE];
	_ =	sdelay $0x1  }
0x8a: {  	s1 =	srdreg.scid  }
0x8b: {  	s0 =	sand.u32 $0x1, s1  }
0x8c: {  	s17 =	sshll.u32 s0, $0xA;
	s2 =	sadd.s32 s3, s2  }
0x8d: {  	s2 =	sadd.s32 s2, s17  }
0x8e: {  	[smem:$0x3FC0] =	sst s2  }
0x8f: {  	_ = 	snop  }
0x90: {  	s2 =	sld [smem:$0x3FD0];
	(tm) =	ssettm $0x1  }
0x91: {  	s18 =	sld [smem:$0x3FFB];
	_ =	sdelay $0x3  }
0x92: {  	_ =	strace s18  }
0x93: {  	s3 =	sld [smem:$0x3FFC];
	_ =	sdelay $0x3  }
0x94: {  	_ =	strace s3  }
0x95: {  	s3 =	sld [smem:$0x3FFD];
	_ =	sdelay $0x3  }
0x96: {  	_ =	strace s3  }
0x97: {  	_ =	strace $0x8FFFFFFF  }
0x98: {  	s19 =	sld [smem:$0x3FDB];
	_ =	sdelay $0x1  }
0x99: {  	s4 =	simm.s32 $_scs_section_size  }
0x9a: {  	s5 =	simm.s32 $_size__tile_overlayer_lowered;
	s6 =	simm.s32 $_tile_overlayer_lowered  }
0x9b: {  	s22 =	simm.s32 $0x1BFF;
	s21 =	sshll.u32 s6, $0x1;
	s3 =	sadd.s32 s4, s19  }
0x9c: {  	s7 =	simm.s32 $0x0;
	s20 =	sshll.u32 s5, $0x1;
	s5 =	sadd.s32 s21, s3  }
0x9d: {  	[timem:s7], [sflag:s22] =	dma.local [hbm:s5], s20  }
0x9e: {  	_ =	swait.ge [sflag:s22], s20  }
0x9f: {  	s4 =	ssub.s32 $0x0, s20;
	[sflag:s22] =	ssyncset.done $0x0  }
0xa0: {  	[sflag:s22] =	ssyncadd.s32 s4;
	_ =	sdelay $0x1  }
0xa1: {  	s23 =	simm.s32 $0x1B8B  }
0xa2: {  	_ =	swait.ge [sflag:s23], $0x1  }
0xa3: {  	[sflag:s23] =	ssyncset.done $0x0  }
0xa4: {  	s25 =	simm.s32 $0x1B8E;
	s24 =	sld [smem:$0x3FFE];
	[sflag:s23] =	ssyncadd.s32 $0xFFFFFFFF  }
0xa5: {  	s26 =	simm.s32 $execute0_lowered;
	[smem:$0x3FD2] =	sst s25  }
0xa6: {  	s5 =	sshll.u32 s26, $0x1;
	_ =	strace $0x8000004F;
	[dreg:$0x1] =	wrdreg $0xFFFFFFFF  }
0xa7: {  	s28 =	simm.s32 $_size_execute0_lowered;
	s3 =	sadd.s32 s3, s5;
	[dreg:$0x0] =	wrdreg $0x0  }
0xa8: {  	s5 =	sshll.u32 s28, $0x1;
	[dreg:$0x2] =	wrdreg s3  }
0xa9: {  	[dreg:$0x3] =	wrdreg s5  }
0xaa: {  	[dreg:$0x4] =	wrdreg $0xC0  }
0xab: {  	_ =	task [dreg:s7], $0x5FFFF  }
0xac: {  	[dreg:$0x1] =	wrdreg $0xFFFFFFFF  }
0xad: {  	[dreg:$0x0] =	wrdreg $0x60  }
0xae: {  	[dreg:$0x2] =	wrdreg s24  }
0xaf: {  	[dreg:$0x3] =	wrdreg s2  }
0xb0: {  	[dreg:$0x4] =	wrdreg $0xA8000  }
0xb1: {  	[dreg:$0x5] =	wrdreg $0x9  }
0xb2: {  	_ =	task.clear_ibuf [dreg:s7], $0x6FFFF;
	_ =	strace $0x9000004F  }
0xb3: {  	s29 =	simm.s32 $0x9;
	_ =	strace $0x80000051  }
0xb4: {  	_ =	swait.ge [sflag:s29], $0x1  }
0xb5: {  	[sflag:s29] =	ssyncadd.s32 $0xFFFFFFFF  }
0xb6: {  	_ =	strace $0x90000051  }
0xb7: {  	_ =	sfence  }
0xb8: {  	s30 =	sld [smem:$0x0];
	_ =	sdelay $0x2  }
0xb9: {  	s31 =	sshll.u32 s1, $0xD;
	s1 =	sshrl.u32 s1, $0x2  }
0xba: {  	s3 =	sand.u32 $0x4000, s31;
	s1 =	sadd.s32 s1, s30  }
0xbb: {  	s0 =	sor.u32 s3, s0;
	s1 =	sshll.u32 s1, $0x11  }
0xbc: {  	s0 =	sor.u32 s1, s0  }
0xbd: {  	s0 =	sadd.s32 $0x8F2B, s0  }
0xbe: {  	[sflag:s0] =	ssyncadd.remote.s32 $0x1  }
0xbf: {  	_ =	sfence.sel $0xFFFF  }
0xc0: {  	[dreg:$0x0] =	wrdreg $0xFFFFFFFF;
	(pc) =	sbr.abs _section_cstart, $3  }
0xc1: {  	[dreg:$0x1] =	wrdreg $0xFFFFFFFF  }
0xc2: {  	_ =	task.clear_ibuf [dreg:s7], $0x2FFFF;
	_ =	strace $0x9FFFFFFF  }
0xc3: {  	(tm) =	ssettm $0x7FFFFFFF  }
tec
execute0_lowered:
.L_overlay_start_1:
0x0: {  	(tag) =	ssettag $0x1  }
0x1: {  	s6 =	rddreg [dreg:$0x0]  }
0x2: {  	s9 =	rddreg [dreg:$0x1]  }
0x3: {  	s2 =	rddreg [dreg:$0x2]  }
0x4: {  	s3 =	simm.s32 $0x0;
	s0 =	stileid.u32;
	s7 =	srdreg.scid  }
0x5: {  	s20 =	simm.s32 $0x2800;
	s21 =	simm.s32 $0x6800;
	s22 =	simm.s32 $0x1  }
0x6: {  	s23 =	simm.s32 $0x2;
	s24 =	simm.s32 $0x1380;
	s28 =	simm.s32 $0x0  }
0x7: {  	[smem:$0x7FF] =	sst s3;
	s11 =	smul.u32 $0x2780, s0;
	s4 =	sadd.s32 $0xCC00, s6  }
0x8: {  	s10 =	sadd.s32 $0x2C00, s6;
	s12 =	sand.u32 $0x1, s7;
	s25 =	sshll.u32 s0, $0x1  }
0x9: {  	s8 =	smul.u32 $0x4F000, s0;
	s13 =	sadd.s32 $0x5B000, s6;
	p0 =	seq.s32 s0, $0xF  }
0xa: {  	_ =	strace $0x80000050;
	s14 =	ssub.s32 $0x2, s12;
	s19 =	smul.u32 $0x138C00, s12  }
0xb: {  	s7 =	sor.u32 s12, s25;
	s12 =	smul.u32 $0x27180, s12;
	s25 =	simm.s32 $0x2700  }
0xc: {  	s5 =	sadd.s32 s11, s6;
	s15 =	sshrl.u32 s14, $0x1;
	s16 =	smul.u32 $0x500, s7  }
0xd: {  	s8 =	sshrl.u32 s8, $0x2;
	s26 =	smul.u32 $0x2800, s7;
	s6 =	sadd.s32 $0x58E80, s6  }
0xe: {  	s14 =	ssub.s32 s14, s15;
	s17 =	sadd.s32 s8, s2;
	s5 =	sadd.s32 $0x33E00, s5  }
0xf: {  	s15 =	sadd.s32 $0x128400, s2;
	s30 =	sshrl.u32 s19, $0x3;
	s11 =	sadd.s32 s11, s12  }
0x10: {  	s19 =	simm.s32 $0x80;
	s7 =	sadd.s32 s9, s16;
	s18 =	sshrl.u32 s26, $0x3  }
0x11: {  	s8 =	sadd.s32 s10, s16;
	s31 =	sadd.s32 s13, s30;
	s11 =	sadd.s32 s13, s11  }
0x12: {  	s16 =	sshll.u32 @!p0 s0, $0x6;
	s13 =	smax.u32 s14, $0x1;
	s14 =	sshrl.u32 @p0 s15, $0x3  }
0x13: {  	s26 =	simm.s32 $0x2780;
	s29 =	sadd.s32 $0x280, s18;
	s12 =	sadd.s32 $0x25080, s31  }
0x14: {  	s15 =	sor.u32 @!p0 $0x1C03, s16;
	s16 =	sshrl.u32 @!p0 s17, $0x3;
	s17 =	simm.s32 $0x3  }
0x15: {  	s18 =	simm.s32 $0x1400;
	s9 =	sadd.s32 s9, s29;
	s10 =	sadd.s32 s10, s29  }
.LBB2_1:
0x16: {  	s29 =	simm.s32 @p0 $0x1FC3  }
0x17: {  	[spmem:s14], [sflag:s29] =	dma.local @p0 [hbm:s6], $0x2100  }
0x18: {  	s29 =	simm.s32 @p0 $0x3  }
0x19: {  	_ =	swait.ge @p0 [sflag:s29], $0x2100  }
0x1a: {  	[sflag:s29] =	ssyncset.done @p0 $0x0  }
0x1b: {  	[sflag:s29] =	ssyncadd.s32 @p0 $0xFFFFDF00;
	s29 =	simm.s32 @!p0 $0x3  }
0x1c: {  	[spmem:s16], [sflag:s15] =	dma.local @!p0 [hbm:s5], $0x2780  }
0x1d: {  	_ =	swait.ge @!p0 [sflag:s29], $0x2780  }
0x1e: {  	[sflag:s29] =	ssyncset.done @!p0 $0x0  }
0x1f: {  	[sflag:s29] =	ssyncadd.s32 @!p0 $0xFFFFD880  }
0x20: {  	[bflag:$0x0] =	sbarrier.arrive $0xFFFF  }
0x21: {  	[tilespmem:s3], [sflag:$0x3] =	stream.linear.gather [hbm4b:s7+s3], $0x1400, $0x38;
	[tilespmem:$0x1E0C0] =	vst v63  }
0x22: {  	_ =	swait.ge [sflag:s17], $0x1400  }
0x23: {  	[sflag:s17] =	ssyncset.done $0x0  }
0x24: {  	[sflag:s17] =	ssyncadd.s32 $0xFFFFEC00  }
0x25: {  	[tilespmem:s18], [sflag:$0x3] =	stream.linear.gather [hbm4b:s8+s3], $0x1400, $0x38;
	[tilespmem:$0x1E0C0] =	vst v63  }
0x26: {  	_ =	swait.ge [sflag:s17], $0x1400  }
0x27: {  	[sflag:s17] =	ssyncset.done $0x0  }
0x28: {  	[sflag:s17] =	ssyncadd.s32 $0xFFFFEC00  }
0x29: {  	[tilespmem:s20], [sflag:$0x1] =	stream.indirect.gather [hbm4b:s4+s19], $0x80, s3, s19, $0xb8;
	[tilespmem:$0x1E0C0] =	vst v63  }
0x2a: {  	s29 =	simm.s32 $0x80  }
0x2b: {  	[tilespmem:s21], [sflag:$0x2] =	stream.indirect.gather [hbm4b:s4+s19], $0x80, s29, s19, $0xb8;
	[tilespmem:$0x1E0C0] =	vst v63  }
0x2c: {  	_ =	swait.ge [sflag:s22], $0x4000  }
0x2d: {  	[sflag:s22] =	ssyncset.done $0x0  }
0x2e: {  	s29 =	simm.s32 $0x1400;
	[sflag:s22] =	ssyncadd.s32 $0xFFFFC000  }
0x2f: {  	[spmem:s2] =	stream.indirect.scatter.add.f32 [tilespmem:s20], [sflag:$0x3], $0x80, s29, s19, $0xb8;
	[tilespmem:$0x1E0C0] =	vst v63  }
0x30: {  	_ =	swait.ge [sflag:s17], $0x4000  }
0x31: {  	[sflag:s17] =	ssyncset.done $0x0  }
0x32: {  	s29 =	simm.s32 $0x100;
	[sflag:s17] =	ssyncadd.s32 $0xFFFFC000  }
0x33: {  	[tilespmem:s20], [sflag:$0x1] =	stream.indirect.gather [hbm4b:s4+s19], $0x80, s29, s19, $0xb8;
	[tilespmem:$0x1E0C0] =	vst v63  }
0x34: {  	_ =	swait.ge [sflag:s23], $0x4000  }
0x35: {  	[sflag:s23] =	ssyncset.done $0x0  }
0x36: {  	s29 =	simm.s32 $0x1480;
	[sflag:s23] =	ssyncadd.s32 $0xFFFFC000  }
0x37: {  	[spmem:s2] =	stream.indirect.scatter.add.f32 [tilespmem:s21], [sflag:$0x3], $0x80, s29, s19, $0xb8;
	[tilespmem:$0x1E0C0] =	vst v63  }
0x38: {  	_ =	swait.ge [sflag:s17], $0x4000  }
0x39: {  	s30 =	simm.s32 $0x800;
	s29 =	simm.s32 $0x100;
	[sflag:s17] =	ssyncset.done $0x0  }
.LBB2_2:
0x3a: {  	s31 =	sadd.s32 $0x80, s29  }
0x3b: {  	[sflag:s17] =	ssyncadd.s32 $0xFFFFC000;
	s0 =	smov.u32 s30;
	s1 =	sadd.s32 $0x400, s30  }
0x3c: {  	[tilespmem:s21], [sflag:$0x2] =	stream.indirect.gather [hbm4b:s4+s19], $0x80, s31, s19, $0xb8;
	[tilespmem:$0x1E0C0] =	vst v63  }
0x3d: {  	p1 =	sne.s32 s30, $0x4800;
	_ =	swait.ge [sflag:s22], $0x4000  }
0x3e: {  	[sflag:s22] =	ssyncset.done $0x0  }
0x3f: {  	s30 =	sadd.s32 $0x1400, s29;
	[sflag:s22] =	ssyncadd.s32 $0xFFFFC000  }
0x40: {  	[spmem:s2] =	stream.indirect.scatter.add.f32 [tilespmem:s20], [sflag:$0x3], $0x80, s30, s19, $0xb8;
	[tilespmem:$0x1E0C0] =	vst v63  }
0x41: {  	_ =	swait.ge [sflag:s17], $0x4000  }
0x42: {  	[sflag:s17] =	ssyncset.done $0x0  }
0x43: {  	s30 =	sadd.s32 $0x100, s29;
	[sflag:s17] =	ssyncadd.s32 $0xFFFFC000  }
0x44: {  	[tilespmem:s20], [sflag:$0x1] =	stream.indirect.gather [hbm4b:s4+s19], $0x80, s30, s19, $0xb8;
	[tilespmem:$0x1E0C0] =	vst v63  }
0x45: {  	_ =	swait.ge [sflag:s23], $0x4000  }
.Ltmp0:
0x46: {  	[sflag:s23] =	ssyncset.done $0x0;
	(pc) =	sbr.rel @p1 .LBB2_2-.Ltmp0, $4  }
0x47: {  	s29 =	sadd.s32 $0x1480, s29;
	[sflag:s23] =	ssyncadd.s32 $0xFFFFC000  }
0x48: {  	[spmem:s2] =	stream.indirect.scatter.add.f32 [tilespmem:s21], [sflag:$0x3], $0x80, s29, s19, $0xb8;
	[tilespmem:$0x1E0C0] =	vst v63  }
0x49: {  	_ =	swait.ge [sflag:s17], $0x4000  }
0x4a: {  	s30 =	smov.u32 s1;
	s29 =	sshra.s32 s0, $0x2;
	[sflag:s17] =	ssyncset.done $0x0  }
0x4b: {  	s0 =	sadd.s32 $0x80, s29;
	[sflag:s17] =	ssyncadd.s32 $0xFFFFC000  }
0x4c: {  	[tilespmem:s21], [sflag:$0x2] =	stream.indirect.gather [hbm4b:s4+s19], $0x80, s0, s19, $0xb8;
	[tilespmem:$0x1E0C0] =	vst v63  }
0x4d: {  	_ =	swait.ge [sflag:s22], $0x4000  }
0x4e: {  	[sflag:s22] =	ssyncset.done $0x0  }
0x4f: {  	s1 =	sadd.s32 $0x1400, s29;
	[sflag:s22] =	ssyncadd.s32 $0xFFFFC000  }
0x50: {  	[spmem:s2] =	stream.indirect.scatter.add.f32 [tilespmem:s20], [sflag:$0x3], $0x80, s1, s19, $0xb8;
	[tilespmem:$0x1E0C0] =	vst v63  }
0x51: {  	_ =	swait.ge [sflag:s17], $0x4000  }
0x52: {  	[sflag:s17] =	ssyncset.done $0x0  }
0x53: {  	s31 =	sadd.s32 $0x100, s29;
	[sflag:s17] =	ssyncadd.s32 $0xFFFFC000  }
0x54: {  	[tilespmem:s20], [sflag:$0x1] =	stream.indirect.gather [hbm4b:s4+s19], $0x80, s31, s19, $0xb8;
	[tilespmem:$0x1E0C0] =	vst v63  }
0x55: {  	_ =	swait.ge [sflag:s23], $0x4000  }
0x56: {  	[sflag:s23] =	ssyncset.done $0x0  }
0x57: {  	s1 =	sadd.s32 $0x1480, s29;
	[sflag:s23] =	ssyncadd.s32 $0xFFFFC000  }
0x58: {  	[spmem:s2] =	stream.indirect.scatter.add.f32 [tilespmem:s21], [sflag:$0x3], $0x80, s1, s19, $0xb8;
	[tilespmem:$0x1E0C0] =	vst v63  }
0x59: {  	_ =	swait.ge [sflag:s17], $0x4000  }
0x5a: {  	[sflag:s17] =	ssyncset.done $0x0  }
0x5b: {  	[sflag:s17] =	ssyncadd.s32 $0xFFFFC000  }
0x5c: {  	[tilespmem:s21], [sflag:$0x2] =	stream.indirect.gather [hbm4b:s4+s19], $0x80, s24, s19, $0xb8;
	[tilespmem:$0x1E0C0] =	vst v63  }
0x5d: {  	_ =	swait.ge [sflag:s22], $0x4000  }
0x5e: {  	[sflag:s22] =	ssyncset.done $0x0  }
0x5f: {  	[sflag:s22] =	ssyncadd.s32 $0xFFFFC000  }
0x60: {  	[spmem:s2] =	stream.indirect.scatter.add.f32 [tilespmem:s20], [sflag:$0x3], $0x80, s25, s19, $0xb8;
	[tilespmem:$0x1E0C0] =	vst v63  }
0x61: {  	_ =	swait.ge [sflag:s17], $0x4000  }
0x62: {  	[sflag:s17] =	ssyncset.done $0x0  }
0x63: {  	[sflag:s17] =	ssyncadd.s32 $0xFFFFC000  }
0x64: {  	_ =	swait.ge [sflag:s23], $0x4000  }
0x65: {  	[sflag:s23] =	ssyncset.done $0x0  }
0x66: {  	[sflag:s23] =	ssyncadd.s32 $0xFFFFC000  }
0x67: {  	[spmem:s2] =	stream.indirect.scatter.add.f32 [tilespmem:s21], [sflag:$0x3], $0x80, s26, s19, $0xb8;
	[tilespmem:$0x1E0C0] =	vst v63  }
0x68: {  	_ =	swait.ge [sflag:s17], $0x4000  }
0x69: {  	[sflag:s17] =	ssyncset.done $0x0  }
0x6a: {  	s31 =	simm.s32 $0x0;
	[sflag:s17] =	ssyncadd.s32 $0xFFFFC000  }
0x6b: {  	[tilespmem:s31], [sflag:$0x3] =	stream.linear.gather [hbm4b:s9+s31], $0x1400, $0x38;
	[tilespmem:$0x1E0C0] =	vst v63  }
0x6c: {  	_ =	swait.ge [sflag:s17], $0x1400  }
0x6d: {  	[sflag:s17] =	ssyncset.done $0x0  }
0x6e: {  	[sflag:s17] =	ssyncadd.s32 $0xFFFFEC00  }
0x6f: {  	[tilespmem:s18], [sflag:$0x3] =	stream.linear.gather [hbm4b:s10+s31], $0x1400, $0x38;
	[tilespmem:$0x1E0C0] =	vst v63  }
0x70: {  	_ =	swait.ge [sflag:s17], $0x1400  }
0x71: {  	[sflag:s17] =	ssyncset.done $0x0  }
0x72: {  	[sflag:s17] =	ssyncadd.s32 $0xFFFFEC00  }
0x73: {  	[tilespmem:s20], [sflag:$0x1] =	stream.indirect.gather [hbm4b:s4+s19], $0x80, s31, s19, $0xb8;
	[tilespmem:$0x1E0C0] =	vst v63  }
0x74: {  	s1 =	simm.s32 $0x80  }
0x75: {  	[tilespmem:s21], [sflag:$0x2] =	stream.indirect.gather [hbm4b:s4+s19], $0x80, s1, s19, $0xb8;
	[tilespmem:$0x1E0C0] =	vst v63  }
0x76: {  	_ =	swait.ge [sflag:s22], $0x4000  }
0x77: {  	[sflag:s22] =	ssyncset.done $0x0  }
0x78: {  	s31 =	simm.s32 $0x1400;
	[sflag:s22] =	ssyncadd.s32 $0xFFFFC000  }
0x79: {  	[spmem:s2] =	stream.indirect.scatter.add.f32 [tilespmem:s20], [sflag:$0x3], $0x80, s31, s19, $0xb8;
	[tilespmem:$0x1E0C0] =	vst v63  }
0x7a: {  	_ =	swait.ge [sflag:s17], $0x4000  }
0x7b: {  	[sflag:s17] =	ssyncset.done $0x0  }
0x7c: {  	s1 =	simm.s32 $0x100;
	[sflag:s17] =	ssyncadd.s32 $0xFFFFC000  }
0x7d: {  	[tilespmem:s20], [sflag:$0x1] =	stream.indirect.gather [hbm4b:s4+s19], $0x80, s1, s19, $0xb8;
	[tilespmem:$0x1E0C0] =	vst v63  }
0x7e: {  	_ =	swait.ge [sflag:s23], $0x4000  }
0x7f: {  	[sflag:s23] =	ssyncset.done $0x0  }
0x80: {  	s31 =	simm.s32 $0x1480;
	[sflag:s23] =	ssyncadd.s32 $0xFFFFC000  }
0x81: {  	[spmem:s2] =	stream.indirect.scatter.add.f32 [tilespmem:s21], [sflag:$0x3], $0x80, s31, s19, $0xb8;
	[tilespmem:$0x1E0C0] =	vst v63  }
0x82: {  	_ =	swait.ge [sflag:s17], $0x4000  }
0x83: {  	s30 =	simm.s32 $0x800;
	s29 =	simm.s32 $0x100;
	[sflag:s17] =	ssyncset.done $0x0  }
.LBB2_4:
0x84: {  	s0 =	sadd.s32 $0x80, s29  }
0x85: {  	[sflag:s17] =	ssyncadd.s32 $0xFFFFC000;
	s1 =	smov.u32 s30;
	s31 =	sadd.s32 $0x400, s30  }
0x86: {  	[tilespmem:s21], [sflag:$0x2] =	stream.indirect.gather [hbm4b:s4+s19], $0x80, s0, s19, $0xb8;
	[tilespmem:$0x1E0C0] =	vst v63  }
0x87: {  	p1 =	sne.s32 s30, $0x4800;
	_ =	swait.ge [sflag:s22], $0x4000  }
0x88: {  	[sflag:s22] =	ssyncset.done $0x0  }
0x89: {  	s0 =	sadd.s32 $0x1400, s29;
	[sflag:s22] =	ssyncadd.s32 $0xFFFFC000  }
0x8a: {  	[spmem:s2] =	stream.indirect.scatter.add.f32 [tilespmem:s20], [sflag:$0x3], $0x80, s0, s19, $0xb8;
	[tilespmem:$0x1E0C0] =	vst v63  }
0x8b: {  	_ =	swait.ge [sflag:s17], $0x4000  }
0x8c: {  	[sflag:s17] =	ssyncset.done $0x0  }
0x8d: {  	s0 =	sadd.s32 $0x100, s29;
	[sflag:s17] =	ssyncadd.s32 $0xFFFFC000  }
0x8e: {  	[tilespmem:s20], [sflag:$0x1] =	stream.indirect.gather [hbm4b:s4+s19], $0x80, s0, s19, $0xb8;
	[tilespmem:$0x1E0C0] =	vst v63  }
0x8f: {  	_ =	swait.ge [sflag:s23], $0x4000  }
.Ltmp1:
0x90: {  	[sflag:s23] =	ssyncset.done $0x0;
	(pc) =	sbr.rel @p1 .LBB2_4-.Ltmp1, $4  }
0x91: {  	s0 =	sadd.s32 $0x1480, s29;
	[sflag:s23] =	ssyncadd.s32 $0xFFFFC000  }
0x92: {  	[spmem:s2] =	stream.indirect.scatter.add.f32 [tilespmem:s21], [sflag:$0x3], $0x80, s0, s19, $0xb8;
	[tilespmem:$0x1E0C0] =	vst v63  }
0x93: {  	_ =	swait.ge [sflag:s17], $0x4000  }
0x94: {  	s30 =	smov.u32 s31;
	s29 =	sshra.s32 s1, $0x2;
	[sflag:s17] =	ssyncset.done $0x0  }
0x95: {  	s0 =	sadd.s32 $0x80, s29;
	[sflag:s17] =	ssyncadd.s32 $0xFFFFC000  }
0x96: {  	[tilespmem:s21], [sflag:$0x2] =	stream.indirect.gather [hbm4b:s4+s19], $0x80, s0, s19, $0xb8;
	[tilespmem:$0x1E0C0] =	vst v63  }
0x97: {  	_ =	swait.ge [sflag:s22], $0x4000  }
0x98: {  	[sflag:s22] =	ssyncset.done $0x0  }
0x99: {  	s1 =	sadd.s32 $0x1400, s29;
	[sflag:s22] =	ssyncadd.s32 $0xFFFFC000  }
0x9a: {  	[spmem:s2] =	stream.indirect.scatter.add.f32 [tilespmem:s20], [sflag:$0x3], $0x80, s1, s19, $0xb8;
	[tilespmem:$0x1E0C0] =	vst v63  }
0x9b: {  	_ =	swait.ge [sflag:s17], $0x4000  }
0x9c: {  	[sflag:s17] =	ssyncset.done $0x0  }
0x9d: {  	s30 =	sadd.s32 $0x100, s29;
	[sflag:s17] =	ssyncadd.s32 $0xFFFFC000  }
0x9e: {  	[tilespmem:s20], [sflag:$0x1] =	stream.indirect.gather [hbm4b:s4+s19], $0x80, s30, s19, $0xb8;
	[tilespmem:$0x1E0C0] =	vst v63  }
0x9f: {  	_ =	swait.ge [sflag:s23], $0x4000  }
0xa0: {  	[sflag:s23] =	ssyncset.done $0x0  }
0xa1: {  	s31 =	sadd.s32 $0x1480, s29;
	[sflag:s23] =	ssyncadd.s32 $0xFFFFC000  }
0xa2: {  	[spmem:s2] =	stream.indirect.scatter.add.f32 [tilespmem:s21], [sflag:$0x3], $0x80, s31, s19, $0xb8;
	[tilespmem:$0x1E0C0] =	vst v63  }
0xa3: {  	_ =	swait.ge [sflag:s17], $0x4000  }
0xa4: {  	[sflag:s17] =	ssyncset.done $0x0  }
0xa5: {  	[sflag:s17] =	ssyncadd.s32 $0xFFFFC000  }
0xa6: {  	[tilespmem:s21], [sflag:$0x2] =	stream.indirect.gather [hbm4b:s4+s19], $0x80, s24, s19, $0xb8;
	[tilespmem:$0x1E0C0] =	vst v63  }
0xa7: {  	_ =	swait.ge [sflag:s22], $0x4000  }
0xa8: {  	[sflag:s22] =	ssyncset.done $0x0  }
0xa9: {  	[sflag:s22] =	ssyncadd.s32 $0xFFFFC000  }
0xaa: {  	[spmem:s2] =	stream.indirect.scatter.add.f32 [tilespmem:s20], [sflag:$0x3], $0x80, s25, s19, $0xb8;
	[tilespmem:$0x1E0C0] =	vst v63  }
0xab: {  	_ =	swait.ge [sflag:s17], $0x4000  }
0xac: {  	[sflag:s17] =	ssyncset.done $0x0  }
0xad: {  	[sflag:s17] =	ssyncadd.s32 $0xFFFFC000  }
0xae: {  	_ =	swait.ge [sflag:s23], $0x4000  }
0xaf: {  	[sflag:s23] =	ssyncset.done $0x0  }
0xb0: {  	[sflag:s23] =	ssyncadd.s32 $0xFFFFC000  }
0xb1: {  	[spmem:s2] =	stream.indirect.scatter.add.f32 [tilespmem:s21], [sflag:$0x3], $0x80, s26, s19, $0xb8;
	[tilespmem:$0x1E0C0] =	vst v63  }
0xb2: {  	_ =	swait.ge [sflag:s17], $0x4000  }
0xb3: {  	[sflag:s17] =	ssyncset.done $0x0  }
0xb4: {  	[sflag:s17] =	ssyncadd.s32 $0xFFFFC000  }
0xb5: {  	s0 =	simm.s32 @p0 $0x1FC3;
	[bflag:$0x0] =	sbarrier.arrive $0xFFFF  }
0xb6: {  	[hbm:s12], [sflag:s0] =	dma.local @p0 [spmem:s14], $0x2100  }
0xb7: {  	s0 =	simm.s32 @p0 $0x3  }
0xb8: {  	s28 =	sadd.s32 $0x1, s28;
	_ =	swait.ge @p0 [sflag:s0], $0x2100  }
0xb9: {  	p1 =	sne.s32 s28, s13;
	[sflag:s0] =	ssyncset.done @p0 $0x0  }
.Ltmp2:
0xba: {  	[sflag:s0] =	ssyncadd.s32 @p0 $0xFFFFDF00;
	s0 =	simm.s32 @!p0 $0x3;
	(pc) =	sbr.rel @p1 .LBB2_1-.Ltmp2, $4  }
0xbb: {  	[hbm:s11], [sflag:s15] =	dma.local @!p0 [spmem:s16], $0x2780  }
0xbc: {  	_ =	swait.ge @!p0 [sflag:s0], $0x2780  }
0xbd: {  	[sflag:s0] =	ssyncset.done @!p0 $0x0  }
0xbe: {  	[sflag:s0] =	ssyncadd.s32 @!p0 $0xFFFFD880  }
0xbf: {  	_ =	sfence.sel $0x180000  }
0xc0: {  	[bflag:$0x0] =	sbarrier.arrive $0xFFFF  }
0xc1: {  	_ =	strace $0x90000050  }
0xc2: {  	s0 =	stileid.u32;
	[bflag:$0x2] =	sbarrier.arrive $0xFFFF  }
0xc3: {  	p0 =	sne.s32 s0, $0x0;
	s0 =	rddreg [dreg:$0x3]  }
0xc4: {  	s0 =	sadd.s32 @!p0 $0x100000, s0  }
0xc5: {  	[sflag:s0] =	ssyncadd.tile.s32 @!p0 $0x1;
	_ =	shalt  }
.Lfunc_end2:
_tile_overlayer_lowered:
.L_overlay_start_2:
0xc6: {  	(tag) =	ssettag $0x2  }
0xc7: {  	s0 =	rddreg [dreg:$0x0];
	s2 =	stileid.u32  }
0xc8: {  	s1 =	rddreg [dreg:$0x1];
	p0 =	sne.s32 s2, $0x0  }
0xc9: {  	s3 =	rddreg [dreg:$0x2];
	[bflag:$0x3] =	sbarrier.arrive $0xFFFF;
	s2 =	simm.s32 @!p0 $0x1C03  }
0xca: {  	[timem:s3], [sflag:s2] =	dma.local @!p0 [hbm:s0], s1  }
0xcb: {  	s0 =	simm.s32 @!p0 $0x3  }
0xcc: {  	_ =	swait.ge @!p0 [sflag:s0], s1  }
0xcd: {  	s1 =	ssub.s32 @!p0 $0x0, s1;
	[sflag:s0] =	ssyncset.done @!p0 $0x0  }
0xce: {  	[sflag:s0] =	ssyncadd.s32 @!p0 s1  }
0xcf: {  	[bflag:$0x3] =	sbarrier.arrive $0xFFFF  }
0xd0: {  	_ =	shalt  }

</sc_bundles>
